<compile_context>
chip_gen: v7x
topology: tpu7x:2x2x1
jax: 0.10.2.dev20260603
libtpu: 0.0.44.dev20260713+nightly
codegen_flags: <defaults>
</compile_context>

<pallas_src>
import functools

import jax
import jax.numpy as jnp
from jax import lax
from jax.experimental import pallas as pl
from jax.experimental.pallas import tpu as pltpu
from jax.experimental.pallas import tpu_sc as plsc

NF = 64
NB = 100
NBP = 112
BATCH = 2048
LANE = 256
NC, NS, L = 2, 16, 16
NW = NC * NS
BPW = BATCH // NW
CH = 2
NCHUNK = BPW // CH



_TC_CHUNK = 128


def _minmax_body(x_ref, mn2_ref, inv_ref, mn_ref, mx_ref):
    i = pl.program_id(0)
    blk = x_ref[...]
    bmn = jnp.min(blk, axis=(0, 2)).reshape(NF, 1)
    bmx = jnp.max(blk, axis=(0, 2)).reshape(NF, 1)

    @pl.when(i == 0)
    def _():
        mn_ref[...] = bmn
        mx_ref[...] = bmx

    @pl.when(i > 0)
    def _():
        mn_ref[...] = jnp.minimum(mn_ref[...], bmn)
        mx_ref[...] = jnp.maximum(mx_ref[...], bmx)

    @pl.when(i == pl.num_programs(0) - 1)
    def _():
        mn = mn_ref[...]
        w = (mx_ref[...] - mn) / NB
        frow = lax.broadcasted_iota(
            jnp.int32, (NF, 1), 0).astype(jnp.float32) * float(NBP)
        mn2 = mn - frow * w
        inv_ref[...] = jnp.broadcast_to(1.0 / w, (NF, L))
        mn2_ref[...] = jnp.broadcast_to(mn2, (NF, L))


def _minmax(x):
    return pl.pallas_call(
        _minmax_body,
        grid=(BATCH // _TC_CHUNK,),
        in_specs=[pl.BlockSpec((_TC_CHUNK, NF, LANE), lambda i: (i, 0, 0))],
        out_specs=[
            pl.BlockSpec((NF, L), lambda i: (0, 0)),
            pl.BlockSpec((NF, L), lambda i: (0, 0)),
        ],
        out_shape=[
            jax.ShapeDtypeStruct((NF, L), jnp.float32),
            jax.ShapeDtypeStruct((NF, L), jnp.float32),
        ],
        scratch_shapes=[
            pltpu.VMEM((NF, 1), jnp.float32),
            pltpu.VMEM((NF, 1), jnp.float32),
        ],
    )(x)



_sc_mesh = plsc.VectorSubcoreMesh(
    core_axis_name="c", subcore_axis_name="s", num_cores=NC, num_subcores=NS)


@functools.partial(
    pl.kernel,
    out_type=jax.ShapeDtypeStruct((NW, NF * NBP), jnp.int32),
    mesh=_sc_mesh,
    compiler_params=pltpu.CompilerParams(needs_layout_passes=False),
    scratch_types=[
        pltpu.VMEM((CH, NF, LANE), jnp.float32),
        pltpu.VMEM((CH, NF, LANE), jnp.float32),
        pltpu.VMEM((NF * NBP,), jnp.int32),
        pltpu.VMEM((NF, L), jnp.float32),
        pltpu.VMEM((NF, L), jnp.float32),
        pltpu.SemaphoreType.DMA,
        pltpu.SemaphoreType.DMA,
    ],
)
def _sc_hist(x_hbm, mn_hbm, inv_hbm, out_hbm,
             buf_a, buf_b, hist, mn_v, inv_v, sem_a, sem_b):
    wid = lax.axis_index("s") * NC + lax.axis_index("c")
    base = wid * BPW

    pltpu.sync_copy(mn_hbm, mn_v)
    pltpu.sync_copy(inv_hbm, inv_v)

    zeros16 = jnp.zeros((L,), jnp.int32)
    ones16 = jnp.ones((L,), jnp.int32)

    def _zero_row(r, _):
        hist[pl.ds(r * L, L)] = zeros16
        return 0

    lax.fori_loop(0, NF * NBP // L, _zero_row, 0)

    def _chunk_copy(ci, buf, sem):
        return pltpu.make_async_copy(
            x_hbm.at[pl.ds(base + ci * CH, CH)], buf, sem)

    def _process(buf):
        @plsc.parallel_loop(0, CH * NF // 2, unroll=4)
        def _row(r):
            bb = r // (NF // 2)
            f0 = r - bb * (NF // 2)
            f1 = f0 + NF // 2
            mnv0 = mn_v[f0, :]
            invv0 = inv_v[f0, :]
            mnv1 = mn_v[f1, :]
            invv1 = inv_v[f1, :]

            @plsc.parallel_loop(0, LANE, step=L, unroll=LANE // L)
            def _k(off):
                v0 = buf[bb, f0, pl.ds(off, L)]
                b0 = ((v0 - mnv0) * invv0).astype(jnp.int32)
                plsc.addupdate_scatter(hist, [b0], ones16)
                v1 = buf[bb, f1, pl.ds(off, L)]
                b1 = ((v1 - mnv1) * invv1).astype(jnp.int32)
                plsc.addupdate_scatter(hist, [b1], ones16)

    _chunk_copy(0, buf_a, sem_a).start()

    def _outer(g, _):
        c0 = 2 * g
        _chunk_copy(c0, buf_a, sem_a).wait()
        _chunk_copy(c0 + 1, buf_b, sem_b).start()
        _process(buf_a)
        _chunk_copy(c0 + 1, buf_b, sem_b).wait()

        @pl.when(c0 + 2 < NCHUNK)
        def _():
            _chunk_copy(c0 + 2, buf_a, sem_a).start()

        _process(buf_b)
        return 0

    lax.fori_loop(0, NCHUNK // 2, _outer, 0)

    pltpu.sync_copy(hist, out_hbm.at[wid])




def _fold_body(p_ref, o_ref):
    h = jnp.sum(p_ref[...], axis=0).astype(jnp.float32)
    kcol = lax.broadcasted_iota(jnp.int32, (NF, NB), 1)
    o_ref[...] = h[:, :NB] + jnp.where(kcol == NB - 1, h[:, NB:NB + 1], 0.0)


def _fold(parts):
    return pl.pallas_call(
        _fold_body,
        out_shape=jax.ShapeDtypeStruct((NF, NB), jnp.float32),
    )(parts)


def kernel(x):
    mn2_sp, inv_sp = _minmax(x)
    parts = _sc_hist(x, mn2_sp, inv_sp)
    return _fold(parts.reshape(NW, NF, NBP))

# --- scband reference (transcript-rebuilt; emitter-appended) ---
"""Pipeline reference for scband-input-layer-81535659147351 (READ-ONLY COPY).

The authoritative reference and input builder live on the scoring server;
editing this copy changes nothing except your own understanding.
"""

import jax, jax.numpy as jnp
import numpy as np

N_FEATURES = 64
N_BINS = 100


def setup_inputs(seed: int = 0) -> dict:
    key = jax.random.key(seed)
    x = jax.random.normal(key, (2048, N_FEATURES, 256), dtype=jnp.float32)
    return {"x": x}


def reference(x):
    # Faithful translation of InputLayer.forward in the histogram-recording
    # phase (initialized=True, finalized=False). The torch module:
    #   1. (first epoch) records per-feature min/max over all non-feature dims
    #   2. builds per-feature bin edges: linspace(min_f, max_f, n_bins + 1)
    #   3. transposes the feature dim (dim 1) to last, and for each feature
    #      accumulates a histogram of that feature's values into hists[f].
    # Here the min/max recording and histogram accumulation are fused over the
    # same data, which is equivalent for a single pass.

    # torch.transpose(x, 1, -1): move feature dim to last
    x_t = jnp.swapaxes(x, 1, -1)                      # [B, L, F]
    flat = x_t.reshape(-1, N_FEATURES)                # [N, F]

    # Per-feature min/max (epoch-1 statistics). No NaNs in generated data, so
    # the NaN mask of MaskedTensor is all-False and plain min/max is faithful.
    mn = jnp.min(flat, axis=0)                        # [F]
    mx = jnp.max(flat, axis=0)                        # [F]

    # Bin edges are linspace(mn, mx, N_BINS+1) -> uniform width; histogram of
    # in-range values is equivalent to floor((v - mn) / width) clipped to the
    # last bin (torch.histogram puts v == max into the final bin).
    width = (mx - mn) / N_BINS                        # [F]
    idx = jnp.floor((flat - mn[None, :]) / width[None, :]).astype(jnp.int32)
    idx = jnp.clip(idx, 0, N_BINS - 1)                # [N, F]

    def per_feature_hist(feat_idx):
        # scatter-add of ones -> histogram counts (SparseCore-friendly)
        return jnp.zeros((N_BINS,), dtype=jnp.float32).at[feat_idx].add(1.0)

    hists = jax.vmap(per_feature_hist, in_axes=1, out_axes=0)(idx)  # [F, N_BINS]
    return hists

if __name__ == "__main__":
    import jax
    _d = setup_inputs()
    print(jax.jit(kernel)(*tuple(_d.values())))

</pallas_src>

<mosaic_0001>
#map = affine_map<(d0, d1) -> (0, 0, 0)>
#map1 = affine_map<(d0, d1) -> (0, 0)>
module attributes {stable_mosaic.version = 14 : i64} {
  func.func @_sc_hist(%arg0: i32, %arg1: i32, %arg2: memref<2048x64x256xf32, #tpu.memory_space<hbm>>, %arg3: memref<64x16xf32, #tpu.memory_space<hbm>>, %arg4: memref<64x16xf32, #tpu.memory_space<hbm>>, %arg5: memref<32x7168xi32, #tpu.memory_space<hbm>>, %arg6: memref<2x64x256xf32, #tpu.memory_space<vmem>>, %arg7: memref<2x64x256xf32, #tpu.memory_space<vmem>>, %arg8: memref<7168xi32, #tpu.memory_space<vmem>>, %arg9: memref<64x16xf32, #tpu.memory_space<vmem>>, %arg10: memref<64x16xf32, #tpu.memory_space<vmem>>, %arg11: memref<!tpu.dma_semaphore, #tpu.memory_space<semaphore_mem>>, %arg12: memref<!tpu.dma_semaphore, #tpu.memory_space<semaphore_mem>>) attributes {dimension_semantics = [#tpu.dimension_semantics<core_parallel>, #tpu.dimension_semantics<subcore_parallel>], iteration_bounds = array<i64: 2, 16>, scalar_prefetch = 0 : i64, scratch_operands = 7 : i64, tpu.core_type = #tpu.core_type<sc_vector_subcore>, window_params = [{transform_indices = #map}, {transform_indices = #map1}, {transform_indices = #map1}, {transform_indices = #map1}]} {
    %mul3A = arith.constant 2 : i32
    %mul3A_0 = arith.muli %arg1, %mul3A : i32
    %add3A = arith.addi %mul3A_0, %arg0 : i32
    %mul3A_1 = arith.constant 64 : i32
    %mul3A_2 = arith.muli %add3A, %mul3A_1 : i32
    "tpu.region"() ({
      %run_scoped3A = tpu.sem_alloc : memref<!tpu.dma_semaphore, #tpu.memory_space<semaphore_mem>>
      tpu.enqueue_dma source(%arg3 : memref<64x16xf32, #tpu.memory_space<hbm>>) target(%arg9 : memref<64x16xf32, #tpu.memory_space<vmem>>) target_semaphore(%run_scoped3A : memref<!tpu.dma_semaphore, #tpu.memory_space<semaphore_mem>>)
      tpu.wait_dma2 semaphore(%run_scoped3A : memref<!tpu.dma_semaphore, #tpu.memory_space<semaphore_mem>>) src(%arg3 : memref<64x16xf32, #tpu.memory_space<hbm>>) dst(%arg9 : memref<64x16xf32, #tpu.memory_space<vmem>>)
      tpu.yield
    }) : () -> ()
    "tpu.region"() ({
      %run_scoped3A = tpu.sem_alloc : memref<!tpu.dma_semaphore, #tpu.memory_space<semaphore_mem>>
      tpu.enqueue_dma source(%arg4 : memref<64x16xf32, #tpu.memory_space<hbm>>) target(%arg10 : memref<64x16xf32, #tpu.memory_space<vmem>>) target_semaphore(%run_scoped3A : memref<!tpu.dma_semaphore, #tpu.memory_space<semaphore_mem>>)
      tpu.wait_dma2 semaphore(%run_scoped3A : memref<!tpu.dma_semaphore, #tpu.memory_space<semaphore_mem>>) src(%arg4 : memref<64x16xf32, #tpu.memory_space<hbm>>) dst(%arg10 : memref<64x16xf32, #tpu.memory_space<vmem>>)
      tpu.yield
    }) : () -> ()
    %broadcast_in_dim3A = arith.constant 0 : i32
    %broadcast_in_dim3A_3 = vector.broadcast %broadcast_in_dim3A : i32 to vector<16xi32>
    %broadcast_in_dim3A_4 = arith.constant 1 : i32
    %broadcast_in_dim3A_5 = vector.broadcast %broadcast_in_dim3A_4 : i32 to vector<16xi32>
    %scan3A = arith.constant 0 : i32
    %scan3A_6 = arith.constant 0 : i32
    %scan3A_7 = arith.constant 448 : i32
    %scan3A_8 = arith.addi %scan3A_6, %scan3A_7 : i32
    %scan3A_9 = arith.constant 1 : i32
    %scan3A_10 = scf.for %scan3A_26 = %scan3A_6 to %scan3A_8 step %scan3A_9 iter_args(%scan3A_27 = %scan3A) -> (i32)  : i32 {
      %mul3A_28 = arith.constant 16 : i32
      %mul3A_29 = arith.muli %scan3A_26, %mul3A_28 : i32
      %swap3A = arith.index_cast %mul3A_29 : i32 to index
      %swap3A_30 = tpu.vector_load %arg8[%swap3A] {strides = array<i32>} : memref<7168xi32, #tpu.memory_space<vmem>>, vector<16xi32>,
      tpu.vector_store %arg8[%swap3A], %broadcast_in_dim3A_3 {strides = array<i32>} : memref<7168xi32, #tpu.memory_space<vmem>>, vector<16xi32>,
      %scan3A_31 = arith.constant 0 : i32
      scf.yield %scan3A_31 : i32
    }
    %scan3A_11 = arith.constant 448 : i32
    %add3A_12 = arith.constant 0 : i32
    %add3A_13 = arith.addi %mul3A_2, %add3A_12 : i32
    %dma_start3A = arith.constant 0 : i32
    %dma_start3A_14 = arith.constant 0 : i32
    %dma_start3A_15 = tpu.memref_slice %arg2[%add3A_13, %dma_start3A, %dma_start3A_14] : memref<2048x64x256xf32, #tpu.memory_space<hbm>> -> memref<2x64x256xf32, #tpu.memory_space<hbm>>
    %dma_start3A_16 = arith.constant 0 : i32
    %dma_start3A_17 = arith.constant 0 : i32
    %dma_start3A_18 = tpu.memref_slice %arg2[%add3A_13, %dma_start3A_16, %dma_start3A_17] : memref<2048x64x256xf32, #tpu.memory_space<hbm>> -> memref<2x64x256xf32, #tpu.memory_space<hbm>>
    tpu.enqueue_dma source(%dma_start3A_18 : memref<2x64x256xf32, #tpu.memory_space<hbm>>) target(%arg6 : memref<2x64x256xf32, #tpu.memory_space<vmem>>) target_semaphore(%arg11 : memref<!tpu.dma_semaphore, #tpu.memory_space<semaphore_mem>>)
    %scan3A_19 = arith.constant 0 : i32
    %scan3A_20 = arith.constant 0 : i32
    %scan3A_21 = arith.constant 16 : i32
    %scan3A_22 = arith.addi %scan3A_20, %scan3A_21 : i32
    %scan3A_23 = arith.constant 1 : i32
    %scan3A_24 = scf.for %scan3A_26 = %scan3A_20 to %scan3A_22 step %scan3A_23 iter_args(%scan3A_27 = %scan3A_19) -> (i32)  : i32 {
      %mul3A_28 = arith.constant 2 : i32
      %mul3A_29 = arith.muli %mul3A_28, %scan3A_26 : i32
      %mul3A_30 = arith.constant 2 : i32
      %mul3A_31 = arith.muli %mul3A_29, %mul3A_30 : i32
      %add3A_32 = arith.addi %mul3A_2, %mul3A_31 : i32
      %dma_wait3A = arith.constant 0 : i32
      %dma_wait3A_33 = arith.constant 0 : i32
      %dma_wait3A_34 = tpu.memref_slice %arg2[%add3A_32, %dma_wait3A, %dma_wait3A_33] : memref<2048x64x256xf32, #tpu.memory_space<hbm>> -> memref<2x64x256xf32, #tpu.memory_space<hbm>>
      %dma_wait3A_35 = arith.constant 0 : i32
      %dma_wait3A_36 = arith.constant 0 : i32
      %dma_wait3A_37 = tpu.memref_slice %arg2[%add3A_32, %dma_wait3A_35, %dma_wait3A_36] : memref<2048x64x256xf32, #tpu.memory_space<hbm>> -> memref<2x64x256xf32, #tpu.memory_space<hbm>>
      tpu.wait_dma2 semaphore(%arg11 : memref<!tpu.dma_semaphore, #tpu.memory_space<semaphore_mem>>) src(%dma_wait3A_37 : memref<2x64x256xf32, #tpu.memory_space<hbm>>) dst(%arg6 : memref<2x64x256xf32, #tpu.memory_space<vmem>>)
      %add3A_38 = arith.constant 1 : i32
      %add3A_39 = arith.addi %mul3A_29, %add3A_38 : i32
      %mul3A_40 = arith.constant 2 : i32
      %mul3A_41 = arith.muli %add3A_39, %mul3A_40 : i32
      %add3A_42 = arith.addi %mul3A_2, %mul3A_41 : i32
      %dma_start3A_43 = arith.constant 0 : i32
      %dma_start3A_44 = arith.constant 0 : i32
      %dma_start3A_45 = tpu.memref_slice %arg2[%add3A_42, %dma_start3A_43, %dma_start3A_44] : memref<2048x64x256xf32, #tpu.memory_space<hbm>> -> memref<2x64x256xf32, #tpu.memory_space<hbm>>
      %dma_start3A_46 = arith.constant 0 : i32
      %dma_start3A_47 = arith.constant 0 : i32
      %dma_start3A_48 = tpu.memref_slice %arg2[%add3A_42, %dma_start3A_46, %dma_start3A_47] : memref<2048x64x256xf32, #tpu.memory_space<hbm>> -> memref<2x64x256xf32, #tpu.memory_space<hbm>>
      tpu.enqueue_dma source(%dma_start3A_48 : memref<2x64x256xf32, #tpu.memory_space<hbm>>) target(%arg7 : memref<2x64x256xf32, #tpu.memory_space<vmem>>) target_semaphore(%arg12 : memref<!tpu.dma_semaphore, #tpu.memory_space<semaphore_mem>>)
      %parallel_loop3A = arith.constant 0 : i32
      %parallel_loop3A_49 = arith.constant 64 : i32
      %parallel_loop3A_50 = arith.constant 1 : i32
      scf.for %parallel_loop3A_70 = %parallel_loop3A to %parallel_loop3A_49 step %parallel_loop3A_50  : i32 {
        %parallel_loop3A_71 = arith.constant 32 : i32
        %parallel_loop3A_72 = arith.divsi %parallel_loop3A_70, %parallel_loop3A_71 : i32
        %parallel_loop3A_73 = arith.constant 0 : i32
        %parallel_loop3A_74 = arith.cmpi sgt, %parallel_loop3A_70, %parallel_loop3A_73 : i32
        %parallel_loop3A_75 = arith.extui %parallel_loop3A_74 : i1 to i32
        %parallel_loop3A_76 = arith.constant 0 : i32
        %parallel_loop3A_77 = arith.cmpi slt, %parallel_loop3A_70, %parallel_loop3A_76 : i32
        %parallel_loop3A_78 = arith.extui %parallel_loop3A_77 : i1 to i32
        %parallel_loop3A_79 = arith.subi %parallel_loop3A_75, %parallel_loop3A_78 : i32
        %parallel_loop3A_80 = arith.constant 0 : i32
        %parallel_loop3A_81 = arith.cmpi sgt, %parallel_loop3A_71, %parallel_loop3A_80 : i32
        %parallel_loop3A_82 = arith.extui %parallel_loop3A_81 : i1 to i32
        %parallel_loop3A_83 = arith.constant 0 : i32
        %parallel_loop3A_84 = arith.cmpi slt, %parallel_loop3A_71, %parallel_loop3A_83 : i32
        %parallel_loop3A_85 = arith.extui %parallel_loop3A_84 : i1 to i32
        %parallel_loop3A_86 = arith.subi %parallel_loop3A_82, %parallel_loop3A_85 : i32
        %parallel_loop3A_87 = arith.cmpi ne, %parallel_loop3A_79, %parallel_loop3A_86 : i32
        %parallel_loop3A_88 = arith.remsi %parallel_loop3A_70, %parallel_loop3A_71 : i32
        %parallel_loop3A_89 = arith.constant 0 : i32
        %parallel_loop3A_90 = arith.cmpi ne, %parallel_loop3A_88, %parallel_loop3A_89 : i32
        %parallel_loop3A_91 = arith.andi %parallel_loop3A_87, %parallel_loop3A_90 : i1
        %parallel_loop3A_92 = arith.constant 1 : i32
        %parallel_loop3A_93 = arith.subi %parallel_loop3A_72, %parallel_loop3A_92 : i32
        %parallel_loop3A_94 = arith.select %parallel_loop3A_91, %parallel_loop3A_93, %parallel_loop3A_72 : i32
        %parallel_loop3A_95 = arith.constant 32 : i32
        %parallel_loop3A_96 = arith.muli %parallel_loop3A_94, %parallel_loop3A_95 : i32
        %parallel_loop3A_97 = arith.subi %parallel_loop3A_70, %parallel_loop3A_96 : i32
        %parallel_loop3A_98 = arith.constant 32 : i32
        %parallel_loop3A_99 = arith.addi %parallel_loop3A_97, %parallel_loop3A_98 : i32
        %parallel_loop3A_100 = arith.index_cast %parallel_loop3A_97 : i32 to index
        %parallel_loop3A_101 = arith.constant 0 : index
        %parallel_loop3A_102 = tpu.vector_load %arg9[%parallel_loop3A_100, %parallel_loop3A_101] {strides = array<i32>} : memref<64x16xf32, #tpu.memory_space<vmem>>, vector<16xf32>,
        %parallel_loop3A_103 = arith.index_cast %parallel_loop3A_97 : i32 to index
        %parallel_loop3A_104 = arith.constant 0 : index
        %parallel_loop3A_105 = tpu.vector_load %arg10[%parallel_loop3A_103, %parallel_loop3A_104] {strides = array<i32>} : memref<64x16xf32, #tpu.memory_space<vmem>>, vector<16xf32>,
        %parallel_loop3A_106 = arith.index_cast %parallel_loop3A_99 : i32 to index
        %parallel_loop3A_107 = arith.constant 0 : index
        %parallel_loop3A_108 = tpu.vector_load %arg9[%parallel_loop3A_106, %parallel_loop3A_107] {strides = array<i32>} : memref<64x16xf32, #tpu.memory_space<vmem>>, vector<16xf32>,
        %parallel_loop3A_109 = arith.index_cast %parallel_loop3A_99 : i32 to index
        %parallel_loop3A_110 = arith.constant 0 : index
        %parallel_loop3A_111 = tpu.vector_load %arg10[%parallel_loop3A_109, %parallel_loop3A_110] {strides = array<i32>} : memref<64x16xf32, #tpu.memory_space<vmem>>, vector<16xf32>,
        %parallel_loop3A_112 = arith.constant 0 : i32
        %parallel_loop3A_113 = arith.constant 256 : i32
        %parallel_loop3A_114 = arith.constant 16 : i32
        scf.for %parallel_loop3A_115 = %parallel_loop3A_112 to %parallel_loop3A_113 step %parallel_loop3A_114  : i32 {
          %parallel_loop3A_116 = arith.index_cast %parallel_loop3A_94 : i32 to index
          %parallel_loop3A_117 = arith.index_cast %parallel_loop3A_97 : i32 to index
          %parallel_loop3A_118 = arith.index_cast %parallel_loop3A_115 : i32 to index
          %parallel_loop3A_119 = tpu.vector_load %arg6[%parallel_loop3A_116, %parallel_loop3A_117, %parallel_loop3A_118] {strides = array<i32>} : memref<2x64x256xf32, #tpu.memory_space<vmem>>, vector<16xf32>,
          %parallel_loop3A_120 = arith.subf %parallel_loop3A_119, %parallel_loop3A_102 : vector<16xf32>
          %parallel_loop3A_121 = arith.mulf %parallel_loop3A_120, %parallel_loop3A_105 : vector<16xf32>
          %parallel_loop3A_122 = arith.fptosi %parallel_loop3A_121 : vector<16xf32> to vector<16xi32>
          tpu.vector_store_idx %arg8[%parallel_loop3A_122], %broadcast_in_dim3A_5 {add = true} : memref<7168xi32, #tpu.memory_space<vmem>>[vector<16xi32>], vector<16xi32>,
          %parallel_loop3A_123 = arith.index_cast %parallel_loop3A_94 : i32 to index
          %parallel_loop3A_124 = arith.index_cast %parallel_loop3A_99 : i32 to index
          %parallel_loop3A_125 = arith.index_cast %parallel_loop3A_115 : i32 to index
          %parallel_loop3A_126 = tpu.vector_load %arg6[%parallel_loop3A_123, %parallel_loop3A_124, %parallel_loop3A_125] {strides = array<i32>} : memref<2x64x256xf32, #tpu.memory_space<vmem>>, vector<16xf32>,
          %parallel_loop3A_127 = arith.subf %parallel_loop3A_126, %parallel_loop3A_108 : vector<16xf32>
          %parallel_loop3A_128 = arith.mulf %parallel_loop3A_127, %parallel_loop3A_111 : vector<16xf32>
          %parallel_loop3A_129 = arith.fptosi %parallel_loop3A_128 : vector<16xf32> to vector<16xi32>
          tpu.vector_store_idx %arg8[%parallel_loop3A_129], %broadcast_in_dim3A_5 {add = true} : memref<7168xi32, #tpu.memory_space<vmem>>[vector<16xi32>], vector<16xi32>,
        } {sc.loop_unroll_factor = 16 : i64, sc.parallel_access}
      } {sc.loop_unroll_factor = 4 : i64, sc.parallel_access}
      %add3A_51 = arith.constant 1 : i32
      %add3A_52 = arith.addi %mul3A_29, %add3A_51 : i32
      %mul3A_53 = arith.constant 2 : i32
      %mul3A_54 = arith.muli %add3A_52, %mul3A_53 : i32
      %add3A_55 = arith.addi %mul3A_2, %mul3A_54 : i32
      %dma_wait3A_56 = arith.constant 0 : i32
      %dma_wait3A_57 = arith.constant 0 : i32
      %dma_wait3A_58 = tpu.memref_slice %arg2[%add3A_55, %dma_wait3A_56, %dma_wait3A_57] : memref<2048x64x256xf32, #tpu.memory_space<hbm>> -> memref<2x64x256xf32, #tpu.memory_space<hbm>>
      %dma_wait3A_59 = arith.constant 0 : i32
      %dma_wait3A_60 = arith.constant 0 : i32
      %dma_wait3A_61 = tpu.memref_slice %arg2[%add3A_55, %dma_wait3A_59, %dma_wait3A_60] : memref<2048x64x256xf32, #tpu.memory_space<hbm>> -> memref<2x64x256xf32, #tpu.memory_space<hbm>>
      tpu.wait_dma2 semaphore(%arg12 : memref<!tpu.dma_semaphore, #tpu.memory_space<semaphore_mem>>) src(%dma_wait3A_61 : memref<2x64x256xf32, #tpu.memory_space<hbm>>) dst(%arg7 : memref<2x64x256xf32, #tpu.memory_space<vmem>>)
      %add3A_62 = arith.constant 2 : i32
      %add3A_63 = arith.addi %mul3A_29, %add3A_62 : i32
      %lt3A = arith.constant 32 : i32
      %lt3A_64 = arith.cmpi slt, %add3A_63, %lt3A : i32
      %convert_element_type3A = arith.extui %lt3A_64 : i1 to i32
      %cond3A = arith.constant 0 : i32
      %cond3A_65 = arith.cmpi ne, %convert_element_type3A, %cond3A : i32
      scf.if %cond3A_65 {
        %add3A_70 = arith.constant 2 : i32
        %add3A_71 = arith.addi %mul3A_29, %add3A_70 : i32
        %mul3A_72 = arith.constant 2 : i32
        %mul3A_73 = arith.muli %add3A_71, %mul3A_72 : i32
        %add3A_74 = arith.addi %mul3A_2, %mul3A_73 : i32
        %dma_start3A_75 = arith.constant 0 : i32
        %dma_start3A_76 = arith.constant 0 : i32
        %dma_start3A_77 = tpu.memref_slice %arg2[%add3A_74, %dma_start3A_75, %dma_start3A_76] : memref<2048x64x256xf32, #tpu.memory_space<hbm>> -> memref<2x64x256xf32, #tpu.memory_space<hbm>>
        %dma_start3A_78 = arith.constant 0 : i32
        %dma_start3A_79 = arith.constant 0 : i32
        %dma_start3A_80 = tpu.memref_slice %arg2[%add3A_74, %dma_start3A_78, %dma_start3A_79] : memref<2048x64x256xf32, #tpu.memory_space<hbm>> -> memref<2x64x256xf32, #tpu.memory_space<hbm>>
        tpu.enqueue_dma source(%dma_start3A_80 : memref<2x64x256xf32, #tpu.memory_space<hbm>>) target(%arg6 : memref<2x64x256xf32, #tpu.memory_space<vmem>>) target_semaphore(%arg11 : memref<!tpu.dma_semaphore, #tpu.memory_space<semaphore_mem>>)
      } else {
      }
      %parallel_loop3A_66 = arith.constant 0 : i32
      %parallel_loop3A_67 = arith.constant 64 : i32
      %parallel_loop3A_68 = arith.constant 1 : i32
      scf.for %parallel_loop3A_70 = %parallel_loop3A_66 to %parallel_loop3A_67 step %parallel_loop3A_68  : i32 {
        %parallel_loop3A_71 = arith.constant 32 : i32
        %parallel_loop3A_72 = arith.divsi %parallel_loop3A_70, %parallel_loop3A_71 : i32
        %parallel_loop3A_73 = arith.constant 0 : i32
        %parallel_loop3A_74 = arith.cmpi sgt, %parallel_loop3A_70, %parallel_loop3A_73 : i32
        %parallel_loop3A_75 = arith.extui %parallel_loop3A_74 : i1 to i32
        %parallel_loop3A_76 = arith.constant 0 : i32
        %parallel_loop3A_77 = arith.cmpi slt, %parallel_loop3A_70, %parallel_loop3A_76 : i32
        %parallel_loop3A_78 = arith.extui %parallel_loop3A_77 : i1 to i32
        %parallel_loop3A_79 = arith.subi %parallel_loop3A_75, %parallel_loop3A_78 : i32
        %parallel_loop3A_80 = arith.constant 0 : i32
        %parallel_loop3A_81 = arith.cmpi sgt, %parallel_loop3A_71, %parallel_loop3A_80 : i32
        %parallel_loop3A_82 = arith.extui %parallel_loop3A_81 : i1 to i32
        %parallel_loop3A_83 = arith.constant 0 : i32
        %parallel_loop3A_84 = arith.cmpi slt, %parallel_loop3A_71, %parallel_loop3A_83 : i32
        %parallel_loop3A_85 = arith.extui %parallel_loop3A_84 : i1 to i32
        %parallel_loop3A_86 = arith.subi %parallel_loop3A_82, %parallel_loop3A_85 : i32
        %parallel_loop3A_87 = arith.cmpi ne, %parallel_loop3A_79, %parallel_loop3A_86 : i32
        %parallel_loop3A_88 = arith.remsi %parallel_loop3A_70, %parallel_loop3A_71 : i32
        %parallel_loop3A_89 = arith.constant 0 : i32
        %parallel_loop3A_90 = arith.cmpi ne, %parallel_loop3A_88, %parallel_loop3A_89 : i32
        %parallel_loop3A_91 = arith.andi %parallel_loop3A_87, %parallel_loop3A_90 : i1
        %parallel_loop3A_92 = arith.constant 1 : i32
        %parallel_loop3A_93 = arith.subi %parallel_loop3A_72, %parallel_loop3A_92 : i32
        %parallel_loop3A_94 = arith.select %parallel_loop3A_91, %parallel_loop3A_93, %parallel_loop3A_72 : i32
        %parallel_loop3A_95 = arith.constant 32 : i32
        %parallel_loop3A_96 = arith.muli %parallel_loop3A_94, %parallel_loop3A_95 : i32
        %parallel_loop3A_97 = arith.subi %parallel_loop3A_70, %parallel_loop3A_96 : i32
        %parallel_loop3A_98 = arith.constant 32 : i32
        %parallel_loop3A_99 = arith.addi %parallel_loop3A_97, %parallel_loop3A_98 : i32
        %parallel_loop3A_100 = arith.index_cast %parallel_loop3A_97 : i32 to index
        %parallel_loop3A_101 = arith.constant 0 : index
        %parallel_loop3A_102 = tpu.vector_load %arg9[%parallel_loop3A_100, %parallel_loop3A_101] {strides = array<i32>} : memref<64x16xf32, #tpu.memory_space<vmem>>, vector<16xf32>,
        %parallel_loop3A_103 = arith.index_cast %parallel_loop3A_97 : i32 to index
        %parallel_loop3A_104 = arith.constant 0 : index
        %parallel_loop3A_105 = tpu.vector_load %arg10[%parallel_loop3A_103, %parallel_loop3A_104] {strides = array<i32>} : memref<64x16xf32, #tpu.memory_space<vmem>>, vector<16xf32>,
        %parallel_loop3A_106 = arith.index_cast %parallel_loop3A_99 : i32 to index
        %parallel_loop3A_107 = arith.constant 0 : index
        %parallel_loop3A_108 = tpu.vector_load %arg9[%parallel_loop3A_106, %parallel_loop3A_107] {strides = array<i32>} : memref<64x16xf32, #tpu.memory_space<vmem>>, vector<16xf32>,
        %parallel_loop3A_109 = arith.index_cast %parallel_loop3A_99 : i32 to index
        %parallel_loop3A_110 = arith.constant 0 : index
        %parallel_loop3A_111 = tpu.vector_load %arg10[%parallel_loop3A_109, %parallel_loop3A_110] {strides = array<i32>} : memref<64x16xf32, #tpu.memory_space<vmem>>, vector<16xf32>,
        %parallel_loop3A_112 = arith.constant 0 : i32
        %parallel_loop3A_113 = arith.constant 256 : i32
        %parallel_loop3A_114 = arith.constant 16 : i32
        scf.for %parallel_loop3A_115 = %parallel_loop3A_112 to %parallel_loop3A_113 step %parallel_loop3A_114  : i32 {
          %parallel_loop3A_116 = arith.index_cast %parallel_loop3A_94 : i32 to index
          %parallel_loop3A_117 = arith.index_cast %parallel_loop3A_97 : i32 to index
          %parallel_loop3A_118 = arith.index_cast %parallel_loop3A_115 : i32 to index
          %parallel_loop3A_119 = tpu.vector_load %arg7[%parallel_loop3A_116, %parallel_loop3A_117, %parallel_loop3A_118] {strides = array<i32>} : memref<2x64x256xf32, #tpu.memory_space<vmem>>, vector<16xf32>,
          %parallel_loop3A_120 = arith.subf %parallel_loop3A_119, %parallel_loop3A_102 : vector<16xf32>
          %parallel_loop3A_121 = arith.mulf %parallel_loop3A_120, %parallel_loop3A_105 : vector<16xf32>
          %parallel_loop3A_122 = arith.fptosi %parallel_loop3A_121 : vector<16xf32> to vector<16xi32>
          tpu.vector_store_idx %arg8[%parallel_loop3A_122], %broadcast_in_dim3A_5 {add = true} : memref<7168xi32, #tpu.memory_space<vmem>>[vector<16xi32>], vector<16xi32>,
          %parallel_loop3A_123 = arith.index_cast %parallel_loop3A_94 : i32 to index
          %parallel_loop3A_124 = arith.index_cast %parallel_loop3A_99 : i32 to index
          %parallel_loop3A_125 = arith.index_cast %parallel_loop3A_115 : i32 to index
          %parallel_loop3A_126 = tpu.vector_load %arg7[%parallel_loop3A_123, %parallel_loop3A_124, %parallel_loop3A_125] {strides = array<i32>} : memref<2x64x256xf32, #tpu.memory_space<vmem>>, vector<16xf32>,
          %parallel_loop3A_127 = arith.subf %parallel_loop3A_126, %parallel_loop3A_108 : vector<16xf32>
          %parallel_loop3A_128 = arith.mulf %parallel_loop3A_127, %parallel_loop3A_111 : vector<16xf32>
          %parallel_loop3A_129 = arith.fptosi %parallel_loop3A_128 : vector<16xf32> to vector<16xi32>
          tpu.vector_store_idx %arg8[%parallel_loop3A_129], %broadcast_in_dim3A_5 {add = true} : memref<7168xi32, #tpu.memory_space<vmem>>[vector<16xi32>], vector<16xi32>,
        } {sc.loop_unroll_factor = 16 : i64, sc.parallel_access}
      } {sc.loop_unroll_factor = 4 : i64, sc.parallel_access}
      %scan3A_69 = arith.constant 0 : i32
      scf.yield %scan3A_69 : i32
    }
    %scan3A_25 = arith.constant 16 : i32
    "tpu.region"() ({
      %run_scoped3A = tpu.sem_alloc : memref<!tpu.dma_semaphore, #tpu.memory_space<semaphore_mem>>
      %dma_start3A_26 = arith.constant 0 : i32
      %dma_start3A_27 = tpu.memref_slice %arg5[%add3A, %dma_start3A_26] : memref<32x7168xi32, #tpu.memory_space<hbm>> -> memref<1x7168xi32, #tpu.memory_space<hbm>>
      %dma_start3A_28 = tpu.memref_squeeze %dma_start3A_27 : memref<1x7168xi32, #tpu.memory_space<hbm>> -> memref<7168xi32, #tpu.memory_space<hbm>>
      %dma_start3A_29 = arith.constant 0 : i32
      %dma_start3A_30 = tpu.memref_slice %arg5[%add3A, %dma_start3A_29] : memref<32x7168xi32, #tpu.memory_space<hbm>> -> memref<1x7168xi32, #tpu.memory_space<hbm>>
      %dma_start3A_31 = tpu.memref_squeeze %dma_start3A_30 : memref<1x7168xi32, #tpu.memory_space<hbm>> -> memref<7168xi32, #tpu.memory_space<hbm>>
      tpu.enqueue_dma source(%arg8 : memref<7168xi32, #tpu.memory_space<vmem>>) target(%dma_start3A_31 : memref<7168xi32, #tpu.memory_space<hbm>>) target_semaphore(%run_scoped3A : memref<!tpu.dma_semaphore, #tpu.memory_space<semaphore_mem>>)
      %dma_wait3A = arith.constant 0 : i32
      %dma_wait3A_32 = tpu.memref_slice %arg5[%add3A, %dma_wait3A] : memref<32x7168xi32, #tpu.memory_space<hbm>> -> memref<1x7168xi32, #tpu.memory_space<hbm>>
      %dma_wait3A_33 = tpu.memref_squeeze %dma_wait3A_32 : memref<1x7168xi32, #tpu.memory_space<hbm>> -> memref<7168xi32, #tpu.memory_space<hbm>>
      %dma_wait3A_34 = arith.constant 0 : i32
      %dma_wait3A_35 = tpu.memref_slice %arg5[%add3A, %dma_wait3A_34] : memref<32x7168xi32, #tpu.memory_space<hbm>> -> memref<1x7168xi32, #tpu.memory_space<hbm>>
      %dma_wait3A_36 = tpu.memref_squeeze %dma_wait3A_35 : memref<1x7168xi32, #tpu.memory_space<hbm>> -> memref<7168xi32, #tpu.memory_space<hbm>>
      tpu.wait_dma2 semaphore(%run_scoped3A : memref<!tpu.dma_semaphore, #tpu.memory_space<semaphore_mem>>) src(%arg8 : memref<7168xi32, #tpu.memory_space<vmem>>) dst(%dma_wait3A_36 : memref<7168xi32, #tpu.memory_space<hbm>>)
      tpu.yield
    }) : () -> ()
    return
  }
}

module attributes {stable_mosaic.version = 14 : i64} {
  func.func @_fold_body(%arg0: memref<32x64x112xi32, #tpu.memory_space<vmem>>, %arg1: memref<64x100xf32, #tpu.memory_space<vmem>>) attributes {dimension_semantics = [], scalar_prefetch = 0 : i64, scratch_operands = 0 : i64, tpu.core_type = #tpu.core_type<tc>} {
    %get3A = arith.constant 0 : index
    %get3A_0 = arith.constant 0 : index
    %get3A_1 = arith.constant 0 : index
    %get3A_2 = vector.load %arg0[%get3A, %get3A_0, %get3A_1] : memref<32x64x112xi32, #tpu.memory_space<vmem>>, vector<32x64x112xi32>
    %reduce_sum3A = arith.constant dense<0> : vector<64x112xi32>
    %reduce_sum3A_3 = vector.multi_reduction <add>, %get3A_2, %reduce_sum3A [0] : vector<32x64x112xi32> to vector<64x112xi32>
    %convert_element_type3A = arith.sitofp %reduce_sum3A_3 : vector<64x112xi32> to vector<64x112xf32>
    %iota3A = tpu.iota {dimensions = array<i32: 1>} : vector<64x100xi32>
    %slice3A = vector.extract_strided_slice %convert_element_type3A {offsets = [0, 0], sizes = [64, 100], strides = [1, 1]} : vector<64x112xf32> to vector<64x100xf32>
    %eq3A = arith.constant 99 : i32
    %eq3A_4 = vector.broadcast %eq3A : i32 to vector<64x100xi32>
    %eq3A_5 = arith.cmpi eq, %iota3A, %eq3A_4 : vector<64x100xi32>
    %slice3A_6 = vector.extract_strided_slice %convert_element_type3A {offsets = [0, 100], sizes = [64, 1], strides = [1, 1]} : vector<64x112xf32> to vector<64x1xf32>
    %jit3A = arith.constant 0.000000e+00 : f32
    %broadcast_in_dim3A = vector.shape_cast %slice3A_6 : vector<64x1xf32> to vector<64x1xf32>
    %broadcast_in_dim3A_7 = vector.broadcast %broadcast_in_dim3A : vector<64x1xf32> to vector<64x100xf32>
    %broadcast_in_dim3A_8 = vector.broadcast %jit3A : f32 to vector<64x100xf32>
    %select_n3A = arith.select %eq3A_5, %broadcast_in_dim3A_7, %broadcast_in_dim3A_8 : vector<64x100xi1>, vector<64x100xf32>
    %add3A = arith.addf %slice3A, %select_n3A : vector<64x100xf32>
    %swap3A = arith.constant 0 : index
    %swap3A_9 = arith.constant 0 : index
    %swap3A_10 = vector.load %arg1[%swap3A, %swap3A_9] : memref<64x100xf32, #tpu.memory_space<vmem>>, vector<64x100xf32>
    tpu.vector_store %arg1[%swap3A, %swap3A_9], %add3A {strides = array<i32>} : memref<64x100xf32, #tpu.memory_space<vmem>>, vector<64x100xf32>,
    return
  }
}

module attributes {stable_mosaic.version = 14 : i64} {
  func.func @_minmax_body(%arg0: i32, %arg1: memref<128x64x256xf32, #tpu.memory_space<vmem>>, %arg2: memref<64x16xf32, #tpu.memory_space<vmem>>, %arg3: memref<64x16xf32, #tpu.memory_space<vmem>>, %arg4: memref<64x1xf32, #tpu.memory_space<vmem>>, %arg5: memref<64x1xf32, #tpu.memory_space<vmem>>) attributes {dimension_semantics = [#tpu.dimension_semantics<arbitrary>], iteration_bounds = array<i64: 16>, scalar_prefetch = 0 : i64, scratch_operands = 2 : i64, tpu.core_type = #tpu.core_type<tc>, window_params = [{transform_indices = @transform_0, window_bounds = array<i64: 128, 64, 256>}, {pipeline_mode = #tpu.pipeline_mode<synchronous>, transform_indices = @transform_1, window_bounds = array<i64: 64, 16>}, {pipeline_mode = #tpu.pipeline_mode<synchronous>, transform_indices = @transform_2, window_bounds = array<i64: 64, 16>}]} {
    %get3A = arith.constant 0 : index
    %get3A_0 = arith.constant 0 : index
    %get3A_1 = arith.constant 0 : index
    %get3A_2 = vector.load %arg1[%get3A, %get3A_0, %get3A_1] : memref<128x64x256xf32, #tpu.memory_space<vmem>>, vector<128x64x256xf32>
    %reduce_min3A = arith.constant dense<0x7F800000> : vector<64xf32>
    %reduce_min3A_3 = vector.multi_reduction <minimumf>, %get3A_2, %reduce_min3A [0, 2] : vector<128x64x256xf32> to vector<64xf32>
    %reshape3A = vector.shape_cast %reduce_min3A_3 : vector<64xf32> to vector<64x1xf32>
    %reduce_max3A = arith.constant dense<0xFF800000> : vector<64xf32>
    %reduce_max3A_4 = vector.multi_reduction <maximumf>, %get3A_2, %reduce_max3A [0, 2] : vector<128x64x256xf32> to vector<64xf32>
    %reshape3A_5 = vector.shape_cast %reduce_max3A_4 : vector<64xf32> to vector<64x1xf32>
    %eq3A = arith.constant 0 : i32
    %eq3A_6 = arith.cmpi eq, %arg0, %eq3A : i32
    %convert_element_type3A = arith.extui %eq3A_6 : i1 to i32
    %cond3A = arith.constant 0 : i32
    %cond3A_7 = arith.cmpi ne, %convert_element_type3A, %cond3A : i32
    scf.if %cond3A_7 {
      %swap3A = arith.constant 0 : index
      %swap3A_17 = arith.constant 0 : index
      %swap3A_18 = vector.load %arg4[%swap3A, %swap3A_17] : memref<64x1xf32, #tpu.memory_space<vmem>>, vector<64x1xf32>
      tpu.vector_store %arg4[%swap3A, %swap3A_17], %reshape3A {strides = array<i32>} : memref<64x1xf32, #tpu.memory_space<vmem>>, vector<64x1xf32>,
      %swap3A_19 = arith.constant 0 : index
      %swap3A_20 = arith.constant 0 : index
      %swap3A_21 = vector.load %arg5[%swap3A_19, %swap3A_20] : memref<64x1xf32, #tpu.memory_space<vmem>>, vector<64x1xf32>
      tpu.vector_store %arg5[%swap3A_19, %swap3A_20], %reshape3A_5 {strides = array<i32>} : memref<64x1xf32, #tpu.memory_space<vmem>>, vector<64x1xf32>,
    } else {
    }
    %gt3A = arith.constant 0 : i32
    %gt3A_8 = arith.cmpi sgt, %arg0, %gt3A : i32
    %convert_element_type3A_9 = arith.extui %gt3A_8 : i1 to i32
    %cond3A_10 = arith.constant 0 : i32
    %cond3A_11 = arith.cmpi ne, %convert_element_type3A_9, %cond3A_10 : i32
    scf.if %cond3A_11 {
      %get3A_17 = arith.constant 0 : index
      %get3A_18 = arith.constant 0 : index
      %get3A_19 = vector.load %arg4[%get3A_17, %get3A_18] : memref<64x1xf32, #tpu.memory_space<vmem>>, vector<64x1xf32>
      %min3A = arith.minimumf %get3A_19, %reshape3A : vector<64x1xf32>
      %swap3A = arith.constant 0 : index
      %swap3A_20 = arith.constant 0 : index
      %swap3A_21 = vector.load %arg4[%swap3A, %swap3A_20] : memref<64x1xf32, #tpu.memory_space<vmem>>, vector<64x1xf32>
      tpu.vector_store %arg4[%swap3A, %swap3A_20], %min3A {strides = array<i32>} : memref<64x1xf32, #tpu.memory_space<vmem>>, vector<64x1xf32>,
      %get3A_22 = arith.constant 0 : index
      %get3A_23 = arith.constant 0 : index
      %get3A_24 = vector.load %arg5[%get3A_22, %get3A_23] : memref<64x1xf32, #tpu.memory_space<vmem>>, vector<64x1xf32>
      %max3A = arith.maximumf %get3A_24, %reshape3A_5 : vector<64x1xf32>
      %swap3A_25 = arith.constant 0 : index
      %swap3A_26 = arith.constant 0 : index
      %swap3A_27 = vector.load %arg5[%swap3A_25, %swap3A_26] : memref<64x1xf32, #tpu.memory_space<vmem>>, vector<64x1xf32>
      tpu.vector_store %arg5[%swap3A_25, %swap3A_26], %max3A {strides = array<i32>} : memref<64x1xf32, #tpu.memory_space<vmem>>, vector<64x1xf32>,
    } else {
    }
    %eq3A_12 = arith.constant 15 : i32
    %eq3A_13 = arith.cmpi eq, %arg0, %eq3A_12 : i32
    %convert_element_type3A_14 = arith.extui %eq3A_13 : i1 to i32
    %cond3A_15 = arith.constant 0 : i32
    %cond3A_16 = arith.cmpi ne, %convert_element_type3A_14, %cond3A_15 : i32
    scf.if %cond3A_16 {
      %get3A_17 = arith.constant 0 : index
      %get3A_18 = arith.constant 0 : index
      %get3A_19 = vector.load %arg4[%get3A_17, %get3A_18] : memref<64x1xf32, #tpu.memory_space<vmem>>, vector<64x1xf32>
      %get3A_20 = arith.constant 0 : index
      %get3A_21 = arith.constant 0 : index
      %get3A_22 = vector.load %arg5[%get3A_20, %get3A_21] : memref<64x1xf32, #tpu.memory_space<vmem>>, vector<64x1xf32>
      %sub3A = arith.subf %get3A_22, %get3A_19 : vector<64x1xf32>
      %div3A = arith.constant 1.000000e+02 : f32
      %div3A_23 = vector.broadcast %div3A : f32 to vector<64x1xf32>
      %div3A_24 = arith.divf %sub3A, %div3A_23 : vector<64x1xf32>
      %iota3A = tpu.iota {dimensions = array<i32: 0>} : vector<64x1xi32>
      %convert_element_type3A_25 = arith.sitofp %iota3A : vector<64x1xi32> to vector<64x1xf32>
      %mul3A = arith.constant 1.120000e+02 : f32
      %mul3A_26 = vector.broadcast %mul3A : f32 to vector<64x1xf32>
      %mul3A_27 = arith.mulf %convert_element_type3A_25, %mul3A_26 : vector<64x1xf32>
      %mul3A_28 = arith.mulf %mul3A_27, %div3A_24 : vector<64x1xf32>
      %sub3A_29 = arith.subf %get3A_19, %mul3A_28 : vector<64x1xf32>
      %div3A_30 = arith.constant 1.000000e+00 : f32
      %div3A_31 = vector.broadcast %div3A_30 : f32 to vector<64x1xf32>
      %div3A_32 = arith.divf %div3A_31, %div3A_24 : vector<64x1xf32>
      %broadcast_in_dim3A = vector.shape_cast %div3A_32 : vector<64x1xf32> to vector<64x1xf32>
      %broadcast_in_dim3A_33 = vector.broadcast %broadcast_in_dim3A : vector<64x1xf32> to vector<64x16xf32>
      %swap3A = arith.constant 0 : index
      %swap3A_34 = arith.constant 0 : index
      %swap3A_35 = vector.load %arg3[%swap3A, %swap3A_34] : memref<64x16xf32, #tpu.memory_space<vmem>>, vector<64x16xf32>
      tpu.vector_store %arg3[%swap3A, %swap3A_34], %broadcast_in_dim3A_33 {strides = array<i32>} : memref<64x16xf32, #tpu.memory_space<vmem>>, vector<64x16xf32>,
      %broadcast_in_dim3A_36 = vector.shape_cast %sub3A_29 : vector<64x1xf32> to vector<64x1xf32>
      %broadcast_in_dim3A_37 = vector.broadcast %broadcast_in_dim3A_36 : vector<64x1xf32> to vector<64x16xf32>
      %swap3A_38 = arith.constant 0 : index
      %swap3A_39 = arith.constant 0 : index
      %swap3A_40 = vector.load %arg2[%swap3A_38, %swap3A_39] : memref<64x16xf32, #tpu.memory_space<vmem>>, vector<64x16xf32>
      tpu.vector_store %arg2[%swap3A_38, %swap3A_39], %broadcast_in_dim3A_37 {strides = array<i32>} : memref<64x16xf32, #tpu.memory_space<vmem>>, vector<64x16xf32>,
    } else {
    }
    return
  }
  func.func @transform_0(%arg0: i32) -> (i32, i32, i32) {
    %c0_i32 = arith.constant 0 : i32
    %c0_i32_0 = arith.constant 0 : i32
    %c0_i32_1 = arith.constant 0 : i32
    return %arg0, %c0_i32, %c0_i32_0 : i32, i32, i32
  }
  func.func @transform_1(%arg0: i32) -> (i32, i32) {
    %c0_i32 = arith.constant 0 : i32
    %c0_i32_0 = arith.constant 0 : i32
    %c0_i32_1 = arith.constant 0 : i32
    return %c0_i32, %c0_i32_0 : i32, i32
  }
  func.func @transform_2(%arg0: i32) -> (i32, i32) {
    %c0_i32 = arith.constant 0 : i32
    %c0_i32_0 = arith.constant 0 : i32
    %c0_i32_1 = arith.constant 0 : i32
    return %c0_i32, %c0_i32_0 : i32, i32
  }
}

</mosaic_0001>

<sc_bundles>
// kernel: kernel.5.cloned.1.call-start
scs
__scs_entry_jumppad:
0x0: {  	(pc) =	sbr.rel $0x88, $3  }
0x1: {  	(tag) =	ssettag $0x0;
	lr =	simm.s32 $0x1  }
0x2: {  	[smem:$0x3FA0] =	sst lr;
	_ =	strace $0xD0000000  }
0x3: {  	_ = 	snop  }
0x4: {  	_ = 	snop  }
0x5: {  	_ = 	snop  }
0x6: {  	_ = 	snop  }
0x7: {  	_ = 	snop  }
__scs_overlays_trampoline_lowered:
0x8: {  	[smem:$0x3FAF] =	sst s0  }
0x9: {  	[smem:$0x3FB0] =	sst s1  }
0xa: {  	[smem:$0x3FB1] =	sst s2  }
0xb: {  	[smem:$0x3FB2] =	sst s3  }
0xc: {  	[smem:$0x3FB3] =	sst s4  }
0xd: {  	[smem:$0x3FB4] =	sst s5  }
0xe: {  	[smem:$0x3FB5] =	sst s6  }
0xf: {  	[smem:$0x3FB6] =	sst s7  }
0x10: {  	[smem:$0x3FB7] =	sst s8  }
0x11: {  	[smem:$0x3FB8] =	sst s9;
	s0 =	simm.s32 @!p0 $0x0  }
0x12: {  	s1 =	sld [smem:$0x3F9E];
	s0 =	simm.s32 @p0 $0x1  }
0x13: {  	[smem:$0x3FB9] =	sst s0;
	s0 =	simm.s32 @!p1 $0x0  }
0x14: {  	s2 =	sld [smem:$0x3F9D];
	s0 =	simm.s32 @p1 $0x1  }
0x15: {  	[smem:$0x3FBA] =	sst s0;
	s0 =	simm.s32 @!p2 $0x0  }
0x16: {  	s3 =	sld [smem:$0x3FDB];
	s0 =	simm.s32 @p2 $0x1  }
0x17: {  	s4 =	simm.s32 $0x1BF5;
	[smem:$0x3FBC] =	sst s0  }
0x18: {  	s0 =	sld [smem:$0x3F9F];
	_ =	swait.ge [sflag:s4], $0x0  }
0x19: {  	s7 =	sld [smem:$0x3FA0]  }
0x1a: {  	s8 =	sadd.s32 $0xFFFFE003, lr  }
0x1b: {  	s9 =	sadd.s32 $0xFFFFFEF7, lr;
	s5 =	simm.s32 $0xFFFFFFFF;
	p2 =	slt.u32 s8, $0xFFFFF086  }
0x1c: {  	p1 =	slt.u32 s9, $0xF7A;
	s5 =	simm.s32 @!p2 $0x0  }
0x1d: {  	s5 =	simm.s32 @p1 $0x1;
	p0 =	seq.s32 s7, s2  }
0x1e: {  	s7 =	smul.u32 @!p0 $0xF7A, s2;
	p2 =	seq.s32 @!p0 s5, $0x0  }
0x1f: {  	s9 =	smul.u32 $0xF7A, s1;
	s8 =	simm.s32 @!p0 $0x1BF5;
	p2 =	por !p2, p0  }
0x20: {  	[sflag:s8] =	ssyncset.s32 @!p0 $0xFFFFF086;
	s6 =	sadd.s32 @!p0 s3, s7;
	s7 =	simm.s32 @!p0 $0x108  }
0x21: {  	s3 =	sadd.s32 s3, s9;
	s6 =	sadd.s32 @!p0 $0x88, s6;
	s7 =	simm.s32 @p2 $0x1082  }
0x22: {  	[simem:s7], [sflag:s8] =	dma.local @!p0 [hbm:s6], $0xF7A  }
0x23: {  	s9 =	sor.u32 $0xD0000000, s2;
	s6 =	simm.s32 $0x108;
	_ =	swait.ge @!p0 [sflag:s8], $0x0  }
0x24: {  	s3 =	sadd.s32 $0x88, s3;
	s6 =	simm.s32 @!p1 $0x1082;
	[sflag:s4] =	ssyncset.s32 $0xFFFFF086  }
0x25: {  	[simem:s6], [sflag:s4] =	dma.local [hbm:s3], $0xF7A  }
0x26: {  	[smem:$0x3FA0] =	sst s1;
	(tag) =	ssettag s2;
	_ =	strace s9  }
0x27: {  	s1 =	sld [smem:$0x3FB0]  }
0x28: {  	s2 =	sld [smem:$0x3FB1]  }
0x29: {  	s4 =	sld [smem:$0x3FB3]  }
0x2a: {  	p0 =	seq.s32 s5, $0x0;
	s5 =	sld [smem:$0x3FB4]  }
0x2b: {  	s6 =	sld [smem:$0x3FB5]  }
0x2c: {  	s7 =	sld [smem:$0x3FB6]  }
0x2d: {  	s3 =	simm.s32 $0x108;
	s8 =	sld [smem:$0x3FB7]  }
0x2e: {  	s3 =	simm.s32 @!p0 $0x1082;
	s9 =	sld [smem:$0x3FB8]  }
0x2f: {  	lr =	sadd.s32 s0, s3;
	s0 =	sld [smem:$0x3FAF]  }
0x30: {  	s3 =	sld [smem:$0x3FB2]  }
0x31: {  	[smem:$0x3FBB] =	sst s10  }
0x32: {  	s10 =	sld [smem:$0x3FB9];
	_ =	sdelay $0x3  }
0x33: {  	p0 =	seq.s32 s10, $0x1;
	s10 =	sld [smem:$0x3FBB];
	_ =	sdelay $0x3  }
0x34: {  	[smem:$0x3FBB] =	sst s10  }
0x35: {  	s10 =	sld [smem:$0x3FBA];
	_ =	sdelay $0x3  }
0x36: {  	p1 =	seq.s32 s10, $0x1;
	s10 =	sld [smem:$0x3FBB];
	_ =	sdelay $0x3  }
0x37: {  	[smem:$0x3FBB] =	sst s10  }
0x38: {  	s10 =	sld [smem:$0x3FBC]  }
0x39: {  	_ = 	snop;
	(pc) =	sbr.ind lr, $3  }
0x3a: {  	_ = 	snop  }
0x3b: {  	_ = 	snop  }
0x3c: {  	p2 =	seq.s32 s10, $0x1;
	s10 =	sld [smem:$0x3FBB]  }
0x3d: {  	_ =	shalt  }
0x3e: {  	_ =	shalt  }
0x3f: {  	_ =	shalt  }
0x40: {  	_ =	shalt  }
0x41: {  	_ =	shalt  }
0x42: {  	_ =	shalt  }
0x43: {  	_ =	shalt  }
0x44: {  	_ =	shalt  }
0x45: {  	_ =	shalt  }
0x46: {  	_ =	shalt  }
0x47: {  	_ =	shalt  }
0x48: {  	_ =	shalt  }
0x49: {  	_ =	shalt  }
0x4a: {  	_ =	shalt  }
0x4b: {  	_ =	shalt  }
0x4c: {  	_ =	shalt  }
0x4d: {  	_ =	shalt  }
0x4e: {  	_ =	shalt  }
0x4f: {  	_ =	shalt  }
0x50: {  	_ =	shalt  }
0x51: {  	_ =	shalt  }
0x52: {  	_ =	shalt  }
0x53: {  	_ =	shalt  }
0x54: {  	_ =	shalt  }
0x55: {  	_ =	shalt  }
0x56: {  	_ =	shalt  }
0x57: {  	_ =	shalt  }
0x58: {  	_ =	shalt  }
0x59: {  	_ =	shalt  }
0x5a: {  	_ =	shalt  }
0x5b: {  	_ =	shalt  }
0x5c: {  	_ =	shalt  }
0x5d: {  	_ =	shalt  }
0x5e: {  	_ =	shalt  }
0x5f: {  	_ =	shalt  }
0x60: {  	_ =	shalt  }
0x61: {  	_ =	shalt  }
0x62: {  	_ =	shalt  }
0x63: {  	_ =	shalt  }
0x64: {  	_ =	shalt  }
0x65: {  	_ =	shalt  }
0x66: {  	_ =	shalt  }
0x67: {  	_ =	shalt  }
0x68: {  	_ =	shalt  }
0x69: {  	_ =	shalt  }
0x6a: {  	_ =	shalt  }
0x6b: {  	_ =	shalt  }
0x6c: {  	_ =	shalt  }
0x6d: {  	_ =	shalt  }
0x6e: {  	_ =	shalt  }
0x6f: {  	_ =	shalt  }
0x70: {  	_ =	shalt  }
0x71: {  	_ =	shalt  }
0x72: {  	_ =	shalt  }
0x73: {  	_ =	shalt  }
0x74: {  	_ =	shalt  }
0x75: {  	_ =	shalt  }
0x76: {  	_ =	shalt  }
0x77: {  	_ =	shalt  }
0x78: {  	_ =	shalt  }
0x79: {  	_ =	shalt  }
0x7a: {  	_ =	shalt  }
0x7b: {  	_ =	shalt  }
0x7c: {  	_ =	shalt  }
0x7d: {  	_ =	shalt  }
0x7e: {  	_ =	shalt  }
0x7f: {  	_ =	shalt  }
0x80: {  	_ =	shalt  }
0x81: {  	_ =	shalt  }
0x82: {  	_ =	shalt  }
0x83: {  	_ =	shalt  }
0x84: {  	_ =	shalt  }
0x85: {  	_ =	shalt  }
0x86: {  	_ =	shalt  }
0x87: {  	_ =	shalt  }
.Lfunc_end0:
.L_simem_size_0:
called_computation_lowered:
.L_overlay_start_0:
0x88: {  	s2 =	sld [smem:$0x3FD9]  }
0x89: {  	s3 =	sld [smem:$0x3FFE];
	_ =	sdelay $0x1  }
0x8a: {  	s1 =	srdreg.scid  }
0x8b: {  	s0 =	sand.u32 $0x1, s1  }
0x8c: {  	s17 =	sshll.u32 s0, $0xA;
	s2 =	sadd.s32 s3, s2  }
0x8d: {  	s2 =	sadd.s32 s2, s17  }
0x8e: {  	[smem:$0x3FC7] =	sst s2  }
0x8f: {  	_ = 	snop  }
0x90: {  	s2 =	sld [smem:$0x3FC9]  }
0x91: {  	s18 =	sld [smem:$0x3FD0];
	(tm) =	ssettm $0x1  }
0x92: {  	s4 =	sld [smem:$0x3FFB];
	_ =	sdelay $0x3  }
0x93: {  	_ =	strace s4  }
0x94: {  	s4 =	sld [smem:$0x3FFC];
	_ =	sdelay $0x3  }
0x95: {  	_ =	strace s4  }
0x96: {  	s4 =	sld [smem:$0x3FFD];
	_ =	sdelay $0x3  }
0x97: {  	_ =	strace s4  }
0x98: {  	_ =	strace $0x8FFFFFFF  }
0x99: {  	s19 =	sld [smem:$0x3FDB];
	_ =	sdelay $0x1  }
0x9a: {  	s5 =	simm.s32 $_scs_section_size  }
0x9b: {  	s6 =	simm.s32 $_size__tile_overlayer_lowered;
	s7 =	simm.s32 $_tile_overlayer_lowered  }
0x9c: {  	s22 =	simm.s32 $0x1BFF;
	s21 =	sshll.u32 s7, $0x1;
	s4 =	sadd.s32 s5, s19  }
0x9d: {  	s8 =	simm.s32 $0x0;
	s20 =	sshll.u32 s6, $0x1;
	s6 =	sadd.s32 s21, s4  }
0x9e: {  	[timem:s8], [sflag:s22] =	dma.local [hbm:s6], s20  }
0x9f: {  	_ =	swait.ge [sflag:s22], s20  }
0xa0: {  	s5 =	ssub.s32 $0x0, s20;
	[sflag:s22] =	ssyncset.done $0x0  }
0xa1: {  	[sflag:s22] =	ssyncadd.s32 s5;
	_ =	sdelay $0x1  }
0xa2: {  	s23 =	simm.s32 $0x1B8B  }
0xa3: {  	_ =	swait.ge [sflag:s23], $0x1  }
0xa4: {  	[sflag:s23] =	ssyncset.done $0x0  }
0xa5: {  	s25 =	simm.s32 $0x1B8E;
	s24 =	sld [smem:$0x3FFE];
	[sflag:s23] =	ssyncadd.s32 $0xFFFFFFFF  }
0xa6: {  	s26 =	simm.s32 $execute0_lowered;
	[smem:$0x3FD2] =	sst s25  }
0xa7: {  	s6 =	sshll.u32 s26, $0x1;
	_ =	strace $0x80000046;
	[dreg:$0x1] =	wrdreg $0xFFFFFFFF  }
0xa8: {  	s28 =	simm.s32 $_size_execute0_lowered;
	s4 =	sadd.s32 s4, s6;
	[dreg:$0x0] =	wrdreg $0x0  }
0xa9: {  	s6 =	sshll.u32 s28, $0x1;
	[dreg:$0x2] =	wrdreg s4  }
0xaa: {  	[dreg:$0x3] =	wrdreg s6  }
0xab: {  	[dreg:$0x4] =	wrdreg $0xC0  }
0xac: {  	_ =	task [dreg:s8], $0x5FFFF  }
0xad: {  	[dreg:$0x1] =	wrdreg $0xFFFFFFFF  }
0xae: {  	[dreg:$0x0] =	wrdreg $0x60  }
0xaf: {  	[dreg:$0x2] =	wrdreg s2  }
0xb0: {  	[dreg:$0x3] =	wrdreg s18  }
0xb1: {  	[dreg:$0x4] =	wrdreg s24  }
0xb2: {  	[dreg:$0x5] =	wrdreg $0x9  }
0xb3: {  	_ =	task.clear_ibuf [dreg:s8], $0x6FFFF;
	_ =	strace $0x90000046  }
0xb4: {  	s29 =	simm.s32 $0x9;
	_ =	strace $0x80000048  }
0xb5: {  	_ =	swait.ge [sflag:s29], $0x1  }
0xb6: {  	[sflag:s29] =	ssyncadd.s32 $0xFFFFFFFF  }
0xb7: {  	_ =	strace $0x90000048  }
0xb8: {  	_ =	sfence  }
0xb9: {  	s30 =	sld [smem:$0x0];
	_ =	sdelay $0x2  }
0xba: {  	s31 =	sshll.u32 s1, $0xD;
	s1 =	sshrl.u32 s1, $0x2  }
0xbb: {  	s3 =	sand.u32 $0x4000, s31;
	s1 =	sadd.s32 s1, s30  }
0xbc: {  	s0 =	sor.u32 s3, s0;
	s1 =	sshll.u32 s1, $0x11  }
0xbd: {  	s0 =	sor.u32 s1, s0  }
0xbe: {  	s0 =	sadd.s32 $0x8F2B, s0  }
0xbf: {  	[sflag:s0] =	ssyncadd.remote.s32 $0x1  }
0xc0: {  	_ =	sfence.sel $0xFFFF  }
0xc1: {  	[dreg:$0x0] =	wrdreg $0xFFFFFFFF;
	(pc) =	sbr.abs _section_cstart, $3  }
0xc2: {  	[dreg:$0x1] =	wrdreg $0xFFFFFFFF  }
0xc3: {  	_ =	task.clear_ibuf [dreg:s8], $0x2FFFF;
	_ =	strace $0x9FFFFFFF  }
0xc4: {  	(tm) =	ssettm $0x7FFFFFFF  }
0xc5: {  	_ =	shalt  }
tec
execute0_lowered:
.L_overlay_start_1:
0x0: {  	(tag) =	ssettag $0x1  }
0x1: {  	s0 =	rddreg [dreg:$0x0]  }
0x2: {  	s1 =	rddreg [dreg:$0x2]  }
0x3: {  	s2 =	srdreg.scid;
	s4 =	stileid.u32  }
0x4: {  	s5 =	simm.s32 $0x0;
	s2 =	sand.u32 $0x1, s2;
	s3 =	sshll.u32 s4, $0x1  }
0x5: {  	s4 =	sshrl.u32 s4, $0x2;
	[smem:$0x7FF] =	sst s5;
	s6 =	sadd.s32 $0xA00, s1  }
0x6: {  	s3 =	sor.u32 s2, s3;
	s4 =	smul.u32 $0xE000, s4;
	_ =	strace $0x80000047  }
0x7: {  	[dreg:$0x8] =	wrdreg s6;
	s2 =	ssub.s32 $0x2, s2;
	s25 =	sshll.u32 s3, $0x7  }
0x8: {  	s3 =	sshll.u32 s3, $0x11;
	s26 =	sshrl.u32 s2, $0x1;
	s5 =	sand.u32 $0x380, s25  }
0x9: {  	s3 =	sadd.s32 s0, s3;
	s29 =	ssub.s32 s2, s26;
	s4 =	sor.u32 s4, s5  }
0xa: {  	[dreg:$0x9] =	wrdreg s3;
	s30 =	sadd.s32 $0x2000, s3;
	s4 =	sshrl.u32 s4, $0x3  }
0xb: {  	s31 =	smax.u32 s29, $0x1;
	[dreg:$0xa] =	wrdreg s30;
	s28 =	sadd.s32 s4, s1  }
0xc: {  	s14 =	simm.s32 $0x10000;
	[dreg:$0xc] =	wrdreg s31;
	s0 =	sadd.s32 $0xE00, s28  }
0xd: {  	v0 =	vimm.s32 $0x0;
	v3 =	vimm.s32 $0x1;
	s3 =	simm.s32 $0x3;
	s1 =	simm.s32 $0x0;
	[dreg:$0xb] =	wrdreg s0  }
.LBB2_1:
0xe: {  	[dreg:$0xd] =	wrdreg s1  }
0xf: {  	s0 =	rddreg [dreg:$0x1];
	s29 =	simm.s32 $0x0;
	s2 =	simm.s32 $0x11C00  }
0x10: {  	[tilespmem:s2], [sflag:$0x3] =	stream.linear.gather [hbm4b:s0+s29], $0x2000, $0x38;
	[tilespmem:$0x15C00] =	vst v63  }
0x11: {  	_ =	swait.ge [sflag:s3], $0x2000  }
0x12: {  	[sflag:s3] =	ssyncset.done $0x0  }
0x13: {  	s31 =	simm.s32 $0x13C00;
	s30 =	rddreg [dreg:$0x8];
	[sflag:s3] =	ssyncadd.s32 $0xFFFFE000  }
0x14: {  	[tilespmem:s31], [sflag:$0x3] =	stream.linear.gather [hbm4b:s30+s29], $0x2000, $0x38;
	[tilespmem:$0x15C00] =	vst v63  }
0x15: {  	_ =	swait.ge [sflag:s3], $0x2000  }
0x16: {  	[sflag:s3] =	ssyncset.done $0x0  }
0x17: {  	s1 =	simm.s32 $0x0;
	s0 =	simm.s32 $0x40;
	[sflag:s3] =	ssyncadd.s32 $0xFFFFE000  }
.LBB2_2:
0x18: {  	p0 =	sne.s32 s0, $0x6FC0;
	[tilespmem:s1+$0x10000] =	vst v0;
	s1 =	smov.u32 s0;
	s0 =	sadd.s32 $0x40, s0  }
.Ltmp0:
0x19: {  	(pc) =	sbr.rel @p0 .LBB2_2-.Ltmp0, $2  }
0x1a: {  	_ =	sdelay $0x2  }
0x1b: {  	s1 =	sshra.s32 s1, $0x2  }
0x1c: {  	[tilespmem:s1+$0x10000] =	vst v0;
	s31 =	simm.s32 $0x0;
	s0 =	rddreg [dreg:$0x9]  }
0x1d: {  	[tilespmem:s31], [sflag:$0x1] =	stream.linear.gather [hbm4b:s0+s31], $0x8000, $0x38;
	[tilespmem:$0x15C00] =	vst v63  }
0x1e: {  	s0 =	simm.s32 $0x0  }
.LBB2_4:
0x1f: {  	[dreg:$0xe] =	wrdreg s0  }
0x20: {  	s2 =	sshll.u32 s0, $0xD;
	s1 =	simm.s32 $0x1;
	s26 =	simm.s32 $0x8000  }
0x21: {  	s5 =	simm.s32 $0x0;
	s28 =	simm.s32 $0x300;
	s12 =	simm.s32 $0x180  }
0x22: {  	s30 =	simm.s32 $0x11D80;
	_ =	swait.ge [sflag:s1], $0x8000;
	[dreg:$0xf] =	wrdreg s2  }
0x23: {  	s24 =	sand.u32 $0x4000, s5;
	s29 =	sand.u32 $0xFFFFF800, s28;
	s25 =	rddreg [dreg:$0x9]  }
0x24: {  	s31 =	sand.u32 $0x380, s12;
	[sflag:s1] =	ssyncset.done $0x0;
	s0 =	sadd.s32 s2, s25  }
0x25: {  	[sflag:s1] =	ssyncadd.s32 $0xFFFF8000;
	s1 =	sadd.s32 s29, s24;
	s0 =	sadd.s32 $0x1000, s0  }
0x26: {  	[tilespmem:s26], [sflag:$0x2] =	stream.linear.gather [hbm4b:s0+s5], $0x8000, $0x38;
	[tilespmem:$0x15C00] =	vst v63  }
0x27: {  	s1 =	sor.u32 s31, s1;
	v10 =	vld [tilespmem:s30+$0x0]  }
0x28: {  	v6 =	vld [tilespmem:s1+$0x470]  }
0x29: {  	s4 =	simm.s32 $0x13D80;
	v25 =	vld [tilespmem:s1+$0x0]  }
0x2a: {  	v13 =	vld [tilespmem:s4+$0x0]  }
0x2b: {  	s6 =	simm.s32 $0x100;
	v26 =	vld [tilespmem:s1+$0x10]  }
0x2c: {  	s3 =	simm.s32 $0x80;
	s2 =	sand.u32 $0xFFFFF800, s6;
	v27 =	vld [tilespmem:s1+$0x20]  }
0x2d: {  	s28 =	sand.u32 $0x280, s3;
	s2 =	sadd.s32 s2, s24;
	v28 =	vld [tilespmem:s1+$0x30]  }
0x2e: {  	s2 =	sor.u32 s28, s2;
	v29 =	vld [tilespmem:s1+$0x40]  }
0x2f: {  	v51 =	vld [tilespmem:s2+$0x0]  }
0x30: {  	v12 =	vld [tilespmem:s2+$0x10]  }
0x31: {  	v49 =	vld [tilespmem:s2+$0x20]  }
0x32: {  	v50 =	vld [tilespmem:s2+$0x30]  }
0x33: {  	v47 =	vld [tilespmem:s2+$0x40]  }
0x34: {  	v48 =	vld [tilespmem:s2+$0x50]  }
0x35: {  	s7 =	simm.s32 $0x12D80;
	v14 =	vld [tilespmem:s2+$0x60]  }
0x36: {  	s8 =	simm.s32 $0x14D80;
	v1 =	vld [tilespmem:s7+$0x0]  }
0x37: {  	v2 =	vld [tilespmem:s8+$0x0]  }
0x38: {  	v46 =	vld [tilespmem:s2+$0x70]  }
0x39: {  	v45 =	vld [tilespmem:s2+$0x400]  }
0x3a: {  	v44 =	vld [tilespmem:s2+$0x410]  }
0x3b: {  	v39 =	vld [tilespmem:s2+$0x420]  }
0x3c: {  	v40 =	vld [tilespmem:s2+$0x430]  }
0x3d: {  	s9 =	simm.s32 $0x200;
	v15 =	vld [tilespmem:s2+$0x440]  }
0x3e: {  	s3 =	sand.u32 $0xFFFFF800, s9;
	s4 =	simm.s32 $0x100;
	v41 =	vld [tilespmem:s2+$0x450]  }
0x3f: {  	s3 =	sadd.s32 s3, s24;
	v42 =	vld [tilespmem:s2+$0x460];
	s26 =	sand.u32 $0x300, s4  }
0x40: {  	v43 =	vld [tilespmem:s2+$0x470];
	s3 =	sor.u32 s26, s3  }
0x41: {  	v38 =	vld [tilespmem:s3+$0x0]  }
0x42: {  	v16 =	vld [tilespmem:s3+$0x10]  }
0x43: {  	v37 =	vld [tilespmem:s3+$0x20]  }
0x44: {  	v7 =	vld [tilespmem:s3+$0x30]  }
0x45: {  	v8 =	vld [tilespmem:s3+$0x40]  }
0x46: {  	v5 =	vld [tilespmem:s3+$0x50]  }
0x47: {  	v9 =	vld [tilespmem:s3+$0x60]  }
0x48: {  	v11 =	vld [tilespmem:s3+$0x70]  }
0x49: {  	v18 =	vld [tilespmem:s3+$0x400]  }
0x4a: {  	v0 =	vld [tilespmem:s3+$0x460]  }
0x4b: {  	v23 =	vld [tilespmem:s3+$0x410]  }
0x4c: {  	v22 =	vld [tilespmem:s3+$0x420]  }
0x4d: {  	v19 =	vld [tilespmem:s3+$0x430]  }
0x4e: {  	v20 =	vld [tilespmem:s3+$0x440]  }
0x4f: {  	v21 =	vld [tilespmem:s3+$0x450];
	[tilespmem:$0x1FE40] =	vst v0  }
0x50: {  	v0 =	vld [tilespmem:s3+$0x470];
	_ =	sdelay $0x1  }
0x51: {  	v6 =	vsub.f32 v6, v10;
	_ =	sdelay $0x1  }
0x52: {  	v6 =	vmul.f32 v6, v13  }
0x53: {  	[tilespmem:$0x1FE50] =	vst v0  }
0x54: {  	v6 =	vtrunc.f32 v6;
	v30 =	vld [tilespmem:s1+$0x50]  }
0x55: {  	v6 =	vcvt.f32.s32 v6;
	v35 =	vld [tilespmem:s1+$0x60]  }
0x56: {  	v36 =	vld [tilespmem:s1+$0x70]  }
0x57: {  	v52 =	vld [tilespmem:s1+$0x400]  }
0x58: {  	s11 =	simm.s32 $0x2300;
	v53 =	vld [tilespmem:s1+$0x410]  }
0x59: {  	s3 =	sand.u32 $0x7FFFF800, s11;
	v54 =	vld [tilespmem:s1+$0x420]  }
0x5a: {  	s3 =	sadd.s32 s3, s24;
	v55 =	vld [tilespmem:s1+$0x430]  }
0x5b: {  	s0 =	sor.u32 s31, s3;
	[tilespmem:v6+s14+$0x0] =	vst.idx.add.s32.msk $0xffff, v3  }
0x5c: {  	v0 =	vld [tilespmem:s0+$0x470]  }
0x5d: {  	v56 =	vld [tilespmem:s1+$0x440]  }
0x5e: {  	v25 =	vsub.f32 v25, v10;
	v57 =	vld [tilespmem:s1+$0x450]  }
0x5f: {  	s10 =	simm.s32 $0x11C80;
	s15 =	simm.s32 $0x0;
	s16 =	sand.u32 $0x1800, s5;
	v26 =	vsub.f32 v26, v10;
	v27 =	vsub.f32 v27, v10;
	v58 =	vld [tilespmem:s1+$0x460]  }
0x60: {  	s13 =	simm.s32 $0x11D00;
	s25 =	sand.u32 $0x200, s15;
	s2 =	sor.u32 s16, s24;
	v28 =	vsub.f32 v28, v10;
	v29 =	vsub.f32 v29, v10;
	v25 =	vmul.f32 v25, v13;
	v59 =	vld [tilespmem:s10+$0x0]  }
0x61: {  	s2 =	sor.u32 s25, s2;
	v26 =	vmul.f32 v26, v13;
	v27 =	vmul.f32 v27, v13;
	v24 =	vld [tilespmem:s13+$0x0];
	[tilespmem:$0x1FE70] =	vst v0  }
0x62: {  	v28 =	vmul.f32 v28, v13;
	v29 =	vmul.f32 v29, v13;
	v34 =	vld [tilespmem:s2+$0x0]  }
0x63: {  	v31 =	vtrunc.f32 v25;
	v60 =	vtrunc.f32 v26;
	v33 =	vld [tilespmem:s2+$0x10]  }
0x64: {  	v62 =	vtrunc.f32 v27;
	v60 =	vcvt.f32.s32 v60;
	v25 =	vld [tilespmem:s2+$0x20]  }
0x65: {  	v61 =	vcvt.f32.s32 v31;
	v30 =	vsub.f32 v30, v10;
	v35 =	vsub.f32 v35, v10;
	v32 =	vld [tilespmem:s2+$0x30]  }
0x66: {  	v36 =	vsub.f32 v36, v10;
	v53 =	vsub.f32 v53, v10;
	v0 =	vtrunc.f32 v29;
	v31 =	vld [tilespmem:s2+$0x40]  }
0x67: {  	v54 =	vsub.f32 v54, v10;
	v26 =	vld [tilespmem:s2+$0x50];
	v4 =	vcvt.f32.s32 v0;
	v0 =	vsub.f32 v52, v10  }
0x68: {  	v63 =	vtrunc.f32 v28;
	v55 =	vsub.f32 v55, v10;
	v56 =	vsub.f32 v56, v10;
	v27 =	vld [tilespmem:s2+$0x60]  }
0x69: {  	v57 =	vsub.f32 v57, v10;
	v58 =	vsub.f32 v58, v10;
	v28 =	vld [tilespmem:s2+$0x70];
	v0 =	vmul.f32 v0, v13  }
0x6a: {  	v62 =	vcvt.f32.s32 v62;
	v51 =	vsub.f32 v51, v59;
	v49 =	vsub.f32 v49, v59;
	[tilespmem:v60+s14+$0x0] =	vst.idx.add.s32.msk $0xffff, v3  }
0x6b: {  	v50 =	vsub.f32 v50, v59;
	v47 =	vsub.f32 v47, v59;
	v60 =	vtrunc.f32 v0;
	v0 =	vld [tilespmem:s2+$0x440]  }
0x6c: {  	v63 =	vcvt.f32.s32 v63;
	v48 =	vsub.f32 v48, v59;
	v46 =	vsub.f32 v46, v59;
	v29 =	vld [tilespmem:s2+$0x400]  }
0x6d: {  	v45 =	vsub.f32 v45, v59;
	v44 =	vsub.f32 v44, v59;
	v30 =	vmul.f32 v30, v13;
	v52 =	vld [tilespmem:s2+$0x410]  }
0x6e: {  	v35 =	vmul.f32 v35, v13;
	v36 =	vmul.f32 v36, v13;
	[tilespmem:v61+s14+$0x0] =	vst.idx.add.s32.msk $0xffff, v3  }
0x6f: {  	v39 =	vsub.f32 v39, v59;
	v53 =	vmul.f32 v53, v13;
	v54 =	vmul.f32 v54, v13;
	v17 =	vld [tilespmem:s2+$0x430]  }
0x70: {  	v40 =	vsub.f32 v40, v59;
	v55 =	vmul.f32 v55, v13;
	v61 =	vtrunc.f32 v35;
	v35 =	vld [tilespmem:s2+$0x420];
	[tilespmem:$0x1FE60] =	vst v0  }
0x71: {  	v41 =	vsub.f32 v41, v59;
	v56 =	vmul.f32 v56, v13;
	v30 =	vtrunc.f32 v30;
	[tilespmem:v62+s14+$0x0] =	vst.idx.add.s32.msk $0xffff, v3  }
0x72: {  	v57 =	vmul.f32 v57, v13;
	v30 =	vcvt.f32.s32 v30;
	v62 =	vsub.f32 v12, v59;
	v12 =	vld [tilespmem:s2+$0x450]  }
0x73: {  	v42 =	vsub.f32 v42, v59;
	v58 =	vmul.f32 v58, v13;
	v36 =	vtrunc.f32 v36;
	v13 =	vld [tilespmem:s2+$0x460]  }
0x74: {  	v43 =	vsub.f32 v43, v59;
	v53 =	vtrunc.f32 v53;
	v61 =	vcvt.f32.s32 v61;
	[tilespmem:v63+s14+$0x0] =	vst.idx.add.s32.msk $0xffff, v3  }
0x75: {  	s17 =	simm.s32 $0x13C80;
	v38 =	vsub.f32 v38, v24;
	v54 =	vtrunc.f32 v54;
	v36 =	vcvt.f32.s32 v36;
	[tilespmem:v4+s14+$0x0] =	vst.idx.add.s32.msk $0xffff, v3  }
0x76: {  	v37 =	vsub.f32 v37, v24;
	v55 =	vtrunc.f32 v55;
	v4 =	vtrunc.f32 v57;
	v57 =	vld [tilespmem:s17+$0x0]  }
0x77: {  	v56 =	vtrunc.f32 v56;
	v53 =	vcvt.f32.s32 v53;
	v63 =	vsub.f32 v14, v59;
	v14 =	vld [tilespmem:s2+$0x470]  }
0x78: {  	s1 =	sand.u32 $0xE00, s15;
	v9 =	vsub.f32 v9, v24;
	v58 =	vtrunc.f32 v58;
	v54 =	vcvt.f32.s32 v54;
	[tilespmem:v30+s14+$0x0] =	vst.idx.add.s32.msk $0xffff, v3  }
0x79: {  	v55 =	vcvt.f32.s32 v55;
	v56 =	vcvt.f32.s32 v56;
	v30 =	vsub.f32 v15, v59;
	v15 =	vld [tilespmem:s1+$0x11C00]  }
0x7a: {  	v22 =	vsub.f32 v22, v24;
	v58 =	vcvt.f32.s32 v58;
	v60 =	vcvt.f32.s32 v60;
	[tilespmem:v61+s14+$0x0] =	vst.idx.add.s32.msk $0xffff, v3  }
0x7b: {  	s18 =	simm.s32 $0x13D00;
	v61 =	vsub.f32 v16, v24;
	[tilespmem:v36+s14+$0x0] =	vst.idx.add.s32.msk $0xffff, v3;
	v0 =	vcvt.f32.s32 v4;
	v51 =	vmul.f32 v51, v57  }
0x7c: {  	v59 =	vld [tilespmem:s18+$0x0];
	v36 =	vsub.f32 v7, v24;
	v62 =	vmul.f32 v62, v57;
	v49 =	vmul.f32 v49, v57  }
0x7d: {  	[tilespmem:v53+s14+$0x0] =	vst.idx.add.s32.msk $0xffff, v3;
	v50 =	vmul.f32 v50, v57;
	v47 =	vmul.f32 v47, v57  }
0x7e: {  	v16 =	vld [tilespmem:s1+$0x13C00];
	v53 =	vsub.f32 v5, v24;
	v48 =	vmul.f32 v48, v57;
	v63 =	vmul.f32 v63, v57  }
0x7f: {  	[tilespmem:v54+s14+$0x0] =	vst.idx.add.s32.msk $0xffff, v3;
	v46 =	vmul.f32 v46, v57;
	v45 =	vmul.f32 v45, v57  }
0x80: {  	[tilespmem:v55+s14+$0x0] =	vst.idx.add.s32.msk $0xffff, v3;
	v44 =	vmul.f32 v44, v57;
	v39 =	vmul.f32 v39, v57  }
0x81: {  	[tilespmem:v56+s14+$0x0] =	vst.idx.add.s32.msk $0xffff, v3;
	v40 =	vmul.f32 v40, v57;
	v30 =	vmul.f32 v30, v57  }
0x82: {  	s19 =	simm.s32 $0x12C80;
	[tilespmem:v60+s14+$0x0] =	vst.idx.add.s32.msk $0xffff, v3;
	v41 =	vmul.f32 v41, v57;
	v42 =	vmul.f32 v42, v57  }
0x83: {  	v7 =	vld [tilespmem:s19+$0x0];
	v60 =	vsub.f32 v8, v24;
	v43 =	vmul.f32 v43, v57;
	v38 =	vmul.f32 v38, v59  }
0x84: {  	s22 =	simm.s32 $0x14D00;
	[tilespmem:v58+s14+$0x0] =	vst.idx.add.s32.msk $0xffff, v3;
	v57 =	vmul.f32 v61, v59;
	v37 =	vmul.f32 v37, v59  }
0x85: {  	v5 =	vld [tilespmem:s22+$0x0];
	v58 =	vsub.f32 v20, v24;
	v36 =	vmul.f32 v36, v59;
	v60 =	vmul.f32 v60, v59  }
0x86: {  	v10 =	vld [tilespmem:s0+$0x0];
	v53 =	vmul.f32 v53, v59;
	v56 =	vmul.f32 v9, v59;
	v9 =	vsub.f32 v19, v24  }
0x87: {  	v55 =	vsub.f32 v18, v24;
	v18 =	vld [tilespmem:s0+$0x10];
	v61 =	vmul.f32 v22, v59;
	v58 =	vmul.f32 v58, v59  }
0x88: {  	v33 =	vsub.f32 v33, v15;
	v51 =	vtrunc.f32 v51;
	[tilespmem:v0+s14+$0x0] =	vst.idx.add.s32.msk $0xffff, v3;
	v22 =	vmul.f32 v9, v59  }
0x89: {  	s20 =	simm.s32 $0x14C80;
	v54 =	vsub.f32 v11, v24;
	v9 =	vtrunc.f32 v49;
	v50 =	vtrunc.f32 v50;
	v6 =	vld [tilespmem:$0x1FE40]  }
0x8a: {  	s21 =	simm.s32 $0x12D00;
	v8 =	vld [tilespmem:s20+$0x0];
	v17 =	vsub.f32 v17, v15;
	v47 =	vtrunc.f32 v47;
	v33 =	vmul.f32 v33, v16  }
0x8b: {  	v4 =	vld [tilespmem:s21+$0x0];
	v48 =	vtrunc.f32 v48;
	v0 =	vcvt.f32.s32 v51  }
0x8c: {  	v23 =	vsub.f32 v23, v24;
	v20 =	vld [tilespmem:s0+$0x30];
	v17 =	vmul.f32 v17, v16;
	v51 =	vmul.f32 v54, v59  }
0x8d: {  	v19 =	vld [tilespmem:s0+$0x20];
	v54 =	vmul.f32 v55, v59;
	v9 =	vcvt.f32.s32 v9  }
0x8e: {  	v55 =	vmul.f32 v23, v59;
	v23 =	vtrunc.f32 v62;
	v11 =	vsub.f32 v6, v24;
	v6 =	vld [tilespmem:$0x1FE50]  }
0x8f: {  	v49 =	vld [tilespmem:s0+$0x50];
	v38 =	vtrunc.f32 v38;
	v62 =	vcvt.f32.s32 v23;
	v23 =	vsub.f32 v21, v24  }
0x90: {  	v48 =	vcvt.f32.s32 v48;
	v38 =	vcvt.f32.s32 v38;
	v21 =	vld [tilespmem:s0+$0x40]  }
0x91: {  	v31 =	vsub.f32 v31, v15;
	v22 =	vtrunc.f32 v22;
	v23 =	vmul.f32 v23, v59;
	[tilespmem:v0+s14+$0x0] =	vst.idx.add.s32.msk $0xffff, v3  }
0x92: {  	v33 =	vtrunc.f32 v33;
	v22 =	vcvt.f32.s32 v22;
	v0 =	vsub.f32 v34, v15;
	v34 =	vld [tilespmem:s0+$0x60]  }
0x93: {  	v33 =	vcvt.f32.s32 v33;
	v23 =	vtrunc.f32 v23;
	[tilespmem:v9+s14+$0x0] =	vst.idx.add.s32.msk $0xffff, v3;
	v24 =	vsub.f32 v6, v24  }
0x94: {  	v9 =	vsub.f32 v26, v15;
	v26 =	vld [tilespmem:s0+$0x410];
	v23 =	vcvt.f32.s32 v23;
	v6 =	vmul.f32 v11, v59  }
0x95: {  	[tilespmem:v62+s14+$0x0] =	vst.idx.add.s32.msk $0xffff, v3;
	v62 =	vsub.f32 v32, v15;
	v11 =	vcvt.f32.s32 v50;
	v50 =	vmul.f32 v24, v59  }
0x96: {  	[tilespmem:v48+s14+$0x0] =	vst.idx.add.s32.msk $0xffff, v3;
	v59 =	vsub.f32 v25, v15;
	v25 =	vmul.f32 v0, v16;
	v0 =	vcvt.f32.s32 v47  }
0x97: {  	[tilespmem:v38+s14+$0x0] =	vst.idx.add.s32.msk $0xffff, v3;
	v47 =	vmul.f32 v62, v16;
	v62 =	vtrunc.f32 v63  }
0x98: {  	v32 =	vld [tilespmem:s0+$0x400];
	v63 =	vsub.f32 v27, v15;
	v27 =	vmul.f32 v31, v16;
	v6 =	vtrunc.f32 v6  }
0x99: {  	[tilespmem:v22+s14+$0x0] =	vst.idx.add.s32.msk $0xffff, v3;
	v31 =	vcvt.f32.s32 v62;
	v6 =	vcvt.f32.s32 v6  }
0x9a: {  	v24 =	vld [tilespmem:s0+$0x70];
	v63 =	vmul.f32 v63, v16;
	v25 =	vtrunc.f32 v25  }
0x9b: {  	[tilespmem:v23+s14+$0x0] =	vst.idx.add.s32.msk $0xffff, v3;
	v22 =	vtrunc.f32 v47;
	v27 =	vtrunc.f32 v27  }
0x9c: {  	v62 =	vld [tilespmem:s0+$0x420];
	v25 =	vcvt.f32.s32 v25;
	v22 =	vcvt.f32.s32 v22  }
0x9d: {  	[tilespmem:v11+s14+$0x0] =	vst.idx.add.s32.msk $0xffff, v3;
	v11 =	vsub.f32 v28, v15;
	v28 =	vmul.f32 v9, v16;
	v9 =	vtrunc.f32 v46  }
0x9e: {  	v29 =	vsub.f32 v29, v15;
	v27 =	vcvt.f32.s32 v27;
	v46 =	vld [tilespmem:s0+$0x430];
	v9 =	vcvt.f32.s32 v9  }
0x9f: {  	[tilespmem:v0+s14+$0x0] =	vst.idx.add.s32.msk $0xffff, v3;
	v0 =	vsub.f32 v52, v15;
	v52 =	vmul.f32 v11, v16;
	v11 =	vtrunc.f32 v45  }
0xa0: {  	v45 =	vmul.f32 v29, v16;
	v29 =	vld [tilespmem:s0+$0x440];
	v23 =	vtrunc.f32 v28  }
0xa1: {  	v11 =	vcvt.f32.s32 v11;
	[tilespmem:v31+s14+$0x0] =	vst.idx.add.s32.msk $0xffff, v3;
	v31 =	vtrunc.f32 v39  }
0xa2: {  	v39 =	vtrunc.f32 v40;
	[tilespmem:v6+s14+$0x0] =	vst.idx.add.s32.msk $0xffff, v3;
	v48 =	vmul.f32 v0, v16  }
0xa3: {  	s5 =	simm.s32 $0x0;
	v0 =	vtrunc.f32 v44;
	v40 =	vcvt.f32.s32 v31;
	v31 =	vld [tilespmem:s0+$0x460]  }
0xa4: {  	s23 =	sor.u32 $0x20, s5;
	v6 =	vtrunc.f32 v63;
	v44 =	vcvt.f32.s32 v0;
	v0 =	vld [tilespmem:s0+$0x450]  }
0xa5: {  	s29 =	sshll.u32 s23, $0x7;
	[tilespmem:v9+s14+$0x0] =	vst.idx.add.s32.msk $0xffff, v3;
	v9 =	vtrunc.f32 v30;
	v30 =	vcvt.f32.s32 v39  }
0xa6: {  	v39 =	vtrunc.f32 v41;
	v41 =	vcvt.f32.s32 v9;
	v9 =	vld [tilespmem:s29+$0x11C00]  }
0xa7: {  	v23 =	vcvt.f32.s32 v23;
	[tilespmem:v11+s14+$0x0] =	vst.idx.add.s32.msk $0xffff, v3;
	v11 =	vtrunc.f32 v42  }
0xa8: {  	v42 =	vtrunc.f32 v43;
	v43 =	vcvt.f32.s32 v11;
	v11 =	vld [tilespmem:s29+$0x13C00]  }
0xa9: {  	v17 =	vtrunc.f32 v17;
	v6 =	vcvt.f32.s32 v6;
	[tilespmem:v40+s14+$0x0] =	vst.idx.add.s32.msk $0xffff, v3  }
0xaa: {  	v17 =	vcvt.f32.s32 v17;
	[tilespmem:v25+s14+$0x0] =	vst.idx.add.s32.msk $0xffff, v3  }
0xab: {  	[tilespmem:v33+s14+$0x0] =	vst.idx.add.s32.msk $0xffff, v3  }
0xac: {  	v28 =	vtrunc.f32 v52;
	[tilespmem:v22+s14+$0x0] =	vst.idx.add.s32.msk $0xffff, v3  }
0xad: {  	s30 =	simm.s32 $0x2100;
	v28 =	vcvt.f32.s32 v28;
	[tilespmem:v27+s14+$0x0] =	vst.idx.add.s32.msk $0xffff, v3  }
0xae: {  	s0 =	sand.u32 $0x7FFFF800, s30;
	[tilespmem:v23+s14+$0x0] =	vst.idx.add.s32.msk $0xffff, v3  }
0xaf: {  	s0 =	sadd.s32 s0, s24;
	[tilespmem:v6+s14+$0x0] =	vst.idx.add.s32.msk $0xffff, v3  }
0xb0: {  	s0 =	sor.u32 s28, s0;
	v39 =	vcvt.f32.s32 v39;
	[tilespmem:v17+s14+$0x0] =	vst.idx.add.s32.msk $0xffff, v3  }
0xb1: {  	v23 =	vld [tilespmem:s0+$0x10]  }
0xb2: {  	[tilespmem:v44+s14+$0x0] =	vst.idx.add.s32.msk $0xffff, v3  }
0xb3: {  	v57 =	vtrunc.f32 v57;
	v53 =	vtrunc.f32 v53;
	[tilespmem:v28+s14+$0x0] =	vst.idx.add.s32.msk $0xffff, v3  }
0xb4: {  	v56 =	vtrunc.f32 v56;
	v42 =	vcvt.f32.s32 v42;
	[tilespmem:v30+s14+$0x0] =	vst.idx.add.s32.msk $0xffff, v3  }
0xb5: {  	v40 =	vcvt.f32.s32 v57;
	v25 =	vtrunc.f32 v45;
	[tilespmem:v41+s14+$0x0] =	vst.idx.add.s32.msk $0xffff, v3  }
0xb6: {  	v44 =	vtrunc.f32 v60;
	v60 =	vtrunc.f32 v54;
	[tilespmem:v39+s14+$0x0] =	vst.idx.add.s32.msk $0xffff, v3  }
0xb7: {  	v25 =	vcvt.f32.s32 v25;
	v41 =	vcvt.f32.s32 v56;
	v56 =	vld [tilespmem:s0+$0x40]  }
0xb8: {  	v39 =	vcvt.f32.s32 v53;
	v53 =	vtrunc.f32 v58;
	v58 =	vld [tilespmem:s0+$0x420]  }
0xb9: {  	v38 =	vcvt.f32.s32 v60;
	v30 =	vtrunc.f32 v36;
	v60 =	vld [tilespmem:s0+$0x450]  }
0xba: {  	v30 =	vcvt.f32.s32 v30;
	[tilespmem:v43+s14+$0x0] =	vst.idx.add.s32.msk $0xffff, v3  }
0xbb: {  	[tilespmem:v42+s14+$0x0] =	vst.idx.add.s32.msk $0xffff, v3  }
0xbc: {  	v57 =	vtrunc.f32 v51;
	[tilespmem:v40+s14+$0x0] =	vst.idx.add.s32.msk $0xffff, v3  }
0xbd: {  	v42 =	vcvt.f32.s32 v57;
	v57 =	vld [tilespmem:s0+$0x400]  }
0xbe: {  	v37 =	vtrunc.f32 v37;
	v43 =	vld [tilespmem:s0+$0x440]  }
0xbf: {  	v51 =	vtrunc.f32 v61;
	v36 =	vcvt.f32.s32 v37;
	[tilespmem:v25+s14+$0x0] =	vst.idx.add.s32.msk $0xffff, v3  }
0xc0: {  	[tilespmem:v30+s14+$0x0] =	vst.idx.add.s32.msk $0xffff, v3;
	v30 =	vcvt.f32.s32 v51  }
0xc1: {  	v37 =	vcvt.f32.s32 v44;
	v61 =	vld [tilespmem:s0+$0x460]  }
0xc2: {  	v47 =	vld [tilespmem:s0+$0x470]  }
0xc3: {  	v44 =	vtrunc.f32 v55;
	v55 =	vtrunc.f32 v48;
	[tilespmem:v38+s14+$0x0] =	vst.idx.add.s32.msk $0xffff, v3  }
0xc4: {  	v59 =	vmul.f32 v59, v16;
	v33 =	vcvt.f32.s32 v55;
	v38 =	vld [tilespmem:s0+$0x70]  }
0xc5: {  	[tilespmem:v36+s14+$0x0] =	vst.idx.add.s32.msk $0xffff, v3  }
0xc6: {  	[tilespmem:v30+s14+$0x0] =	vst.idx.add.s32.msk $0xffff, v3;
	v30 =	vtrunc.f32 v59  }
0xc7: {  	[tilespmem:v37+s14+$0x0] =	vst.idx.add.s32.msk $0xffff, v3;
	v30 =	vcvt.f32.s32 v30  }
0xc8: {  	v40 =	vcvt.f32.s32 v44;
	[tilespmem:v39+s14+$0x0] =	vst.idx.add.s32.msk $0xffff, v3  }
0xc9: {  	v35 =	vsub.f32 v35, v15;
	[tilespmem:v41+s14+$0x0] =	vst.idx.add.s32.msk $0xffff, v3  }
0xca: {  	v54 =	vtrunc.f32 v50;
	v36 =	vcvt.f32.s32 v53;
	[tilespmem:v33+s14+$0x0] =	vst.idx.add.s32.msk $0xffff, v3  }
0xcb: {  	v35 =	vmul.f32 v35, v16;
	v37 =	vcvt.f32.s32 v54;
	v33 =	vld [tilespmem:s0+$0x30]  }
0xcc: {  	[tilespmem:v42+s14+$0x0] =	vst.idx.add.s32.msk $0xffff, v3  }
0xcd: {  	[tilespmem:v30+s14+$0x0] =	vst.idx.add.s32.msk $0xffff, v3;
	v30 =	vtrunc.f32 v35  }
0xce: {  	[tilespmem:v40+s14+$0x0] =	vst.idx.add.s32.msk $0xffff, v3;
	v22 =	vcvt.f32.s32 v30  }
0xcf: {  	v40 =	vld [tilespmem:s0+$0x410]  }
0xd0: {  	[tilespmem:v36+s14+$0x0] =	vst.idx.add.s32.msk $0xffff, v3  }
0xd1: {  	[tilespmem:v37+s14+$0x0] =	vst.idx.add.s32.msk $0xffff, v3  }
0xd2: {  	v36 =	vld [tilespmem:s0+$0x50]  }
0xd3: {  	v14 =	vsub.f32 v14, v15;
	v37 =	vld [tilespmem:s0+$0x60]  }
0xd4: {  	v12 =	vsub.f32 v12, v15;
	[tilespmem:v22+s14+$0x0] =	vst.idx.add.s32.msk $0xffff, v3  }
0xd5: {  	v13 =	vsub.f32 v13, v15;
	v14 =	vmul.f32 v14, v16;
	v6 =	vld [tilespmem:$0x1FE60]  }
0xd6: {  	v12 =	vmul.f32 v12, v16;
	v59 =	vld [tilespmem:s0+$0x430]  }
0xd7: {  	s31 =	simm.s32 $0x2200;
	v13 =	vmul.f32 v13, v16;
	v14 =	vtrunc.f32 v14;
	v30 =	vld [tilespmem:s0+$0x20]  }
0xd8: {  	v12 =	vtrunc.f32 v12;
	v14 =	vcvt.f32.s32 v14;
	v22 =	vld [tilespmem:s0+$0x0];
	s0 =	sand.u32 $0x7FFFF800, s31  }
0xd9: {  	v13 =	vtrunc.f32 v13;
	v12 =	vcvt.f32.s32 v12;
	s0 =	sadd.s32 s0, s24  }
0xda: {  	v13 =	vcvt.f32.s32 v13;
	v26 =	vsub.f32 v26, v1;
	s0 =	sor.u32 s26, s0;
	v6 =	vsub.f32 v6, v15  }
0xdb: {  	v24 =	vsub.f32 v24, v1;
	v17 =	vsub.f32 v19, v1;
	v48 =	vld [tilespmem:s0+$0x0]  }
0xdc: {  	v19 =	vsub.f32 v21, v1;
	v21 =	vsub.f32 v34, v1;
	v15 =	vld [tilespmem:$0x1FE70];
	v6 =	vmul.f32 v6, v16  }
0xdd: {  	v0 =	vsub.f32 v0, v1;
	v25 =	vsub.f32 v32, v1;
	v63 =	vld [tilespmem:s0+$0x40]  }
0xde: {  	[tilespmem:v14+s14+$0x0] =	vst.idx.add.s32.msk $0xffff, v3;
	v14 =	vmul.f32 v17, v2;
	v16 =	vsub.f32 v18, v1;
	v6 =	vtrunc.f32 v6  }
0xdf: {  	[tilespmem:v12+s14+$0x0] =	vst.idx.add.s32.msk $0xffff, v3;
	v18 =	vsub.f32 v20, v1;
	v20 =	vsub.f32 v49, v1;
	v6 =	vcvt.f32.s32 v6  }
0xe0: {  	[tilespmem:v13+s14+$0x0] =	vst.idx.add.s32.msk $0xffff, v3;
	v12 =	vmul.f32 v16, v2;
	v16 =	vmul.f32 v19, v2  }
0xe1: {  	v52 =	vld [tilespmem:s0+$0x50];
	v17 =	vmul.f32 v20, v2;
	v19 =	vsub.f32 v29, v1;
	v15 =	vsub.f32 v15, v1  }
0xe2: {  	v53 =	vld [tilespmem:s0+$0x60];
	v20 =	vmul.f32 v21, v2;
	v29 =	vmul.f32 v0, v2;
	v0 =	vsub.f32 v22, v7  }
0xe3: {  	v13 =	vsub.f32 v62, v1;
	v62 =	vld [tilespmem:s0+$0x30];
	v21 =	vmul.f32 v24, v2;
	v15 =	vmul.f32 v15, v2  }
0xe4: {  	v49 =	vld [tilespmem:s0+$0x20];
	v24 =	vmul.f32 v25, v2;
	v0 =	vmul.f32 v0, v8  }
0xe5: {  	v25 =	vmul.f32 v26, v2;
	v26 =	vsub.f32 v31, v1;
	[tilespmem:v6+s14+$0x0] =	vst.idx.add.s32.msk $0xffff, v3;
	v6 =	vtrunc.f32 v15  }
0xe6: {  	v15 =	vmul.f32 v18, v2;
	v18 =	vsub.f32 v46, v1;
	v46 =	vld [tilespmem:s0+$0x10];
	[tilespmem:$0x1FEA0] =	vst v0;
	v0 =	vsub.f32 v33, v7  }
0xe7: {  	v22 =	vmul.f32 v26, v2;
	v26 =	vsub.f32 v36, v7  }
0xe8: {  	v33 =	vmul.f32 v0, v8;
	v0 =	vsub.f32 v37, v7  }
0xe9: {  	v10 =	vsub.f32 v10, v1;
	v1 =	vmul.f32 v26, v8;
	v54 =	vld [tilespmem:s0+$0x70]  }
0xea: {  	v55 =	vld [tilespmem:s0+$0x400];
	v0 =	vmul.f32 v0, v8  }
0xeb: {  	v37 =	vld [tilespmem:s0+$0x410];
	[tilespmem:$0x1FEB0] =	vst v1  }
0xec: {  	v31 =	vsub.f32 v38, v7;
	v38 =	vld [tilespmem:s0+$0x420];
	[tilespmem:$0x1FEC0] =	vst v0;
	v0 =	vsub.f32 v40, v7;
	_ =	sdelay $0x1  }
0xed: {  	v58 =	vsub.f32 v58, v7;
	v0 =	vmul.f32 v0, v8  }
0xee: {  	v60 =	vsub.f32 v60, v7;
	v59 =	vsub.f32 v59, v7;
	v39 =	vld [tilespmem:s0+$0x430]  }
0xef: {  	v57 =	vsub.f32 v57, v7;
	v34 =	vmul.f32 v58, v8;
	v40 =	vld [tilespmem:s0+$0x440];
	[tilespmem:$0x1FED0] =	vst v0;
	v0 =	vsub.f32 v43, v7  }
0xf0: {  	v61 =	vsub.f32 v61, v7;
	v42 =	vmul.f32 v60, v8;
	v1 =	vmul.f32 v59, v8  }
0xf1: {  	v28 =	vmul.f32 v19, v2;
	v19 =	vsub.f32 v30, v7;
	v0 =	vmul.f32 v0, v8  }
0xf2: {  	v27 =	vmul.f32 v18, v2;
	v18 =	vsub.f32 v23, v7;
	v23 =	vsub.f32 v56, v7;
	v41 =	vld [tilespmem:s0+$0x450];
	[tilespmem:$0x1FEE0] =	vst v1  }
0xf3: {  	s1 =	sshll.u32 s23, $0x8;
	v32 =	vmul.f32 v57, v8;
	v44 =	vld [tilespmem:s0+$0x460];
	[tilespmem:$0x1FEF0] =	vst v0;
	v0 =	vsub.f32 v47, v7;
	v7 =	vsub.f32 v48, v4  }
0xf4: {  	s1 =	sand.u32 $0x3800, s1;
	v31 =	vmul.f32 v31, v8;
	v1 =	vmul.f32 v61, v8  }
0xf5: {  	s1 =	sor.u32 s1, s24;
	v46 =	vsub.f32 v46, v4;
	v43 =	vmul.f32 v0, v8;
	v0 =	vmul.f32 v7, v5  }
0xf6: {  	s1 =	sor.u32 s25, s1;
	v19 =	vmul.f32 v19, v8;
	v18 =	vmul.f32 v18, v8;
	v45 =	vld [tilespmem:s0+$0x470];
	[tilespmem:$0x1FF00] =	vst v1  }
0xf7: {  	v23 =	vmul.f32 v23, v8;
	v47 =	vld [tilespmem:s1+$0x0];
	v8 =	vsub.f32 v49, v4;
	[tilespmem:$0x1FF10] =	vst v0;
	v0 =	vmul.f32 v46, v5;
	_ =	sdelay $0x1  }
0xf8: {  	v62 =	vsub.f32 v62, v4;
	v48 =	vld [tilespmem:s1+$0x10];
	[tilespmem:$0x1FF20] =	vst v0;
	v0 =	vmul.f32 v8, v5;
	_ =	sdelay $0x1  }
0xf9: {  	v63 =	vsub.f32 v63, v4;
	v51 =	vld [tilespmem:s1+$0x20];
	[tilespmem:$0x1FF30] =	vst v0;
	v0 =	vmul.f32 v62, v5;
	_ =	sdelay $0x1  }
0xfa: {  	v52 =	vsub.f32 v52, v4;
	v56 =	vld [tilespmem:s1+$0x30];
	[tilespmem:$0x1FF40] =	vst v0;
	v0 =	vmul.f32 v63, v5;
	_ =	sdelay $0x1  }
0xfb: {  	v53 =	vsub.f32 v53, v4;
	[tilespmem:$0x1FF50] =	vst v0;
	v0 =	vmul.f32 v52, v5;
	_ =	sdelay $0x1  }
0xfc: {  	v54 =	vsub.f32 v54, v4;
	v57 =	vld [tilespmem:s1+$0x40];
	[tilespmem:$0x1FF60] =	vst v0;
	v0 =	vmul.f32 v53, v5;
	_ =	sdelay $0x1  }
0xfd: {  	v55 =	vsub.f32 v55, v4;
	[tilespmem:$0x1FF70] =	vst v0;
	v0 =	vmul.f32 v54, v5;
	_ =	sdelay $0x1  }
0xfe: {  	v37 =	vsub.f32 v37, v4;
	v58 =	vld [tilespmem:s1+$0x50];
	[tilespmem:$0x1FF80] =	vst v0;
	v0 =	vmul.f32 v55, v5;
	_ =	sdelay $0x1  }
0xff: {  	v38 =	vsub.f32 v38, v4;
	v59 =	vld [tilespmem:s1+$0x60];
	[tilespmem:$0x1FF90] =	vst v0;
	v0 =	vmul.f32 v37, v5;
	_ =	sdelay $0x1  }
0x100: {  	v39 =	vsub.f32 v39, v4;
	v60 =	vld [tilespmem:s1+$0x70];
	[tilespmem:$0x1FFA0] =	vst v0;
	v0 =	vmul.f32 v38, v5;
	_ =	sdelay $0x1  }
0x101: {  	v40 =	vsub.f32 v40, v4;
	[tilespmem:$0x1FFB0] =	vst v0;
	v0 =	vmul.f32 v39, v5;
	_ =	sdelay $0x1  }
0x102: {  	v41 =	vsub.f32 v41, v4;
	v35 =	vld [tilespmem:s1+$0x400];
	[tilespmem:$0x1FFC0] =	vst v0;
	v0 =	vmul.f32 v40, v5;
	_ =	sdelay $0x1  }
0x103: {  	v44 =	vsub.f32 v44, v4;
	[tilespmem:$0x1FFD0] =	vst v0;
	v0 =	vmul.f32 v41, v5;
	_ =	sdelay $0x1  }
0x104: {  	v36 =	vld [tilespmem:s1+$0x410];
	[tilespmem:$0x1FFE0] =	vst v0;
	v0 =	vmul.f32 v44, v5;
	_ =	sdelay $0x1  }
0x105: {  	v38 =	vld [tilespmem:s1+$0x420];
	[tilespmem:$0x1FFF0] =	vst v0  }
0x106: {  	v39 =	vld [tilespmem:s1+$0x430]  }
0x107: {  	v1 =	vld [tilespmem:s1+$0x450]  }
0x108: {  	v10 =	vmul.f32 v10, v2;
	v13 =	vmul.f32 v13, v2;
	v2 =	vld [tilespmem:s1+$0x460]  }
0x109: {  	v0 =	vld [tilespmem:s1+$0x470];
	_ =	sdelay $0x2  }
0x10a: {  	v4 =	vsub.f32 v45, v4  }
0x10b: {  	v29 =	vtrunc.f32 v29;
	v63 =	vsub.f32 v39, v9;
	v1 =	vsub.f32 v1, v9  }
0x10c: {  	v53 =	vmul.f32 v4, v5;
	v2 =	vsub.f32 v2, v9;
	v0 =	vsub.f32 v0, v9  }
0x10d: {  	v4 =	vmul.f32 v63, v11;
	v63 =	vmul.f32 v1, v11  }
0x10e: {  	v26 =	vmul.f32 v2, v11;
	v50 =	vmul.f32 v0, v11  }
0x10f: {  	v2 =	vtrunc.f32 v10;
	v1 =	vtrunc.f32 v12  }
0x110: {  	v0 =	vcvt.f32.s32 v2;
	v2 =	vtrunc.f32 v22  }
0x111: {  	v22 =	vcvt.f32.s32 v1;
	v1 =	vcvt.f32.s32 v29;
	_ =	sdelay $0x1  }
0x112: {  	v41 =	vld [tilespmem:s1+$0x440];
	[tilespmem:$0x1FE80] =	vst v1;
	v1 =	vcvt.f32.s32 v2;
	_ =	sdelay $0x1  }
0x113: {  	[tilespmem:$0x1FE90] =	vst v1;
	v1 =	vld [tilespmem:$0x1FEA0];
	_ =	sdelay $0x4  }
0x114: {  	v48 =	vsub.f32 v48, v9;
	v51 =	vsub.f32 v51, v9;
	v29 =	vtrunc.f32 v1;
	v1 =	vld [tilespmem:$0x1FEB0]  }
0x115: {  	v57 =	vsub.f32 v57, v9;
	v37 =	vsub.f32 v47, v9  }
0x116: {  	v58 =	vsub.f32 v58, v9;
	v59 =	vsub.f32 v59, v9  }
0x117: {  	v40 =	vsub.f32 v56, v9;
	v60 =	vsub.f32 v60, v9  }
0x118: {  	v61 =	vsub.f32 v35, v9;
	v62 =	vsub.f32 v36, v9  }
0x119: {  	v47 =	vsub.f32 v38, v9;
	v56 =	vsub.f32 v41, v9;
	v9 =	vtrunc.f32 v1;
	v1 =	vld [tilespmem:$0x1FEC0];
	_ =	sdelay $0x4  }
0x11a: {  	v10 =	vtrunc.f32 v1;
	v1 =	vld [tilespmem:$0x1FED0];
	_ =	sdelay $0x4  }
0x11b: {  	v5 =	vtrunc.f32 v18;
	v18 =	vtrunc.f32 v1;
	v1 =	vld [tilespmem:$0x1FEE0];
	_ =	sdelay $0x4  }
0x11c: {  	v8 =	vtrunc.f32 v23;
	v23 =	vtrunc.f32 v1;
	v1 =	vld [tilespmem:$0x1FEF0];
	_ =	sdelay $0x3  }
0x11d: {  	v25 =	vtrunc.f32 v25  }
0x11e: {  	v30 =	vcvt.f32.s32 v25;
	v25 =	vtrunc.f32 v1;
	v1 =	vld [tilespmem:$0x1FF00];
	_ =	sdelay $0x3  }
0x11f: {  	v28 =	vtrunc.f32 v28  }
0x120: {  	v46 =	vcvt.f32.s32 v28;
	v28 =	vtrunc.f32 v1;
	v1 =	vld [tilespmem:$0x1FF10];
	_ =	sdelay $0x4  }
0x121: {  	v12 =	vtrunc.f32 v31;
	v31 =	vtrunc.f32 v1;
	v1 =	vld [tilespmem:$0x1FF20];
	_ =	sdelay $0x2  }
0x122: {  	v13 =	vtrunc.f32 v13  }
0x123: {  	v35 =	vcvt.f32.s32 v13  }
0x124: {  	v13 =	vtrunc.f32 v32;
	v32 =	vtrunc.f32 v1;
	v1 =	vld [tilespmem:$0x1FF30];
	_ =	sdelay $0x1  }
0x125: {  	v7 =	vtrunc.f32 v33;
	v52 =	vmul.f32 v48, v11  }
0x126: {  	v54 =	vmul.f32 v51, v11;
	v57 =	vmul.f32 v57, v11  }
0x127: {  	v55 =	vmul.f32 v37, v11;
	v58 =	vmul.f32 v58, v11  }
0x128: {  	v59 =	vmul.f32 v59, v11;
	v33 =	vtrunc.f32 v1;
	v1 =	vld [tilespmem:$0x1FF40]  }
0x129: {  	v51 =	vmul.f32 v40, v11;
	v60 =	vmul.f32 v60, v11  }
0x12a: {  	v61 =	vmul.f32 v61, v11;
	v62 =	vmul.f32 v62, v11  }
0x12b: {  	v49 =	vmul.f32 v47, v11;
	v56 =	vmul.f32 v56, v11  }
0x12c: {  	v11 =	vcvt.f32.s32 v6;
	v6 =	vtrunc.f32 v19  }
0x12d: {  	v19 =	vtrunc.f32 v34;
	v34 =	vtrunc.f32 v1;
	v1 =	vld [tilespmem:$0x1FF50];
	_ =	sdelay $0x4  }
0x12e: {  	v37 =	vtrunc.f32 v1;
	v1 =	vld [tilespmem:$0x1FF60];
	_ =	sdelay $0x4  }
0x12f: {  	v38 =	vtrunc.f32 v1;
	v1 =	vld [tilespmem:$0x1FF70];
	_ =	sdelay $0x4  }
0x130: {  	v39 =	vtrunc.f32 v1;
	v1 =	vld [tilespmem:$0x1FF80];
	_ =	sdelay $0x4  }
0x131: {  	v40 =	vtrunc.f32 v1;
	v1 =	vld [tilespmem:$0x1FF90];
	_ =	sdelay $0x4  }
0x132: {  	v41 =	vtrunc.f32 v1;
	v1 =	vld [tilespmem:$0x1FFA0];
	_ =	sdelay $0x2  }
0x133: {  	v27 =	vtrunc.f32 v27  }
0x134: {  	v36 =	vcvt.f32.s32 v27  }
0x135: {  	v27 =	vtrunc.f32 v42;
	v42 =	vtrunc.f32 v1;
	v1 =	vld [tilespmem:$0x1FFB0];
	_ =	sdelay $0x4  }
0x136: {  	v44 =	vtrunc.f32 v1;
	v1 =	vld [tilespmem:$0x1FFC0];
	_ =	sdelay $0x4  }
0x137: {  	v45 =	vtrunc.f32 v1;
	v1 =	vld [tilespmem:$0x1FFD0]  }
0x138: {  	v14 =	vtrunc.f32 v14  }
0x139: {  	v14 =	vcvt.f32.s32 v14;
	v16 =	vtrunc.f32 v16  }
0x13a: {  	v17 =	vtrunc.f32 v17;
	v20 =	vtrunc.f32 v20  }
0x13b: {  	v21 =	vtrunc.f32 v21;
	v24 =	vtrunc.f32 v24  }
0x13c: {  	v16 =	vcvt.f32.s32 v16;
	v47 =	vtrunc.f32 v1;
	v1 =	vld [tilespmem:$0x1FFE0]  }
0x13d: {  	v17 =	vcvt.f32.s32 v17;
	v20 =	vcvt.f32.s32 v20  }
0x13e: {  	v21 =	vcvt.f32.s32 v21;
	v15 =	vtrunc.f32 v15  }
0x13f: {  	v24 =	vcvt.f32.s32 v24;
	v15 =	vcvt.f32.s32 v15  }
0x140: {  	v7 =	vcvt.f32.s32 v7;
	v43 =	vtrunc.f32 v43;
	[tilespmem:v11+s14+$0x0] =	vst.idx.add.s32.msk $0xffff, v3  }
0x141: {  	v43 =	vcvt.f32.s32 v43;
	v48 =	vtrunc.f32 v1;
	v1 =	vld [tilespmem:$0x1FFF0]  }
0x142: {  	v8 =	vcvt.f32.s32 v8;
	v52 =	vtrunc.f32 v52;
	[tilespmem:v0+s14+$0x0] =	vst.idx.add.s32.msk $0xffff, v3  }
0x143: {  	v53 =	vtrunc.f32 v53;
	v51 =	vtrunc.f32 v51;
	[tilespmem:v22+s14+$0x0] =	vst.idx.add.s32.msk $0xffff, v3  }
0x144: {  	v5 =	vcvt.f32.s32 v5;
	v13 =	vcvt.f32.s32 v13;
	[tilespmem:v14+s14+$0x0] =	vst.idx.add.s32.msk $0xffff, v3  }
0x145: {  	v27 =	vcvt.f32.s32 v27;
	v49 =	vtrunc.f32 v49;
	[tilespmem:v15+s14+$0x0] =	vst.idx.add.s32.msk $0xffff, v3  }
0x146: {  	v6 =	vcvt.f32.s32 v6;
	v12 =	vcvt.f32.s32 v12;
	[tilespmem:v16+s14+$0x0] =	vst.idx.add.s32.msk $0xffff, v3  }
0x147: {  	v9 =	vcvt.f32.s32 v9;
	v10 =	vcvt.f32.s32 v10;
	[tilespmem:v17+s14+$0x0] =	vst.idx.add.s32.msk $0xffff, v3  }
0x148: {  	v34 =	vcvt.f32.s32 v34;
	v45 =	vcvt.f32.s32 v45;
	[tilespmem:v20+s14+$0x0] =	vst.idx.add.s32.msk $0xffff, v3  }
0x149: {  	v0 =	vtrunc.f32 v55;
	v22 =	vtrunc.f32 v54;
	[tilespmem:v21+s14+$0x0] =	vst.idx.add.s32.msk $0xffff, v3  }
0x14a: {  	v54 =	vtrunc.f32 v57;
	v55 =	vtrunc.f32 v58;
	[tilespmem:v24+s14+$0x0] =	vst.idx.add.s32.msk $0xffff, v3  }
0x14b: {  	v57 =	vtrunc.f32 v59;
	v58 =	vtrunc.f32 v60;
	[tilespmem:v30+s14+$0x0] =	vst.idx.add.s32.msk $0xffff, v3  }
0x14c: {  	v59 =	vtrunc.f32 v61;
	v60 =	vtrunc.f32 v62;
	[tilespmem:v35+s14+$0x0] =	vst.idx.add.s32.msk $0xffff, v3  }
0x14d: {  	v61 =	vtrunc.f32 v4;
	v20 =	vtrunc.f32 v56;
	[tilespmem:v36+s14+$0x0] =	vst.idx.add.s32.msk $0xffff, v3  }
0x14e: {  	v62 =	vtrunc.f32 v63;
	v4 =	vtrunc.f32 v26;
	[tilespmem:v46+s14+$0x0] =	vst.idx.add.s32.msk $0xffff, v3  }
0x14f: {  	v14 =	vcvt.f32.s32 v29;
	v26 =	vtrunc.f32 v50;
	[tilespmem:v5+s14+$0x0] =	vst.idx.add.s32.msk $0xffff, v3  }
0x150: {  	v15 =	vcvt.f32.s32 v18;
	v16 =	vcvt.f32.s32 v23;
	[tilespmem:v6+s14+$0x0] =	vst.idx.add.s32.msk $0xffff, v3  }
0x151: {  	v5 =	vcvt.f32.s32 v25;
	v6 =	vcvt.f32.s32 v28;
	[tilespmem:v7+s14+$0x0] =	vst.idx.add.s32.msk $0xffff, v3  }
0x152: {  	v7 =	vcvt.f32.s32 v31;
	v63 =	vcvt.f32.s32 v32;
	[tilespmem:v8+s14+$0x0] =	vst.idx.add.s32.msk $0xffff, v3  }
0x153: {  	v36 =	vcvt.f32.s32 v33;
	[tilespmem:v9+s14+$0x0] =	vst.idx.add.s32.msk $0xffff, v3;
	v35 =	vcvt.f32.s32 v37  }
0x154: {  	v32 =	vcvt.f32.s32 v38;
	[tilespmem:v10+s14+$0x0] =	vst.idx.add.s32.msk $0xffff, v3;
	v33 =	vcvt.f32.s32 v39  }
0x155: {  	v31 =	vcvt.f32.s32 v40;
	[tilespmem:v12+s14+$0x0] =	vst.idx.add.s32.msk $0xffff, v3;
	v30 =	vcvt.f32.s32 v41  }
0x156: {  	v29 =	vcvt.f32.s32 v42;
	[tilespmem:v13+s14+$0x0] =	vst.idx.add.s32.msk $0xffff, v3;
	v28 =	vcvt.f32.s32 v44  }
0x157: {  	v44 =	vcvt.f32.s32 v47;
	v40 =	vcvt.f32.s32 v53;
	[tilespmem:v27+s14+$0x0] =	vst.idx.add.s32.msk $0xffff, v3  }
0x158: {  	v37 =	vcvt.f32.s32 v52;
	v21 =	vcvt.f32.s32 v51;
	[tilespmem:v43+s14+$0x0] =	vst.idx.add.s32.msk $0xffff, v3  }
0x159: {  	v42 =	vcvt.f32.s32 v48;
	v39 =	vcvt.f32.s32 v0;
	[tilespmem:v14+s14+$0x0] =	vst.idx.add.s32.msk $0xffff, v3  }
0x15a: {  	v38 =	vcvt.f32.s32 v22;
	v14 =	vcvt.f32.s32 v19;
	[tilespmem:v15+s14+$0x0] =	vst.idx.add.s32.msk $0xffff, v3  }
0x15b: {  	v25 =	vcvt.f32.s32 v54;
	v12 =	vcvt.f32.s32 v55;
	[tilespmem:v16+s14+$0x0] =	vst.idx.add.s32.msk $0xffff, v3  }
0x15c: {  	v9 =	vcvt.f32.s32 v58;
	v8 =	vcvt.f32.s32 v60;
	[tilespmem:v5+s14+$0x0] =	vst.idx.add.s32.msk $0xffff, v3  }
0x15d: {  	v2 =	vcvt.f32.s32 v62;
	v11 =	vtrunc.f32 v1;
	[tilespmem:v6+s14+$0x0] =	vst.idx.add.s32.msk $0xffff, v3  }
0x15e: {  	v1 =	vcvt.f32.s32 v59;
	v41 =	vcvt.f32.s32 v11;
	[tilespmem:v7+s14+$0x0] =	vst.idx.add.s32.msk $0xffff, v3  }
0x15f: {  	v19 =	vcvt.f32.s32 v57;
	v7 =	vcvt.f32.s32 v49;
	[tilespmem:v63+s14+$0x0] =	vst.idx.add.s32.msk $0xffff, v3  }
0x160: {  	s4 =	simm.s32 $0x0;
	s26 =	simm.s32 $0x0;
	s1 =	simm.s32 $0x0;
	v5 =	vcvt.f32.s32 v61;
	v6 =	vcvt.f32.s32 v20;
	[tilespmem:v14+s14+$0x0] =	vst.idx.add.s32.msk $0xffff, v3  }
.LBB2_5:
0x161: {  	s25 =	sadd.s32 $0x4, s5  }
0x162: {  	s1 =	sadd.s32 $0x4, s1;
	s24 =	sadd.s32 $0x200, s12;
	s26 =	sadd.s32 $0x400, s26  }
0x163: {  	s4 =	sadd.s32 $0x800, s4;
	[tilespmem:v36+s14+$0x0] =	vst.idx.add.s32.msk $0xffff, v3;
	s31 =	sor.u32 $0x20, s25;
	[dreg:$0x4] =	wrdreg s1  }
0x164: {  	[tilespmem:v34+s14+$0x0] =	vst.idx.add.s32.msk $0xffff, v3;
	[dreg:$0x6] =	wrdreg s4;
	s19 =	sshra.s32 s4, $0x2;
	s28 =	sand.u32 $0x380, s24  }
0x165: {  	[tilespmem:v35+s14+$0x0] =	vst.idx.add.s32.msk $0xffff, v3;
	s10 =	sadd.s32 $0xFFFFFE80, s24;
	s0 =	sshll.u32 s31, $0x8;
	s1 =	rddreg [dreg:$0x4]  }
0x166: {  	[tilespmem:v32+s14+$0x0] =	vst.idx.add.s32.msk $0xffff, v3;
	s29 =	sadd.s32 $0x13C00, s19;
	s1 =	sshrl.u32 s1, $0x5;
	s3 =	sand.u32 $0x3800, s0  }
0x167: {  	[tilespmem:v33+s14+$0x0] =	vst.idx.add.s32.msk $0xffff, v3;
	s0 =	sand.u32 $0x4000, s4;
	s2 =	sshll.u32 s1, $0xD;
	s17 =	sshll.u32 s1, $0xE  }
0x168: {  	[tilespmem:v31+s14+$0x0] =	vst.idx.add.s32.msk $0xffff, v3;
	s4 =	sadd.s32 $0x11C00, s19;
	s16 =	ssub.s32 s26, s2;
	s1 =	ssub.s32 $0x600, s17  }
0x169: {  	[tilespmem:v30+s14+$0x0] =	vst.idx.add.s32.msk $0xffff, v3;
	s23 =	ssub.s32 $0x400, s17;
	s30 =	ssub.s32 $0x200, s17;
	s20 =	sadd.s32 $0x300, s16  }
0x16a: {  	[tilespmem:v29+s14+$0x0] =	vst.idx.add.s32.msk $0xffff, v3;
	s1 =	sshra.s32 s1, $0x2;
	s8 =	sadd.s32 $0x100, s16;
	s9 =	sadd.s32 $0x200, s16  }
0x16b: {  	v0 =	vcvt.f32.s32 v4;
	[tilespmem:v28+s14+$0x0] =	vst.idx.add.s32.msk $0xffff, v3;
	s19 =	sshra.s32 s23, $0x2;
	s5 =	sand.u32 $0xFFFFF800, s20;
	s6 =	sadd.s32 s1, s4  }
0x16c: {  	s22 =	sand.u32 $0xFFFFF800, s9;
	s1 =	sadd.s32 s1, s29;
	s9 =	sshra.s32 s30, $0x2;
	v4 =	vld [tilespmem:s6+$0x0]  }
0x16d: {  	[tilespmem:$0x1FDB0] =	vst v0;
	v0 =	vcvt.f32.s32 v26;
	s21 =	sand.u32 $0xFFFFF800, s8;
	s5 =	sadd.s32 s5, s0;
	v26 =	vld [tilespmem:s1+$0x0];
	s8 =	sadd.s32 s9, s4  }
0x16e: {  	[tilespmem:$0x1FD20] =	vst v12;
	s6 =	sand.u32 $0x200, s10;
	s1 =	sand.u32 $0xE00, s10;
	s10 =	sadd.s32 s19, s4;
	v12 =	vld [tilespmem:s8+$0x0]  }
0x16f: {  	s7 =	sor.u32 s28, s5;
	v13 =	vld [tilespmem:s10+$0x0]  }
0x170: {  	[tilespmem:$0x1FDC0] =	vst v0;
	v0 =	vld [tilespmem:s7+$0x470]  }
0x171: {  	v27 =	vld [tilespmem:s7+$0x0]  }
0x172: {  	v28 =	vld [tilespmem:s7+$0x10]  }
0x173: {  	s13 =	sadd.s32 $0xFFFFFF00, s24;
	v29 =	vld [tilespmem:s7+$0x20]  }
0x174: {  	s30 =	sand.u32 $0x280, s13;
	s12 =	sadd.s32 s21, s0;
	v31 =	vld [tilespmem:s7+$0x30]  }
0x175: {  	s13 =	sor.u32 s30, s12;
	v59 =	vld [tilespmem:s7+$0x40]  }
0x176: {  	v17 =	vld [tilespmem:s13+$0x0]  }
0x177: {  	v35 =	vld [tilespmem:s13+$0x10]  }
0x178: {  	v36 =	vld [tilespmem:s13+$0x20]  }
0x179: {  	[tilespmem:$0x1FCC0] =	vst v37;
	v37 =	vld [tilespmem:s13+$0x30]  }
0x17a: {  	[tilespmem:$0x1FCE0] =	vst v38;
	v38 =	vld [tilespmem:s13+$0x40]  }
0x17b: {  	[tilespmem:$0x1FCB0] =	vst v39;
	v39 =	vld [tilespmem:s13+$0x50]  }
0x17c: {  	v14 =	vld [tilespmem:s13+$0x60]  }
0x17d: {  	[tilespmem:$0x1FD00] =	vst v21;
	v21 =	vld [tilespmem:s13+$0x70]  }
0x17e: {  	v57 =	vld [tilespmem:s13+$0x400]  }
0x17f: {  	[tilespmem:$0x1FDA0] =	vst v2;
	v2 =	vld [tilespmem:s13+$0x410]  }
0x180: {  	v49 =	vld [tilespmem:s13+$0x420]  }
0x181: {  	[tilespmem:$0x1FD70] =	vst v7;
	v7 =	vld [tilespmem:s7+$0x420]  }
0x182: {  	v58 =	vld [tilespmem:s13+$0x430]  }
0x183: {  	v50 =	vld [tilespmem:s13+$0x440];
	v27 =	vsub.f32 v27, v4  }
0x184: {  	[tilespmem:$0x1FD10] =	vst v25;
	v25 =	vld [tilespmem:s13+$0x450]  }
0x185: {  	v51 =	vld [tilespmem:s13+$0x460];
	v27 =	vmul.f32 v27, v26  }
0x186: {  	[tilespmem:$0x1FD80] =	vst v5;
	v5 =	vld [tilespmem:s7+$0x60];
	v7 =	vsub.f32 v7, v4  }
0x187: {  	[tilespmem:$0x1FD60] =	vst v8;
	v20 =	vld [tilespmem:s7+$0x70];
	v28 =	vsub.f32 v28, v4;
	v27 =	vtrunc.f32 v27  }
0x188: {  	[tilespmem:$0x1FD50] =	vst v1;
	v22 =	vld [tilespmem:s7+$0x400];
	v29 =	vsub.f32 v29, v4;
	v7 =	vmul.f32 v7, v26;
	v1 =	vcvt.f32.s32 v27  }
0x189: {  	[tilespmem:$0x1FD90] =	vst v6;
	v6 =	vld [tilespmem:s7+$0x410];
	v28 =	vmul.f32 v28, v26  }
0x18a: {  	v8 =	vld [tilespmem:s7+$0x430];
	v0 =	vsub.f32 v0, v4;
	v29 =	vmul.f32 v29, v26;
	v7 =	vtrunc.f32 v7;
	[tilespmem:$0x1FB30] =	vst v1  }
0x18b: {  	[tilespmem:$0x1FC90] =	vst v41;
	s11 =	sand.u32 $0x1800, s26;
	v31 =	vsub.f32 v31, v4;
	v60 =	vtrunc.f32 v28;
	v41 =	vcvt.f32.s32 v7;
	v7 =	vld [tilespmem:$0x1FB30]  }
0x18c: {  	[tilespmem:$0x1FD40] =	vst v9;
	s11 =	sor.u32 s11, s0;
	s2 =	sadd.s32 s19, s29;
	v9 =	vld [tilespmem:s7+$0x440];
	v0 =	vmul.f32 v0, v26;
	v1 =	vcvt.f32.s32 v60  }
0x18d: {  	s20 =	ssub.s32 $0x4400, s17;
	s19 =	ssub.s32 $0x4200, s17;
	s17 =	ssub.s32 $0x4600, s17;
	v10 =	vld [tilespmem:s7+$0x450];
	v28 =	vmul.f32 v31, v26;
	v61 =	vtrunc.f32 v29  }
0x18e: {  	s11 =	sor.u32 s6, s11;
	s23 =	sshra.s32 s17, $0x2;
	v11 =	vld [tilespmem:s7+$0x460];
	[tilespmem:$0x1FB40] =	vst v1;
	v1 =	vcvt.f32.s32 v61  }
0x18f: {  	s15 =	sadd.s32 $0xFFFFFF80, s24;
	s18 =	sadd.s32 s22, s0;
	s22 =	sadd.s32 s23, s4;
	v15 =	vld [tilespmem:s11+$0x10];
	v0 =	vtrunc.f32 v0;
	v62 =	vtrunc.f32 v28  }
0x190: {  	s5 =	sand.u32 $0x300, s15;
	v31 =	vld [tilespmem:s22+$0x0];
	s22 =	sadd.s32 s23, s29;
	v0 =	vcvt.f32.s32 v0;
	[tilespmem:$0x1FB80] =	vst v1;
	v1 =	vcvt.f32.s32 v62  }
0x191: {  	s18 =	sor.u32 s5, s18;
	v28 =	vld [tilespmem:s22+$0x0]  }
0x192: {  	v32 =	vsub.f32 v59, v4;
	[tilespmem:$0x1FBA0] =	vst v1;
	v1 =	vld [tilespmem:s18+$0x10]  }
0x193: {  	[tilespmem:v7+s14+$0x0] =	vst.idx.add.s32.msk $0xffff, v3  }
0x194: {  	s9 =	sadd.s32 s9, s29;
	s21 =	sadd.s32 $0x2200, s16;
	s15 =	sadd.s32 $0x2100, s16;
	v32 =	vmul.f32 v32, v26;
	v7 =	vld [tilespmem:$0x1FB40]  }
0x195: {  	s21 =	sand.u32 $0x7FFFF800, s21;
	s12 =	sshra.s32 s20, $0x2;
	s16 =	sadd.s32 $0x2300, s16;
	v16 =	vld [tilespmem:s11+$0x20]  }
0x196: {  	s20 =	sor.u32 s3, s0;
	s15 =	sand.u32 $0x7FFFF800, s15;
	s23 =	sand.u32 $0x7FFFF800, s16;
	v63 =	vtrunc.f32 v32;
	[tilespmem:v0+s14+$0x0] =	vst.idx.add.s32.msk $0xffff, v3  }
0x197: {  	s21 =	sadd.s32 s21, s0;
	s15 =	sadd.s32 s15, s0;
	v59 =	vsub.f32 v49, v12;
	s0 =	sadd.s32 s23, s0;
	v0 =	vcvt.f32.s32 v63;
	v49 =	vsub.f32 v1, v13;
	v1 =	vld [tilespmem:s9+$0x0]  }
0x198: {  	v30 =	vld [tilespmem:s11+$0x30];
	s0 =	sor.u32 s28, s0  }
0x199: {  	[tilespmem:$0x1FBC0] =	vst v0;
	v0 =	vld [tilespmem:s0+$0x470]  }
0x19a: {  	v18 =	vld [tilespmem:s11+$0x40];
	v17 =	vsub.f32 v17, v12  }
0x19b: {  	[tilespmem:$0x1FD30] =	vst v19;
	v19 =	vld [tilespmem:s11+$0x60]  }
0x19c: {  	v35 =	vsub.f32 v35, v12;
	[tilespmem:v7+s14+$0x0] =	vst.idx.add.s32.msk $0xffff, v3;
	v7 =	vmul.f32 v17, v1  }
0x19d: {  	v23 =	vld [tilespmem:s11+$0x400]  }
0x19e: {  	v24 =	vld [tilespmem:s11+$0x410];
	v36 =	vsub.f32 v36, v12;
	v0 =	vsub.f32 v0, v31;
	[tilespmem:$0x1FC00] =	vst v7;
	v7 =	vmul.f32 v35, v1  }
0x19f: {  	v52 =	vld [tilespmem:s18+$0x0]  }
0x1a0: {  	v53 =	vld [tilespmem:s18+$0x20];
	v37 =	vsub.f32 v37, v12;
	v0 =	vmul.f32 v0, v28;
	[tilespmem:$0x1FC10] =	vst v7;
	v7 =	vmul.f32 v36, v1  }
0x1a1: {  	[tilespmem:$0x1FCA0] =	vst v40;
	v46 =	vld [tilespmem:s18+$0x40]  }
0x1a2: {  	v54 =	vld [tilespmem:s18+$0x50];
	v40 =	vsub.f32 v38, v12;
	v0 =	vtrunc.f32 v0;
	[tilespmem:$0x1FC20] =	vst v7;
	v7 =	vmul.f32 v37, v1  }
0x1a3: {  	v55 =	vld [tilespmem:s18+$0x60];
	v0 =	vcvt.f32.s32 v0  }
0x1a4: {  	[tilespmem:$0x1FC30] =	vst v7;
	v7 =	vmul.f32 v40, v1;
	v40 =	vld [tilespmem:$0x1FB80]  }
0x1a5: {  	v47 =	vld [tilespmem:s18+$0x400]  }
0x1a6: {  	v56 =	vld [tilespmem:s18+$0x410]  }
0x1a7: {  	[tilespmem:$0x1FC70] =	vst v44;
	v44 =	vld [tilespmem:s18+$0x420]  }
0x1a8: {  	v48 =	vld [tilespmem:s18+$0x430]  }
0x1a9: {  	v2 =	vsub.f32 v2, v12;
	[tilespmem:v0+s14+$0x0] =	vst.idx.add.s32.msk $0xffff, v3  }
0x1aa: {  	v0 =	vld [tilespmem:s7+$0x50]  }
0x1ab: {  	v33 =	vld [tilespmem:s18+$0x440];
	v5 =	vsub.f32 v5, v4;
	[tilespmem:$0x1FB90] =	vst v2  }
0x1ac: {  	v20 =	vsub.f32 v20, v4;
	v22 =	vsub.f32 v22, v4;
	[tilespmem:v40+s14+$0x0] =	vst.idx.add.s32.msk $0xffff, v3  }
0x1ad: {  	v6 =	vsub.f32 v6, v4;
	v8 =	vsub.f32 v8, v4;
	v40 =	vld [tilespmem:$0x1FB90]  }
0x1ae: {  	[tilespmem:$0x1FC50] =	vst v45;
	v45 =	vld [tilespmem:s18+$0x450];
	v9 =	vsub.f32 v9, v4;
	v10 =	vsub.f32 v10, v4  }
0x1af: {  	v2 =	vsub.f32 v58, v12;
	v32 =	vld [tilespmem:s18+$0x460];
	v0 =	vsub.f32 v0, v4  }
0x1b0: {  	v29 =	vld [tilespmem:s18+$0x470];
	v4 =	vsub.f32 v11, v4;
	v11 =	vsub.f32 v14, v12  }
0x1b1: {  	v50 =	vsub.f32 v50, v12;
	v6 =	vmul.f32 v6, v26;
	[tilespmem:$0x1FBB0] =	vst v2;
	v2 =	vsub.f32 v25, v12;
	v25 =	vld [tilespmem:s11+$0x420]  }
0x1b2: {  	v0 =	vmul.f32 v0, v26;
	[tilespmem:$0x1FB50] =	vst v11;
	v11 =	vsub.f32 v21, v12;
	v36 =	vmul.f32 v40, v1;
	v40 =	vld [tilespmem:$0x1FBA0]  }
0x1b3: {  	[tilespmem:$0x1FC80] =	vst v42;
	v51 =	vsub.f32 v51, v12;
	v5 =	vmul.f32 v5, v26;
	v6 =	vtrunc.f32 v6;
	v27 =	vld [tilespmem:s11+$0x0]  }
0x1b4: {  	v42 =	vcvt.f32.s32 v6;
	v6 =	vld [tilespmem:s11+$0x460];
	v0 =	vtrunc.f32 v0;
	[tilespmem:$0x1FB60] =	vst v11;
	v11 =	vsub.f32 v57, v12  }
0x1b5: {  	v52 =	vsub.f32 v52, v13;
	v53 =	vsub.f32 v53, v13;
	v60 =	vld [tilespmem:s13+$0x470];
	v0 =	vcvt.f32.s32 v0  }
0x1b6: {  	v46 =	vsub.f32 v46, v13;
	v54 =	vsub.f32 v54, v13;
	v5 =	vtrunc.f32 v5;
	v61 =	vld [tilespmem:s18+$0x30];
	[tilespmem:$0x1FB70] =	vst v11  }
0x1b7: {  	v55 =	vsub.f32 v55, v13;
	v47 =	vsub.f32 v47, v13;
	v62 =	vld [tilespmem:s18+$0x70];
	[tilespmem:$0x1FBE0] =	vst v0;
	v0 =	vcvt.f32.s32 v5  }
0x1b8: {  	v56 =	vsub.f32 v56, v13;
	v20 =	vmul.f32 v20, v26;
	v22 =	vmul.f32 v22, v26;
	v37 =	vld [tilespmem:$0x1FB70]  }
0x1b9: {  	v44 =	vsub.f32 v44, v13;
	v8 =	vmul.f32 v8, v26;
	v9 =	vmul.f32 v9, v26;
	[tilespmem:$0x1FBF0] =	vst v0;
	v0 =	vld [tilespmem:s1+$0x11C00]  }
0x1ba: {  	v48 =	vsub.f32 v48, v13;
	v10 =	vmul.f32 v10, v26;
	v20 =	vtrunc.f32 v20;
	[tilespmem:v40+s14+$0x0] =	vst.idx.add.s32.msk $0xffff, v3  }
0x1bb: {  	v45 =	vsub.f32 v45, v13;
	v22 =	vtrunc.f32 v22;
	v9 =	vtrunc.f32 v9;
	v40 =	vld [tilespmem:$0x1FBB0]  }
0x1bc: {  	v43 =	vcvt.f32.s32 v22;
	v38 =	vcvt.f32.s32 v9;
	v58 =	vsub.f32 v60, v12;
	v60 =	vld [tilespmem:s11+$0x430]  }
0x1bd: {  	v22 =	vsub.f32 v33, v13;
	v63 =	vsub.f32 v39, v12;
	v4 =	vmul.f32 v4, v26;
	v26 =	vld [tilespmem:s11+$0x50]  }
0x1be: {  	v61 =	vsub.f32 v61, v13;
	v62 =	vsub.f32 v62, v13;
	v21 =	vld [tilespmem:s11+$0x70];
	v57 =	vcvt.f32.s32 v20  }
0x1bf: {  	v12 =	vld [tilespmem:s11+$0x440];
	v20 =	vsub.f32 v32, v13;
	v32 =	vsub.f32 v29, v13;
	v35 =	vmul.f32 v37, v1  }
0x1c0: {  	v9 =	vsub.f32 v27, v0;
	v15 =	vsub.f32 v15, v0;
	v37 =	vmul.f32 v40, v1;
	v40 =	vld [tilespmem:$0x1FBC0]  }
0x1c1: {  	v11 =	vld [tilespmem:s11+$0x450];
	v16 =	vsub.f32 v16, v0;
	v14 =	vsub.f32 v30, v0  }
0x1c2: {  	v5 =	vld [tilespmem:s11+$0x470];
	v18 =	vsub.f32 v18, v0;
	v13 =	vsub.f32 v26, v0  }
0x1c3: {  	v19 =	vsub.f32 v19, v0;
	v21 =	vsub.f32 v21, v0  }
0x1c4: {  	v10 =	vtrunc.f32 v10;
	v23 =	vsub.f32 v23, v0;
	v24 =	vsub.f32 v24, v0  }
0x1c5: {  	v34 =	vcvt.f32.s32 v10;
	v25 =	vsub.f32 v25, v0;
	v10 =	vsub.f32 v60, v0  }
0x1c6: {  	v17 =	vld [tilespmem:$0x1FB60];
	v12 =	vsub.f32 v12, v0;
	v11 =	vsub.f32 v11, v0  }
0x1c7: {  	[tilespmem:$0x1FBD0] =	vst v2;
	v6 =	vsub.f32 v6, v0;
	v5 =	vsub.f32 v5, v0;
	v0 =	vld [tilespmem:$0x1FB50]  }
0x1c8: {  	[tilespmem:v40+s14+$0x0] =	vst.idx.add.s32.msk $0xffff, v3  }
0x1c9: {  	v40 =	vld [tilespmem:$0x1FBD0];
	_ =	sdelay $0x1  }
0x1ca: {  	v63 =	vmul.f32 v63, v1;
	v59 =	vmul.f32 v59, v1  }
0x1cb: {  	v50 =	vmul.f32 v50, v1;
	v51 =	vmul.f32 v51, v1  }
0x1cc: {  	v58 =	vmul.f32 v58, v1;
	v17 =	vmul.f32 v17, v1  }
0x1cd: {  	v0 =	vmul.f32 v0, v1;
	v40 =	vmul.f32 v40, v1;
	v1 =	vld [tilespmem:$0x1FBF0]  }
0x1ce: {  	v2 =	vld [tilespmem:s2+$0x0];
	_ =	sdelay $0x2  }
0x1cf: {  	v4 =	vtrunc.f32 v4  }
0x1d0: {  	v8 =	vtrunc.f32 v8;
	v33 =	vcvt.f32.s32 v4;
	v4 =	vld [tilespmem:s1+$0x13C00]  }
0x1d1: {  	v39 =	vcvt.f32.s32 v8;
	v52 =	vmul.f32 v52, v2;
	[tilespmem:v43+s14+$0x0] =	vst.idx.add.s32.msk $0xffff, v3  }
0x1d2: {  	v53 =	vmul.f32 v53, v2;
	v46 =	vmul.f32 v46, v2;
	v8 =	vld [tilespmem:s0+$0x0]  }
0x1d3: {  	v43 =	vmul.f32 v54, v2;
	[tilespmem:v1+s14+$0x0] =	vst.idx.add.s32.msk $0xffff, v3;
	v1 =	vmul.f32 v20, v2  }
0x1d4: {  	v54 =	vmul.f32 v55, v2;
	v47 =	vmul.f32 v47, v2;
	[tilespmem:$0x1FC40] =	vst v7;
	v7 =	vld [tilespmem:s0+$0x10]  }
0x1d5: {  	v56 =	vmul.f32 v56, v2;
	[tilespmem:$0x1FCD0] =	vst v1;
	v1 =	vmul.f32 v9, v4  }
0x1d6: {  	v44 =	vmul.f32 v44, v2;
	v48 =	vmul.f32 v48, v2  }
0x1d7: {  	v22 =	vmul.f32 v22, v2;
	v45 =	vmul.f32 v45, v2;
	[tilespmem:$0x1FCF0] =	vst v1;
	v1 =	vsub.f32 v8, v31  }
0x1d8: {  	v55 =	vmul.f32 v62, v2;
	v49 =	vmul.f32 v49, v2;
	[tilespmem:v57+s14+$0x0] =	vst.idx.add.s32.msk $0xffff, v3  }
0x1d9: {  	v57 =	vmul.f32 v61, v2;
	v61 =	vmul.f32 v32, v2;
	v2 =	vsub.f32 v7, v31;
	[tilespmem:$0x1FDD0] =	vst v1;
	v1 =	vld [tilespmem:s0+$0x20];
	_ =	sdelay $0x1  }
0x1da: {  	[tilespmem:$0x1FDE0] =	vst v2;
	v2 =	vld [tilespmem:s0+$0x30];
	_ =	sdelay $0x2  }
0x1db: {  	v1 =	vsub.f32 v1, v31  }
0x1dc: {  	[tilespmem:v33+s14+$0x0] =	vst.idx.add.s32.msk $0xffff, v3  }
0x1dd: {  	[tilespmem:$0x1FDF0] =	vst v1;
	v1 =	vsub.f32 v2, v31  }
0x1de: {  	v33 =	vmul.f32 v16, v4;
	v16 =	vmul.f32 v18, v4;
	v18 =	vld [tilespmem:s0+$0x40]  }
0x1df: {  	[tilespmem:$0x1FE00] =	vst v1;
	v1 =	vld [tilespmem:$0x1FC00];
	_ =	sdelay $0x3  }
0x1e0: {  	[tilespmem:v39+s14+$0x0] =	vst.idx.add.s32.msk $0xffff, v3;
	v39 =	vmul.f32 v12, v4  }
0x1e1: {  	v12 =	vmul.f32 v11, v4;
	v11 =	vtrunc.f32 v1;
	v1 =	vsub.f32 v18, v31;
	v18 =	vld [tilespmem:$0x1FC50];
	_ =	sdelay $0x3  }
0x1e2: {  	s19 =	sshra.s32 s19, $0x2  }
0x1e3: {  	s17 =	sadd.s32 s19, s4;
	s4 =	sadd.s32 s12, s4;
	[tilespmem:$0x1FC60] =	vst v40;
	v40 =	vld [tilespmem:$0x1FBE0]  }
0x1e4: {  	s16 =	sadd.s32 s12, s29;
	v27 =	vld [tilespmem:s4+$0x0]  }
0x1e5: {  	v26 =	vld [tilespmem:s16+$0x0]  }
0x1e6: {  	[tilespmem:v18+s14+$0x0] =	vst.idx.add.s32.msk $0xffff, v3  }
0x1e7: {  	v18 =	vld [tilespmem:$0x1FC60];
	_ =	sdelay $0x3  }
0x1e8: {  	[tilespmem:v40+s14+$0x0] =	vst.idx.add.s32.msk $0xffff, v3  }
0x1e9: {  	v40 =	vtrunc.f32 v18;
	v18 =	vld [tilespmem:$0x1FC70];
	_ =	sdelay $0x7  }
0x1ea: {  	[tilespmem:v18+s14+$0x0] =	vst.idx.add.s32.msk $0xffff, v3  }
0x1eb: {  	v18 =	vld [tilespmem:$0x1FC80];
	_ =	sdelay $0x7  }
0x1ec: {  	[tilespmem:v18+s14+$0x0] =	vst.idx.add.s32.msk $0xffff, v3  }
0x1ed: {  	v18 =	vld [tilespmem:$0x1FC90];
	_ =	sdelay $0x3  }
0x1ee: {  	v9 =	vmul.f32 v5, v4;
	v5 =	vtrunc.f32 v0;
	v0 =	vld [tilespmem:s0+$0x460];
	_ =	sdelay $0x3  }
0x1ef: {  	[tilespmem:v18+s14+$0x0] =	vst.idx.add.s32.msk $0xffff, v3  }
0x1f0: {  	v18 =	vsub.f32 v0, v31;
	v0 =	vld [tilespmem:$0x1FCA0];
	_ =	sdelay $0x7  }
0x1f1: {  	[tilespmem:v0+s14+$0x0] =	vst.idx.add.s32.msk $0xffff, v3  }
0x1f2: {  	v0 =	vld [tilespmem:$0x1FE80]  }
0x1f3: {  	[tilespmem:v38+s14+$0x0] =	vst.idx.add.s32.msk $0xffff, v3  }
0x1f4: {  	v38 =	vmul.f32 v25, v4;
	v25 =	vld [tilespmem:s0+$0x400];
	_ =	sdelay $0x3  }
0x1f5: {  	[tilespmem:v34+s14+$0x0] =	vst.idx.add.s32.msk $0xffff, v3  }
0x1f6: {  	v2 =	vtrunc.f32 v35;
	v35 =	vsub.f32 v25, v31;
	v25 =	vld [tilespmem:s0+$0x450]  }
0x1f7: {  	[tilespmem:v0+s14+$0x0] =	vst.idx.add.s32.msk $0xffff, v3  }
0x1f8: {  	v0 =	vld [tilespmem:$0x1FE90];
	_ =	sdelay $0x1  }
0x1f9: {  	[tilespmem:$0x1FE10] =	vst v1;
	v1 =	vld [tilespmem:$0x1FC10];
	_ =	sdelay $0x2  }
0x1fa: {  	[tilespmem:v42+s14+$0x0] =	vst.idx.add.s32.msk $0xffff, v3;
	v20 =	vmul.f32 v14, v4;
	v14 =	vmul.f32 v13, v4  }
0x1fb: {  	v13 =	vmul.f32 v19, v4;
	v19 =	vmul.f32 v21, v4;
	v21 =	vld [tilespmem:s0+$0x50]  }
0x1fc: {  	v42 =	vtrunc.f32 v1;
	v1 =	vld [tilespmem:$0x1FC20]  }
0x1fd: {  	[tilespmem:v0+s14+$0x0] =	vst.idx.add.s32.msk $0xffff, v3  }
0x1fe: {  	v0 =	vld [tilespmem:$0x1FCB0];
	_ =	sdelay $0x3  }
0x1ff: {  	s31 =	sshll.u32 s31, $0x7;
	v8 =	vtrunc.f32 v1;
	v1 =	vsub.f32 v21, v31  }
0x200: {  	v60 =	vld [tilespmem:s31+$0x11C00]  }
0x201: {  	[tilespmem:$0x1FE20] =	vst v1;
	v1 =	vld [tilespmem:$0x1FC30]  }
0x202: {  	v34 =	vmul.f32 v24, v4;
	v24 =	vld [tilespmem:s0+$0x70]  }
0x203: {  	[tilespmem:v0+s14+$0x0] =	vst.idx.add.s32.msk $0xffff, v3  }
0x204: {  	v32 =	vmul.f32 v15, v4;
	v0 =	vld [tilespmem:$0x1FCC0]  }
0x205: {  	v62 =	vmul.f32 v23, v4;
	v15 =	vmul.f32 v10, v4;
	v23 =	vld [tilespmem:s0+$0x60]  }
0x206: {  	v10 =	vmul.f32 v6, v4;
	v6 =	vtrunc.f32 v1;
	v1 =	vld [tilespmem:$0x1FC40]  }
0x207: {  	[tilespmem:v41+s14+$0x0] =	vst.idx.add.s32.msk $0xffff, v3  }
0x208: {  	v41 =	vld [tilespmem:s0+$0x410]  }
0x209: {  	v4 =	vtrunc.f32 v63;
	v63 =	vsub.f32 v24, v31;
	v24 =	vld [tilespmem:s0+$0x440]  }
0x20a: {  	v21 =	vld [tilespmem:s0+$0x420]  }
0x20b: {  	v7 =	vtrunc.f32 v1;
	v1 =	vsub.f32 v23, v31;
	v23 =	vld [tilespmem:s0+$0x430]  }
0x20c: {  	[tilespmem:v0+s14+$0x0] =	vst.idx.add.s32.msk $0xffff, v3  }
0x20d: {  	v0 =	vld [tilespmem:$0x1FCD0]  }
0x20e: {  	v41 =	vsub.f32 v41, v31;
	v24 =	vsub.f32 v24, v31  }
0x20f: {  	[tilespmem:$0x1FE30] =	vst v1;
	v1 =	vtrunc.f32 v50;
	v50 =	vsub.f32 v21, v31;
	v21 =	vtrunc.f32 v51  }
0x210: {  	v51 =	vsub.f32 v23, v31;
	v23 =	vsub.f32 v25, v31;
	v31 =	vtrunc.f32 v43  }
0x211: {  	v43 =	vtrunc.f32 v54;
	v54 =	vtrunc.f32 v55  }
0x212: {  	v55 =	vtrunc.f32 v56;
	v56 =	vtrunc.f32 v0;
	v0 =	vld [tilespmem:$0x1FCE0];
	_ =	sdelay $0x7  }
0x213: {  	[tilespmem:v0+s14+$0x0] =	vst.idx.add.s32.msk $0xffff, v3  }
0x214: {  	v0 =	vld [tilespmem:$0x1FCF0];
	_ =	sdelay $0x4  }
0x215: {  	v25 =	vtrunc.f32 v57;
	v57 =	vtrunc.f32 v0;
	v0 =	vld [tilespmem:$0x1FD00];
	_ =	sdelay $0x7  }
0x216: {  	[tilespmem:v0+s14+$0x0] =	vst.idx.add.s32.msk $0xffff, v3  }
0x217: {  	v0 =	vld [tilespmem:$0x1FD10];
	_ =	sdelay $0x7  }
0x218: {  	[tilespmem:v0+s14+$0x0] =	vst.idx.add.s32.msk $0xffff, v3  }
0x219: {  	v0 =	vld [tilespmem:$0x1FD20];
	_ =	sdelay $0x7  }
0x21a: {  	[tilespmem:v0+s14+$0x0] =	vst.idx.add.s32.msk $0xffff, v3  }
0x21b: {  	v0 =	vld [tilespmem:$0x1FD30];
	_ =	sdelay $0x7  }
0x21c: {  	[tilespmem:v0+s14+$0x0] =	vst.idx.add.s32.msk $0xffff, v3  }
0x21d: {  	v0 =	vld [tilespmem:$0x1FD40];
	_ =	sdelay $0x4  }
0x21e: {  	v59 =	vtrunc.f32 v59  }
0x21f: {  	v52 =	vtrunc.f32 v52;
	v59 =	vcvt.f32.s32 v59  }
0x220: {  	v44 =	vtrunc.f32 v44;
	v52 =	vcvt.f32.s32 v52  }
0x221: {  	v44 =	vcvt.f32.s32 v44;
	[tilespmem:v0+s14+$0x0] =	vst.idx.add.s32.msk $0xffff, v3  }
0x222: {  	s3 =	sadd.s32 s19, s29;
	v2 =	vcvt.f32.s32 v2;
	v0 =	vld [tilespmem:$0x1FD50]  }
0x223: {  	v29 =	vld [tilespmem:s3+$0x0];
	v11 =	vcvt.f32.s32 v11  }
0x224: {  	v30 =	vld [tilespmem:s17+$0x0]  }
0x225: {  	v17 =	vtrunc.f32 v17;
	[tilespmem:v59+s14+$0x0] =	vst.idx.add.s32.msk $0xffff, v3  }
0x226: {  	v36 =	vtrunc.f32 v36;
	v17 =	vcvt.f32.s32 v17;
	[tilespmem:v52+s14+$0x0] =	vst.idx.add.s32.msk $0xffff, v3  }
0x227: {  	v36 =	vcvt.f32.s32 v36;
	[tilespmem:v44+s14+$0x0] =	vst.idx.add.s32.msk $0xffff, v3  }
0x228: {  	v48 =	vtrunc.f32 v48;
	v4 =	vcvt.f32.s32 v4;
	[tilespmem:v2+s14+$0x0] =	vst.idx.add.s32.msk $0xffff, v3  }
0x229: {  	v2 =	vcvt.f32.s32 v48;
	[tilespmem:v11+s14+$0x0] =	vst.idx.add.s32.msk $0xffff, v3  }
0x22a: {  	v37 =	vtrunc.f32 v37;
	v42 =	vcvt.f32.s32 v42;
	[tilespmem:v0+s14+$0x0] =	vst.idx.add.s32.msk $0xffff, v3  }
0x22b: {  	v11 =	vcvt.f32.s32 v37;
	v0 =	vld [tilespmem:$0x1FD60]  }
0x22c: {  	[tilespmem:v17+s14+$0x0] =	vst.idx.add.s32.msk $0xffff, v3;
	v8 =	vcvt.f32.s32 v8  }
0x22d: {  	[tilespmem:v36+s14+$0x0] =	vst.idx.add.s32.msk $0xffff, v3  }
0x22e: {  	[tilespmem:v4+s14+$0x0] =	vst.idx.add.s32.msk $0xffff, v3  }
0x22f: {  	v53 =	vtrunc.f32 v53;
	[tilespmem:v2+s14+$0x0] =	vst.idx.add.s32.msk $0xffff, v3;
	v37 =	vcvt.f32.s32 v40  }
0x230: {  	[tilespmem:v42+s14+$0x0] =	vst.idx.add.s32.msk $0xffff, v3;
	v42 =	vcvt.f32.s32 v53  }
0x231: {  	v22 =	vtrunc.f32 v22;
	[tilespmem:v11+s14+$0x0] =	vst.idx.add.s32.msk $0xffff, v3  }
0x232: {  	v22 =	vcvt.f32.s32 v22;
	v58 =	vtrunc.f32 v58;
	[tilespmem:v8+s14+$0x0] =	vst.idx.add.s32.msk $0xffff, v3  }
0x233: {  	v8 =	vcvt.f32.s32 v58;
	[tilespmem:v0+s14+$0x0] =	vst.idx.add.s32.msk $0xffff, v3  }
0x234: {  	v0 =	vld [tilespmem:$0x1FD70]  }
0x235: {  	v6 =	vcvt.f32.s32 v6;
	[tilespmem:v37+s14+$0x0] =	vst.idx.add.s32.msk $0xffff, v3  }
0x236: {  	s30 =	sor.u32 s30, s15;
	[tilespmem:v42+s14+$0x0] =	vst.idx.add.s32.msk $0xffff, v3  }
0x237: {  	v42 =	vld [tilespmem:s30+$0x450]  }
0x238: {  	[tilespmem:v22+s14+$0x0] =	vst.idx.add.s32.msk $0xffff, v3  }
0x239: {  	v45 =	vtrunc.f32 v45;
	[tilespmem:v8+s14+$0x0] =	vst.idx.add.s32.msk $0xffff, v3  }
0x23a: {  	v36 =	vcvt.f32.s32 v45;
	v8 =	vld [tilespmem:$0x1FDF0]  }
0x23b: {  	v49 =	vtrunc.f32 v49;
	v7 =	vcvt.f32.s32 v7;
	[tilespmem:v6+s14+$0x0] =	vst.idx.add.s32.msk $0xffff, v3  }
0x23c: {  	v6 =	vcvt.f32.s32 v49;
	[tilespmem:v0+s14+$0x0] =	vst.idx.add.s32.msk $0xffff, v3  }
0x23d: {  	v0 =	vld [tilespmem:$0x1FD80]  }
0x23e: {  	v12 =	vtrunc.f32 v12;
	v44 =	vld [tilespmem:s30+$0x470];
	v1 =	vcvt.f32.s32 v1  }
0x23f: {  	v59 =	vcvt.f32.s32 v12;
	v12 =	vld [tilespmem:$0x1FE30]  }
0x240: {  	[tilespmem:v36+s14+$0x0] =	vst.idx.add.s32.msk $0xffff, v3  }
0x241: {  	v21 =	vcvt.f32.s32 v21;
	[tilespmem:v7+s14+$0x0] =	vst.idx.add.s32.msk $0xffff, v3  }
0x242: {  	v7 =	vcvt.f32.s32 v25;
	[tilespmem:v6+s14+$0x0] =	vst.idx.add.s32.msk $0xffff, v3  }
0x243: {  	v46 =	vtrunc.f32 v46;
	v6 =	vld [tilespmem:$0x1FDD0]  }
0x244: {  	v25 =	vcvt.f32.s32 v46;
	[tilespmem:v1+s14+$0x0] =	vst.idx.add.s32.msk $0xffff, v3  }
0x245: {  	[tilespmem:v0+s14+$0x0] =	vst.idx.add.s32.msk $0xffff, v3  }
0x246: {  	v0 =	vld [tilespmem:$0x1FD90]  }
0x247: {  	[tilespmem:v21+s14+$0x0] =	vst.idx.add.s32.msk $0xffff, v3  }
0x248: {  	v47 =	vtrunc.f32 v47;
	v61 =	vtrunc.f32 v61;
	[tilespmem:v7+s14+$0x0] =	vst.idx.add.s32.msk $0xffff, v3  }
0x249: {  	v10 =	vtrunc.f32 v10;
	v7 =	vld [tilespmem:$0x1FDE0];
	v4 =	vcvt.f32.s32 v31  }
0x24a: {  	[tilespmem:v25+s14+$0x0] =	vst.idx.add.s32.msk $0xffff, v3;
	v31 =	vcvt.f32.s32 v43;
	v43 =	vcvt.f32.s32 v47  }
0x24b: {  	s23 =	sor.u32 s5, s21;
	v47 =	vcvt.f32.s32 v61;
	v61 =	vcvt.f32.s32 v10;
	v10 =	vld [tilespmem:$0x1FE10]  }
0x24c: {  	v49 =	vld [tilespmem:s23+$0x40]  }
0x24d: {  	v17 =	vcvt.f32.s32 v55;
	v55 =	vld [tilespmem:s23+$0x420]  }
0x24e: {  	v24 =	vmul.f32 v24, v28;
	[tilespmem:v0+s14+$0x0] =	vst.idx.add.s32.msk $0xffff, v3  }
0x24f: {  	v16 =	vtrunc.f32 v16;
	v20 =	vtrunc.f32 v20;
	v0 =	vld [tilespmem:$0x1FDA0]  }
0x250: {  	v24 =	vtrunc.f32 v24;
	v11 =	vcvt.f32.s32 v20;
	[tilespmem:v4+s14+$0x0] =	vst.idx.add.s32.msk $0xffff, v3  }
0x251: {  	v8 =	vmul.f32 v8, v28;
	v6 =	vmul.f32 v6, v28;
	v4 =	vld [tilespmem:$0x1FE20]  }
0x252: {  	v20 =	vcvt.f32.s32 v16;
	v16 =	vmul.f32 v51, v28;
	[tilespmem:v31+s14+$0x0] =	vst.idx.add.s32.msk $0xffff, v3  }
0x253: {  	v2 =	vtrunc.f32 v8;
	v6 =	vtrunc.f32 v6;
	[tilespmem:v43+s14+$0x0] =	vst.idx.add.s32.msk $0xffff, v3  }
0x254: {  	[tilespmem:v17+s14+$0x0] =	vst.idx.add.s32.msk $0xffff, v3;
	v17 =	vmul.f32 v23, v28;
	v23 =	vmul.f32 v18, v28  }
0x255: {  	v31 =	vtrunc.f32 v16;
	v16 =	vcvt.f32.s32 v2;
	v2 =	vld [tilespmem:s30+$0x20]  }
0x256: {  	v18 =	vcvt.f32.s32 v6;
	v6 =	vcvt.f32.s32 v24;
	v24 =	vld [tilespmem:s30+$0x400]  }
0x257: {  	v32 =	vtrunc.f32 v32;
	v15 =	vtrunc.f32 v15;
	[tilespmem:v0+s14+$0x0] =	vst.idx.add.s32.msk $0xffff, v3  }
0x258: {  	v13 =	vtrunc.f32 v13;
	v0 =	vcvt.f32.s32 v5;
	v5 =	vld [tilespmem:$0x1FDB0]  }
0x259: {  	v48 =	vcvt.f32.s32 v13;
	v13 =	vmul.f32 v63, v28;
	v43 =	vld [tilespmem:s30+$0x460]  }
0x25a: {  	v58 =	vcvt.f32.s32 v15;
	v15 =	vmul.f32 v50, v28;
	v50 =	vld [tilespmem:s23+$0x50]  }
0x25b: {  	v62 =	vtrunc.f32 v62;
	v14 =	vtrunc.f32 v14;
	v51 =	vld [tilespmem:s23+$0x60]  }
0x25c: {  	v9 =	vtrunc.f32 v9;
	v22 =	vtrunc.f32 v13;
	v53 =	vld [tilespmem:s23+$0x400]  }
0x25d: {  	v7 =	vmul.f32 v7, v28;
	[tilespmem:v47+s14+$0x0] =	vst.idx.add.s32.msk $0xffff, v3;
	v45 =	vcvt.f32.s32 v56  }
0x25e: {  	v56 =	vcvt.f32.s32 v62;
	v62 =	vcvt.f32.s32 v9;
	v9 =	vld [tilespmem:$0x1FE00]  }
0x25f: {  	v1 =	vcvt.f32.s32 v14;
	[tilespmem:v0+s14+$0x0] =	vst.idx.add.s32.msk $0xffff, v3;
	v0 =	vcvt.f32.s32 v54  }
0x260: {  	v14 =	vmul.f32 v35, v28;
	v7 =	vtrunc.f32 v7;
	[tilespmem:v5+s14+$0x0] =	vst.idx.add.s32.msk $0xffff, v3  }
0x261: {  	v36 =	vtrunc.f32 v17;
	v17 =	vcvt.f32.s32 v7;
	v5 =	vld [tilespmem:$0x1FDC0]  }
0x262: {  	v7 =	vcvt.f32.s32 v31;
	v31 =	vld [tilespmem:s30+$0x430];
	v4 =	vmul.f32 v4, v28  }
0x263: {  	v25 =	vtrunc.f32 v14;
	v10 =	vmul.f32 v10, v28;
	v47 =	vld [tilespmem:s23+$0x20]  }
0x264: {  	[tilespmem:v18+s14+$0x0] =	vst.idx.add.s32.msk $0xffff, v3;
	v4 =	vtrunc.f32 v4;
	v9 =	vmul.f32 v9, v28  }
0x265: {  	v13 =	vcvt.f32.s32 v4;
	[tilespmem:v0+s14+$0x0] =	vst.idx.add.s32.msk $0xffff, v3;
	v0 =	vmul.f32 v41, v28  }
0x266: {  	[tilespmem:v6+s14+$0x0] =	vst.idx.add.s32.msk $0xffff, v3;
	v8 =	vtrunc.f32 v9;
	v9 =	vtrunc.f32 v10  }
0x267: {  	v4 =	vld [tilespmem:s30+$0x30];
	v14 =	vcvt.f32.s32 v9;
	v0 =	vtrunc.f32 v0  }
0x268: {  	[tilespmem:v7+s14+$0x0] =	vst.idx.add.s32.msk $0xffff, v3;
	v9 =	vcvt.f32.s32 v0;
	v0 =	vcvt.f32.s32 v36  }
0x269: {  	v34 =	vtrunc.f32 v34;
	v23 =	vtrunc.f32 v23;
	[tilespmem:v5+s14+$0x0] =	vst.idx.add.s32.msk $0xffff, v3  }
0x26a: {  	v21 =	vcvt.f32.s32 v34;
	v5 =	vld [tilespmem:s31+$0x13C00];
	[tilespmem:$0x1FE80] =	vst v0;
	v0 =	vcvt.f32.s32 v23  }
0x26b: {  	v33 =	vtrunc.f32 v33;
	v38 =	vtrunc.f32 v38;
	[tilespmem:v1+s14+$0x0] =	vst.idx.add.s32.msk $0xffff, v3  }
0x26c: {  	v39 =	vtrunc.f32 v39;
	v32 =	vcvt.f32.s32 v32;
	[tilespmem:$0x1FE90] =	vst v0;
	v0 =	vld [tilespmem:s30+$0x0]  }
0x26d: {  	v19 =	vtrunc.f32 v19;
	v12 =	vmul.f32 v12, v28;
	v1 =	vld [tilespmem:s30+$0x10]  }
0x26e: {  	v33 =	vcvt.f32.s32 v33;
	v19 =	vcvt.f32.s32 v19;
	[tilespmem:v11+s14+$0x0] =	vst.idx.add.s32.msk $0xffff, v3  }
0x26f: {  	v39 =	vcvt.f32.s32 v39;
	v10 =	vtrunc.f32 v12;
	[tilespmem:v20+s14+$0x0] =	vst.idx.add.s32.msk $0xffff, v3  }
0x270: {  	v12 =	vcvt.f32.s32 v10;
	v10 =	vcvt.f32.s32 v25;
	[tilespmem:v21+s14+$0x0] =	vst.idx.add.s32.msk $0xffff, v3  }
0x271: {  	v46 =	vcvt.f32.s32 v57;
	v57 =	vcvt.f32.s32 v38;
	v20 =	vld [tilespmem:s30+$0x40];
	v0 =	vsub.f32 v0, v30  }
0x272: {  	v28 =	vtrunc.f32 v15;
	v15 =	vcvt.f32.s32 v8;
	v21 =	vld [tilespmem:s30+$0x50];
	v1 =	vsub.f32 v1, v30  }
0x273: {  	v2 =	vsub.f32 v2, v30;
	v11 =	vcvt.f32.s32 v22;
	v22 =	vld [tilespmem:s30+$0x60];
	v0 =	vmul.f32 v0, v29  }
0x274: {  	v4 =	vsub.f32 v4, v30;
	v8 =	vcvt.f32.s32 v28;
	[tilespmem:v19+s14+$0x0] =	vst.idx.add.s32.msk $0xffff, v3;
	v1 =	vmul.f32 v1, v29  }
0x275: {  	v23 =	vld [tilespmem:s30+$0x70];
	v19 =	vtrunc.f32 v0;
	v0 =	vmul.f32 v2, v29  }
0x276: {  	v25 =	vld [tilespmem:s30+$0x410];
	v2 =	vsub.f32 v20, v30;
	v20 =	vtrunc.f32 v1;
	v1 =	vmul.f32 v4, v29  }
0x277: {  	[tilespmem:v12+s14+$0x0] =	vst.idx.add.s32.msk $0xffff, v3;
	v4 =	vsub.f32 v21, v30;
	v12 =	vcvt.f32.s32 v19;
	v21 =	vtrunc.f32 v0  }
0x278: {  	[tilespmem:v10+s14+$0x0] =	vst.idx.add.s32.msk $0xffff, v3;
	v0 =	vmul.f32 v2, v29;
	v2 =	vsub.f32 v22, v30;
	v22 =	vtrunc.f32 v1  }
0x279: {  	v28 =	vld [tilespmem:s30+$0x420];
	v1 =	vmul.f32 v4, v29;
	v10 =	vcvt.f32.s32 v21  }
0x27a: {  	[tilespmem:v11+s14+$0x0] =	vst.idx.add.s32.msk $0xffff, v3;
	v4 =	vsub.f32 v23, v30;
	v11 =	vcvt.f32.s32 v22;
	v23 =	vtrunc.f32 v0  }
0x27b: {  	v41 =	vld [tilespmem:s30+$0x440];
	v0 =	vmul.f32 v2, v29;
	v2 =	vsub.f32 v24, v30;
	v24 =	vtrunc.f32 v1  }
0x27c: {  	[tilespmem:v9+s14+$0x0] =	vst.idx.add.s32.msk $0xffff, v3;
	v1 =	vmul.f32 v4, v29;
	v9 =	vcvt.f32.s32 v23  }
0x27d: {  	[tilespmem:v45+s14+$0x0] =	vst.idx.add.s32.msk $0xffff, v3;
	v4 =	vsub.f32 v25, v30;
	v19 =	vcvt.f32.s32 v24;
	v25 =	vtrunc.f32 v0  }
0x27e: {  	v45 =	vld [tilespmem:s23+$0x0];
	v0 =	vmul.f32 v2, v29;
	v2 =	vsub.f32 v28, v30;
	v28 =	vtrunc.f32 v1  }
0x27f: {  	[tilespmem:v8+s14+$0x0] =	vst.idx.add.s32.msk $0xffff, v3;
	v1 =	vmul.f32 v4, v29;
	v4 =	vsub.f32 v31, v30;
	v8 =	vcvt.f32.s32 v25  }
0x280: {  	[tilespmem:v46+s14+$0x0] =	vst.idx.add.s32.msk $0xffff, v3;
	v31 =	vtrunc.f32 v0;
	v0 =	vmul.f32 v2, v29  }
0x281: {  	[tilespmem:v32+s14+$0x0] =	vst.idx.add.s32.msk $0xffff, v3;
	v2 =	vsub.f32 v41, v30;
	v32 =	vtrunc.f32 v1;
	v1 =	vmul.f32 v4, v29  }
0x282: {  	[tilespmem:v33+s14+$0x0] =	vst.idx.add.s32.msk $0xffff, v3;
	v4 =	vsub.f32 v42, v30;
	v7 =	vcvt.f32.s32 v31;
	v21 =	vcvt.f32.s32 v32  }
0x283: {  	v46 =	vld [tilespmem:s23+$0x10];
	v33 =	vtrunc.f32 v0;
	v0 =	vmul.f32 v2, v29  }
0x284: {  	[tilespmem:v48+s14+$0x0] =	vst.idx.add.s32.msk $0xffff, v3;
	v2 =	vsub.f32 v43, v30;
	v34 =	vtrunc.f32 v1;
	v1 =	vmul.f32 v4, v29  }
0x285: {  	[tilespmem:v12+s14+$0x0] =	vst.idx.add.s32.msk $0xffff, v3;
	v4 =	vsub.f32 v44, v30;
	v6 =	vcvt.f32.s32 v33;
	v12 =	vcvt.f32.s32 v34  }
0x286: {  	v48 =	vld [tilespmem:s23+$0x30];
	v30 =	vtrunc.f32 v0;
	v0 =	vmul.f32 v2, v29  }
0x287: {  	v54 =	vld [tilespmem:s23+$0x410];
	v2 =	vsub.f32 v45, v27;
	v35 =	vtrunc.f32 v1;
	v1 =	vmul.f32 v4, v29  }
0x288: {  	v52 =	vld [tilespmem:s23+$0x70];
	v4 =	vsub.f32 v46, v27;
	v22 =	vcvt.f32.s32 v35;
	v29 =	vtrunc.f32 v0  }
0x289: {  	[tilespmem:v56+s14+$0x0] =	vst.idx.add.s32.msk $0xffff, v3;
	v0 =	vmul.f32 v2, v26;
	v36 =	vtrunc.f32 v1  }
0x28a: {  	[tilespmem:v10+s14+$0x0] =	vst.idx.add.s32.msk $0xffff, v3;
	v2 =	vsub.f32 v47, v27;
	v1 =	vmul.f32 v4, v26;
	v10 =	vcvt.f32.s32 v29  }
0x28b: {  	[tilespmem:v57+s14+$0x0] =	vst.idx.add.s32.msk $0xffff, v3;
	v4 =	vsub.f32 v48, v27;
	v23 =	vcvt.f32.s32 v36;
	v37 =	vtrunc.f32 v0  }
0x28c: {  	[tilespmem:v58+s14+$0x0] =	vst.idx.add.s32.msk $0xffff, v3;
	v0 =	vmul.f32 v2, v26;
	v38 =	vtrunc.f32 v1  }
0x28d: {  	[tilespmem:v11+s14+$0x0] =	vst.idx.add.s32.msk $0xffff, v3;
	v2 =	vsub.f32 v49, v27;
	v1 =	vmul.f32 v4, v26;
	v11 =	vcvt.f32.s32 v37  }
0x28e: {  	[tilespmem:v39+s14+$0x0] =	vst.idx.add.s32.msk $0xffff, v3;
	v4 =	vsub.f32 v50, v27;
	v24 =	vcvt.f32.s32 v38;
	v39 =	vtrunc.f32 v0  }
0x28f: {  	[tilespmem:v59+s14+$0x0] =	vst.idx.add.s32.msk $0xffff, v3;
	v0 =	vmul.f32 v2, v26;
	v40 =	vtrunc.f32 v1  }
0x290: {  	[tilespmem:v61+s14+$0x0] =	vst.idx.add.s32.msk $0xffff, v3;
	v2 =	vsub.f32 v51, v27;
	v1 =	vmul.f32 v4, v26;
	v36 =	vcvt.f32.s32 v39  }
0x291: {  	[tilespmem:v62+s14+$0x0] =	vst.idx.add.s32.msk $0xffff, v3;
	v4 =	vsub.f32 v52, v27;
	v34 =	vcvt.f32.s32 v40;
	v41 =	vtrunc.f32 v0  }
0x292: {  	v56 =	vld [tilespmem:s23+$0x430];
	v0 =	vmul.f32 v2, v26;
	v42 =	vtrunc.f32 v1  }
0x293: {  	v57 =	vld [tilespmem:s23+$0x440];
	v2 =	vsub.f32 v53, v27;
	v1 =	vmul.f32 v4, v26;
	v35 =	vcvt.f32.s32 v41  }
0x294: {  	v58 =	vld [tilespmem:s23+$0x450];
	v4 =	vsub.f32 v54, v27;
	v32 =	vcvt.f32.s32 v42;
	v43 =	vtrunc.f32 v0  }
0x295: {  	v59 =	vld [tilespmem:s23+$0x460];
	v0 =	vmul.f32 v2, v26;
	v44 =	vtrunc.f32 v1  }
0x296: {  	s12 =	smov.u32 s24;
	s24 =	sor.u32 s6, s20;
	v51 =	vld [tilespmem:s23+$0x470];
	v2 =	vsub.f32 v55, v27;
	v1 =	vmul.f32 v4, v26;
	v33 =	vcvt.f32.s32 v43  }
0x297: {  	v52 =	vld [tilespmem:s24+$0x0];
	v4 =	vsub.f32 v56, v27;
	v31 =	vcvt.f32.s32 v44;
	v45 =	vtrunc.f32 v0  }
0x298: {  	v61 =	vld [tilespmem:s24+$0x10];
	v0 =	vmul.f32 v2, v26;
	v2 =	vsub.f32 v57, v27;
	v46 =	vtrunc.f32 v1  }
0x299: {  	v62 =	vld [tilespmem:s24+$0x20];
	v1 =	vmul.f32 v4, v26;
	v4 =	vsub.f32 v58, v27;
	v29 =	vcvt.f32.s32 v46  }
0x29a: {  	v63 =	vld [tilespmem:s24+$0x30];
	v47 =	vtrunc.f32 v0;
	v0 =	vmul.f32 v2, v26;
	v2 =	vsub.f32 v59, v27  }
0x29b: {  	v56 =	vld [tilespmem:s24+$0x40];
	v48 =	vtrunc.f32 v1;
	v1 =	vmul.f32 v4, v26;
	v4 =	vsub.f32 v51, v27  }
0x29c: {  	v52 =	vsub.f32 v52, v60;
	v57 =	vld [tilespmem:s24+$0x50];
	v27 =	vtrunc.f32 v0;
	v0 =	vmul.f32 v2, v26  }
0x29d: {  	v2 =	vsub.f32 v61, v60;
	v61 =	vld [tilespmem:s24+$0x60];
	v49 =	vtrunc.f32 v1;
	v1 =	vmul.f32 v4, v26  }
0x29e: {  	v4 =	vmul.f32 v52, v5;
	v26 =	vsub.f32 v62, v60;
	v62 =	vld [tilespmem:s24+$0x70];
	v50 =	vtrunc.f32 v0  }
0x29f: {  	v0 =	vmul.f32 v2, v5;
	v2 =	vsub.f32 v63, v60;
	v63 =	vld [tilespmem:s24+$0x400];
	v52 =	vtrunc.f32 v1  }
0x2a0: {  	v51 =	vtrunc.f32 v4;
	v1 =	vmul.f32 v26, v5;
	v4 =	vsub.f32 v56, v60;
	v26 =	vld [tilespmem:s24+$0x410]  }
0x2a1: {  	v56 =	vld [tilespmem:s24+$0x420];
	v53 =	vtrunc.f32 v0;
	v0 =	vmul.f32 v2, v5;
	v2 =	vsub.f32 v57, v60  }
0x2a2: {  	v54 =	vtrunc.f32 v1;
	v1 =	vmul.f32 v4, v5;
	v57 =	vld [tilespmem:s24+$0x430];
	v4 =	vsub.f32 v61, v60  }
0x2a3: {  	v59 =	vld [tilespmem:s24+$0x440];
	v44 =	vcvt.f32.s32 v27;
	v42 =	vcvt.f32.s32 v49  }
0x2a4: {  	v41 =	vcvt.f32.s32 v50;
	v61 =	vld [tilespmem:s24+$0x450];
	v4 =	vmul.f32 v4, v5;
	v55 =	vsub.f32 v63, v60  }
0x2a5: {  	v58 =	vsub.f32 v62, v60;
	v62 =	vld [tilespmem:s24+$0x460];
	v2 =	vmul.f32 v2, v5;
	v26 =	vsub.f32 v26, v60  }
0x2a6: {  	v63 =	vtrunc.f32 v4;
	v4 =	vmul.f32 v55, v5;
	v55 =	vsub.f32 v56, v60;
	v56 =	vld [tilespmem:s24+$0x470]  }
0x2a7: {  	v58 =	vmul.f32 v58, v5;
	v26 =	vmul.f32 v26, v5;
	v57 =	vsub.f32 v57, v60  }
0x2a8: {  	[tilespmem:v16+s14+$0x0] =	vst.idx.add.s32.msk $0xffff, v3;
	v18 =	vtrunc.f32 v4;
	v4 =	vmul.f32 v55, v5;
	v55 =	vsub.f32 v59, v60  }
0x2a9: {  	[tilespmem:v17+s14+$0x0] =	vst.idx.add.s32.msk $0xffff, v3;
	v17 =	vtrunc.f32 v26;
	v26 =	vmul.f32 v57, v5  }
0x2aa: {  	[tilespmem:v13+s14+$0x0] =	vst.idx.add.s32.msk $0xffff, v3;
	v61 =	vsub.f32 v61, v60;
	v16 =	vtrunc.f32 v4;
	v4 =	vmul.f32 v55, v5  }
0x2ab: {  	[tilespmem:v15+s14+$0x0] =	vst.idx.add.s32.msk $0xffff, v3;
	v62 =	vsub.f32 v62, v60;
	v15 =	vtrunc.f32 v26;
	v56 =	vsub.f32 v56, v60  }
0x2ac: {  	[tilespmem:v14+s14+$0x0] =	vst.idx.add.s32.msk $0xffff, v3;
	v26 =	vmul.f32 v61, v5;
	v14 =	vtrunc.f32 v4  }
0x2ad: {  	[tilespmem:v9+s14+$0x0] =	vst.idx.add.s32.msk $0xffff, v3;
	v4 =	vmul.f32 v62, v5;
	v5 =	vmul.f32 v56, v5  }
0x2ae: {  	[tilespmem:v19+s14+$0x0] =	vst.idx.add.s32.msk $0xffff, v3;
	v40 =	vcvt.f32.s32 v52;
	v13 =	vtrunc.f32 v26  }
0x2af: {  	[tilespmem:v8+s14+$0x0] =	vst.idx.add.s32.msk $0xffff, v3;
	v26 =	vtrunc.f32 v5;
	v5 =	vcvt.f32.s32 v20  }
0x2b0: {  	[tilespmem:v7+s14+$0x0] =	vst.idx.add.s32.msk $0xffff, v3;
	v39 =	vcvt.f32.s32 v51;
	v37 =	vcvt.f32.s32 v53  }
0x2b1: {  	[tilespmem:v21+s14+$0x0] =	vst.idx.add.s32.msk $0xffff, v3;
	v38 =	vcvt.f32.s32 v54;
	v0 =	vtrunc.f32 v0  }
0x2b2: {  	[tilespmem:v6+s14+$0x0] =	vst.idx.add.s32.msk $0xffff, v3;
	v1 =	vtrunc.f32 v1;
	v21 =	vcvt.f32.s32 v0  }
0x2b3: {  	[tilespmem:v12+s14+$0x0] =	vst.idx.add.s32.msk $0xffff, v3;
	v25 =	vcvt.f32.s32 v1;
	v2 =	vtrunc.f32 v2  }
0x2b4: {  	[tilespmem:v22+s14+$0x0] =	vst.idx.add.s32.msk $0xffff, v3;
	v58 =	vtrunc.f32 v58;
	v20 =	vcvt.f32.s32 v28  }
0x2b5: {  	v12 =	vcvt.f32.s32 v2;
	[tilespmem:v5+s14+$0x0] =	vst.idx.add.s32.msk $0xffff, v3;
	v5 =	vcvt.f32.s32 v30  }
0x2b6: {  	p0 =	slt.u32 s25, $0x3C;
	[tilespmem:v10+s14+$0x0] =	vst.idx.add.s32.msk $0xffff, v3;
	v19 =	vcvt.f32.s32 v63;
	v9 =	vcvt.f32.s32 v58  }
.Ltmp1:
0x2b7: {  	[tilespmem:v23+s14+$0x0] =	vst.idx.add.s32.msk $0xffff, v3;
	v1 =	vcvt.f32.s32 v18;
	v8 =	vcvt.f32.s32 v17;
	(pc) =	sbr.rel @p0 .LBB2_5-.Ltmp1, $4  }
0x2b8: {  	[tilespmem:v11+s14+$0x0] =	vst.idx.add.s32.msk $0xffff, v3;
	v7 =	vcvt.f32.s32 v16;
	v6 =	vcvt.f32.s32 v14  }
0x2b9: {  	[tilespmem:v24+s14+$0x0] =	vst.idx.add.s32.msk $0xffff, v3;
	v2 =	vcvt.f32.s32 v13;
	v4 =	vtrunc.f32 v4  }
0x2ba: {  	s1 =	rddreg [dreg:$0x4];
	v28 =	vcvt.f32.s32 v47;
	[tilespmem:v20+s14+$0x0] =	vst.idx.add.s32.msk $0xffff, v3;
	v30 =	vcvt.f32.s32 v45  }
0x2bb: {  	s5 =	smov.u32 s25;
	s4 =	rddreg [dreg:$0x6];
	v45 =	vcvt.f32.s32 v48;
	[tilespmem:v5+s14+$0x0] =	vst.idx.add.s32.msk $0xffff, v3;
	v5 =	vcvt.f32.s32 v15  }
0x2bc: {  	_ =	sdelay $0x3  }
0x2bd: {  	[tilespmem:v36+s14+$0x0] =	vst.idx.add.s32.msk $0xffff, v3  }
0x2be: {  	[tilespmem:v34+s14+$0x0] =	vst.idx.add.s32.msk $0xffff, v3  }
0x2bf: {  	[tilespmem:v35+s14+$0x0] =	vst.idx.add.s32.msk $0xffff, v3  }
0x2c0: {  	[tilespmem:v32+s14+$0x0] =	vst.idx.add.s32.msk $0xffff, v3  }
0x2c1: {  	[tilespmem:v33+s14+$0x0] =	vst.idx.add.s32.msk $0xffff, v3  }
0x2c2: {  	[tilespmem:v31+s14+$0x0] =	vst.idx.add.s32.msk $0xffff, v3  }
0x2c3: {  	[tilespmem:v30+s14+$0x0] =	vst.idx.add.s32.msk $0xffff, v3  }
0x2c4: {  	[tilespmem:v29+s14+$0x0] =	vst.idx.add.s32.msk $0xffff, v3  }
0x2c5: {  	[tilespmem:v28+s14+$0x0] =	vst.idx.add.s32.msk $0xffff, v3  }
0x2c6: {  	[tilespmem:v44+s14+$0x0] =	vst.idx.add.s32.msk $0xffff, v3  }
0x2c7: {  	[tilespmem:v42+s14+$0x0] =	vst.idx.add.s32.msk $0xffff, v3  }
0x2c8: {  	[tilespmem:v41+s14+$0x0] =	vst.idx.add.s32.msk $0xffff, v3  }
0x2c9: {  	[tilespmem:v40+s14+$0x0] =	vst.idx.add.s32.msk $0xffff, v3  }
0x2ca: {  	[tilespmem:v45+s14+$0x0] =	vst.idx.add.s32.msk $0xffff, v3  }
0x2cb: {  	v0 =	vld [tilespmem:$0x1FE80];
	_ =	sdelay $0x7  }
0x2cc: {  	[tilespmem:v0+s14+$0x0] =	vst.idx.add.s32.msk $0xffff, v3  }
0x2cd: {  	v0 =	vld [tilespmem:$0x1FE90]  }
0x2ce: {  	[tilespmem:v39+s14+$0x0] =	vst.idx.add.s32.msk $0xffff, v3  }
0x2cf: {  	[tilespmem:v37+s14+$0x0] =	vst.idx.add.s32.msk $0xffff, v3  }
0x2d0: {  	[tilespmem:v38+s14+$0x0] =	vst.idx.add.s32.msk $0xffff, v3  }
0x2d1: {  	[tilespmem:v21+s14+$0x0] =	vst.idx.add.s32.msk $0xffff, v3  }
0x2d2: {  	[tilespmem:v25+s14+$0x0] =	vst.idx.add.s32.msk $0xffff, v3  }
0x2d3: {  	[tilespmem:v12+s14+$0x0] =	vst.idx.add.s32.msk $0xffff, v3  }
0x2d4: {  	[tilespmem:v19+s14+$0x0] =	vst.idx.add.s32.msk $0xffff, v3  }
0x2d5: {  	[tilespmem:v9+s14+$0x0] =	vst.idx.add.s32.msk $0xffff, v3  }
0x2d6: {  	[tilespmem:v1+s14+$0x0] =	vst.idx.add.s32.msk $0xffff, v3  }
0x2d7: {  	v1 =	vcvt.f32.s32 v26;
	[tilespmem:v8+s14+$0x0] =	vst.idx.add.s32.msk $0xffff, v3  }
0x2d8: {  	[tilespmem:v0+s14+$0x0] =	vst.idx.add.s32.msk $0xffff, v3;
	v0 =	vcvt.f32.s32 v4  }
0x2d9: {  	[tilespmem:v7+s14+$0x0] =	vst.idx.add.s32.msk $0xffff, v3  }
0x2da: {  	[tilespmem:v5+s14+$0x0] =	vst.idx.add.s32.msk $0xffff, v3  }
0x2db: {  	[tilespmem:v6+s14+$0x0] =	vst.idx.add.s32.msk $0xffff, v3  }
0x2dc: {  	[tilespmem:v2+s14+$0x0] =	vst.idx.add.s32.msk $0xffff, v3  }
0x2dd: {  	[tilespmem:v1+s14+$0x0] =	vst.idx.add.s32.msk $0xffff, v3  }
0x2de: {  	s0 =	simm.s32 $0x2;
	[tilespmem:v0+s14+$0x0] =	vst.idx.add.s32.msk $0xffff, v3  }
0x2df: {  	_ =	swait.ge [sflag:s0], $0x8000  }
0x2e0: {  	[sflag:s0] =	ssyncset.done $0x0;
	s1 =	rddreg [dreg:$0xe]  }
0x2e1: {  	s5 =	simm.s32 $0x0;
	[sflag:s0] =	ssyncadd.s32 $0xFFFF8000;
	s0 =	rddreg [dreg:$0xa]  }
0x2e2: {  	s29 =	simm.s32 $0x300;
	p0 =	seq.s32 s1, $0xF;
	s1 =	rddreg [dreg:$0xf]  }
0x2e3: {  	s2 =	simm.s32 $0x11D80;
	s0 =	sadd.s32 @!p0 s1, s0;
	s1 =	simm.s32 @!p0 $0x0  }
0x2e4: {  	[tilespmem:s1], [sflag:$0x1] =	stream.linear.gather @!p0 [hbm4b:s0+s1], $0x8000, $0x38;
	[tilespmem:$0x15C00] =	vst v63  }
0x2e5: {  	s12 =	simm.s32 $0x180;
	s3 =	simm.s32 $0x13D80;
	s28 =	sand.u32 $0x4000, s5;
	v10 =	vld [tilespmem:s2+$0x0]  }
0x2e6: {  	s6 =	simm.s32 $0x12D80;
	s24 =	sor.u32 $0x8000, s28;
	s1 =	sand.u32 $0xFFFFF800, s29;
	v13 =	vld [tilespmem:s3+$0x0]  }
0x2e7: {  	s7 =	simm.s32 $0x14D80;
	s31 =	sand.u32 $0x380, s12;
	s1 =	sadd.s32 s1, s24;
	v2 =	vld [tilespmem:s6+$0x0]  }
0x2e8: {  	v6 =	vld [tilespmem:s7+$0x0];
	s1 =	sor.u32 s31, s1  }
0x2e9: {  	v1 =	vld [tilespmem:s1+$0x470]  }
0x2ea: {  	v0 =	vld [tilespmem:s1+$0x0]  }
0x2eb: {  	s4 =	simm.s32 $0x100;
	v25 =	vld [tilespmem:s1+$0x10]  }
0x2ec: {  	s2 =	sand.u32 $0xFFFFF800, s4;
	s3 =	simm.s32 $0x80;
	v26 =	vld [tilespmem:s1+$0x20]  }
0x2ed: {  	s2 =	sadd.s32 s2, s24;
	s28 =	sand.u32 $0x280, s3;
	v27 =	vld [tilespmem:s1+$0x30]  }
0x2ee: {  	s2 =	sor.u32 s28, s2;
	v28 =	vld [tilespmem:s1+$0x40]  }
0x2ef: {  	v51 =	vld [tilespmem:s2+$0x0]  }
0x2f0: {  	v12 =	vld [tilespmem:s2+$0x10]  }
0x2f1: {  	v49 =	vld [tilespmem:s2+$0x20]  }
0x2f2: {  	v50 =	vld [tilespmem:s2+$0x30]  }
0x2f3: {  	v47 =	vld [tilespmem:s2+$0x40]  }
0x2f4: {  	v48 =	vld [tilespmem:s2+$0x50]  }
0x2f5: {  	v14 =	vld [tilespmem:s2+$0x60]  }
0x2f6: {  	v46 =	vld [tilespmem:s2+$0x70]  }
0x2f7: {  	v45 =	vld [tilespmem:s2+$0x400]  }
0x2f8: {  	v44 =	vld [tilespmem:s2+$0x410]  }
0x2f9: {  	v39 =	vld [tilespmem:s2+$0x420]  }
0x2fa: {  	v40 =	vld [tilespmem:s2+$0x430]  }
0x2fb: {  	s8 =	simm.s32 $0x200;
	v15 =	vld [tilespmem:s2+$0x440]  }
0x2fc: {  	s4 =	simm.s32 $0x100;
	s3 =	sand.u32 $0xFFFFF800, s8;
	v41 =	vld [tilespmem:s2+$0x450]  }
0x2fd: {  	s26 =	sand.u32 $0x300, s4;
	s3 =	sadd.s32 s3, s24;
	v42 =	vld [tilespmem:s2+$0x460]  }
0x2fe: {  	s3 =	sor.u32 s26, s3;
	v43 =	vld [tilespmem:s2+$0x470]  }
0x2ff: {  	v38 =	vld [tilespmem:s3+$0x0]  }
0x300: {  	v16 =	vld [tilespmem:s3+$0x10]  }
0x301: {  	v37 =	vld [tilespmem:s3+$0x20]  }
0x302: {  	v7 =	vld [tilespmem:s3+$0x30]  }
0x303: {  	v8 =	vld [tilespmem:s3+$0x40]  }
0x304: {  	v4 =	vld [tilespmem:s3+$0x50]  }
0x305: {  	v5 =	vld [tilespmem:s3+$0x60]  }
0x306: {  	v17 =	vld [tilespmem:s3+$0x70]  }
0x307: {  	v18 =	vld [tilespmem:s3+$0x400]  }
0x308: {  	v23 =	vld [tilespmem:s3+$0x410]  }
0x309: {  	v9 =	vld [tilespmem:s3+$0x470]  }
0x30a: {  	v22 =	vld [tilespmem:s3+$0x420]  }
0x30b: {  	v19 =	vld [tilespmem:s3+$0x430];
	v1 =	vsub.f32 v1, v10  }
0x30c: {  	v20 =	vld [tilespmem:s3+$0x440]  }
0x30d: {  	v21 =	vld [tilespmem:s3+$0x450];
	v1 =	vmul.f32 v1, v13  }
0x30e: {  	v11 =	vld [tilespmem:s3+$0x460];
	[tilespmem:$0x1F960] =	vst v9  }
0x30f: {  	v29 =	vld [tilespmem:s1+$0x50];
	v1 =	vtrunc.f32 v1  }
0x310: {  	v30 =	vld [tilespmem:s1+$0x60];
	v1 =	vcvt.f32.s32 v1  }
0x311: {  	v35 =	vld [tilespmem:s1+$0x70]  }
0x312: {  	v36 =	vld [tilespmem:s1+$0x400]  }
0x313: {  	s10 =	simm.s32 $0x2300;
	v52 =	vld [tilespmem:s1+$0x410]  }
0x314: {  	s3 =	sand.u32 $0x7FFFF800, s10;
	v53 =	vld [tilespmem:s1+$0x420]  }
0x315: {  	s3 =	sadd.s32 s3, s24;
	v54 =	vld [tilespmem:s1+$0x430]  }
0x316: {  	s0 =	sor.u32 s31, s3;
	[tilespmem:v1+s14+$0x0] =	vst.idx.add.s32.msk $0xffff, v3  }
0x317: {  	v31 =	vsub.f32 v0, v10;
	v0 =	vld [tilespmem:s0+$0x470]  }
0x318: {  	v55 =	vld [tilespmem:s1+$0x440]  }
0x319: {  	v56 =	vld [tilespmem:s1+$0x450]  }
0x31a: {  	s9 =	simm.s32 $0x11C80;
	s13 =	simm.s32 $0x0;
	s15 =	sand.u32 $0x1800, s5;
	v57 =	vld [tilespmem:s1+$0x460]  }
0x31b: {  	s11 =	simm.s32 $0x11D00;
	s25 =	sand.u32 $0x200, s13;
	s2 =	sor.u32 s15, s24;
	v58 =	vld [tilespmem:s9+$0x0]  }
0x31c: {  	s2 =	sor.u32 s25, s2;
	v24 =	vld [tilespmem:s11+$0x0];
	v1 =	vsub.f32 v25, v10;
	v25 =	vmul.f32 v31, v13;
	[tilespmem:$0x1F990] =	vst v0  }
0x31d: {  	v34 =	vld [tilespmem:s2+$0x0]  }
0x31e: {  	v26 =	vsub.f32 v26, v10;
	v27 =	vsub.f32 v27, v10;
	v31 =	vtrunc.f32 v25;
	v33 =	vld [tilespmem:s2+$0x10]  }
0x31f: {  	v28 =	vsub.f32 v28, v10;
	v59 =	vcvt.f32.s32 v31;
	v25 =	vld [tilespmem:s2+$0x20]  }
0x320: {  	v26 =	vmul.f32 v26, v13;
	v27 =	vmul.f32 v27, v13;
	v32 =	vld [tilespmem:s2+$0x30]  }
0x321: {  	v28 =	vmul.f32 v28, v13;
	v1 =	vmul.f32 v1, v13;
	v31 =	vld [tilespmem:s2+$0x40]  }
0x322: {  	v60 =	vtrunc.f32 v26;
	v61 =	vtrunc.f32 v27;
	v30 =	vsub.f32 v30, v10;
	v26 =	vld [tilespmem:s2+$0x50]  }
0x323: {  	v62 =	vtrunc.f32 v28;
	v1 =	vtrunc.f32 v1;
	v27 =	vld [tilespmem:s2+$0x60]  }
0x324: {  	v1 =	vcvt.f32.s32 v1;
	v0 =	vmul.f32 v30, v13;
	v28 =	vld [tilespmem:s2+$0x70]  }
0x325: {  	v29 =	vsub.f32 v29, v10;
	[tilespmem:v59+s14+$0x0] =	vst.idx.add.s32.msk $0xffff, v3  }
0x326: {  	v35 =	vsub.f32 v35, v10;
	v36 =	vsub.f32 v36, v10;
	v59 =	vtrunc.f32 v0;
	v0 =	vld [tilespmem:s2+$0x440]  }
0x327: {  	v52 =	vsub.f32 v52, v10;
	v53 =	vsub.f32 v53, v10;
	v63 =	vmul.f32 v29, v13;
	v29 =	vld [tilespmem:s2+$0x400]  }
0x328: {  	v54 =	vsub.f32 v54, v10;
	v55 =	vsub.f32 v55, v10;
	v30 =	vld [tilespmem:s2+$0x410]  }
0x329: {  	v56 =	vsub.f32 v56, v10;
	v57 =	vsub.f32 v57, v10;
	v36 =	vmul.f32 v36, v13;
	v9 =	vld [tilespmem:s2+$0x420]  }
0x32a: {  	v60 =	vcvt.f32.s32 v60;
	v51 =	vsub.f32 v51, v58;
	v49 =	vsub.f32 v49, v58;
	[tilespmem:v1+s14+$0x0] =	vst.idx.add.s32.msk $0xffff, v3  }
0x32b: {  	v50 =	vsub.f32 v50, v58;
	v47 =	vsub.f32 v47, v58;
	v1 =	vtrunc.f32 v36;
	v36 =	vld [tilespmem:s2+$0x430];
	[tilespmem:$0x1F970] =	vst v0  }
0x32c: {  	v48 =	vsub.f32 v48, v58;
	v46 =	vsub.f32 v46, v58;
	v0 =	vld [tilespmem:s2+$0x450]  }
0x32d: {  	v61 =	vcvt.f32.s32 v61;
	v45 =	vsub.f32 v45, v58;
	v44 =	vsub.f32 v44, v58  }
0x32e: {  	v62 =	vcvt.f32.s32 v62;
	v39 =	vsub.f32 v39, v58;
	v40 =	vsub.f32 v40, v58  }
0x32f: {  	v41 =	vsub.f32 v41, v58;
	v35 =	vmul.f32 v35, v13;
	v52 =	vmul.f32 v52, v13  }
0x330: {  	v42 =	vsub.f32 v42, v58;
	v53 =	vmul.f32 v53, v13;
	v63 =	vtrunc.f32 v63;
	[tilespmem:v60+s14+$0x0] =	vst.idx.add.s32.msk $0xffff, v3  }
0x331: {  	v43 =	vsub.f32 v43, v58;
	v54 =	vmul.f32 v54, v13;
	v63 =	vcvt.f32.s32 v63;
	[tilespmem:$0x1F980] =	vst v0  }
0x332: {  	v55 =	vmul.f32 v55, v13;
	v56 =	vmul.f32 v56, v13;
	v60 =	vsub.f32 v12, v58;
	v12 =	vld [tilespmem:s2+$0x460]  }
0x333: {  	v38 =	vsub.f32 v38, v24;
	v57 =	vmul.f32 v57, v13;
	v35 =	vtrunc.f32 v35;
	[tilespmem:v61+s14+$0x0] =	vst.idx.add.s32.msk $0xffff, v3  }
0x334: {  	v52 =	vtrunc.f32 v52;
	v59 =	vcvt.f32.s32 v59;
	v61 =	vsub.f32 v14, v58;
	v14 =	vld [tilespmem:s2+$0x470]  }
0x335: {  	s16 =	simm.s32 $0x13C80;
	v37 =	vsub.f32 v37, v24;
	v53 =	vtrunc.f32 v53;
	v35 =	vcvt.f32.s32 v35;
	[tilespmem:v62+s14+$0x0] =	vst.idx.add.s32.msk $0xffff, v3  }
0x336: {  	v17 =	vsub.f32 v17, v24;
	v54 =	vtrunc.f32 v54;
	v1 =	vcvt.f32.s32 v1;
	v62 =	vld [tilespmem:s16+$0x0]  }
0x337: {  	s1 =	sand.u32 $0xE00, s13;
	v23 =	vsub.f32 v23, v24;
	v55 =	vtrunc.f32 v55;
	v56 =	vtrunc.f32 v56;
	[tilespmem:v63+s14+$0x0] =	vst.idx.add.s32.msk $0xffff, v3  }
0x338: {  	s17 =	simm.s32 $0x13D00;
	v57 =	vtrunc.f32 v57;
	v52 =	vcvt.f32.s32 v52;
	v63 =	vsub.f32 v15, v58;
	v15 =	vld [tilespmem:s1+$0x11C00]  }
0x339: {  	v22 =	vsub.f32 v22, v24;
	v53 =	vcvt.f32.s32 v53;
	v54 =	vcvt.f32.s32 v54;
	v58 =	vld [tilespmem:s17+$0x0]  }
0x33a: {  	v55 =	vcvt.f32.s32 v55;
	v56 =	vcvt.f32.s32 v56;
	[tilespmem:v59+s14+$0x0] =	vst.idx.add.s32.msk $0xffff, v3;
	v59 =	vsub.f32 v16, v24  }
0x33b: {  	v57 =	vcvt.f32.s32 v57;
	[tilespmem:v35+s14+$0x0] =	vst.idx.add.s32.msk $0xffff, v3;
	v35 =	vsub.f32 v7, v24;
	v51 =	vmul.f32 v51, v62  }
0x33c: {  	[tilespmem:v1+s14+$0x0] =	vst.idx.add.s32.msk $0xffff, v3;
	v60 =	vmul.f32 v60, v62;
	v49 =	vmul.f32 v49, v62  }
0x33d: {  	v16 =	vld [tilespmem:s1+$0x13C00];
	v1 =	vsub.f32 v8, v24;
	v50 =	vmul.f32 v50, v62;
	v47 =	vmul.f32 v47, v62  }
0x33e: {  	s18 =	simm.s32 $0x12C80;
	[tilespmem:v52+s14+$0x0] =	vst.idx.add.s32.msk $0xffff, v3;
	v48 =	vmul.f32 v48, v62;
	v61 =	vmul.f32 v61, v62  }
0x33f: {  	v7 =	vld [tilespmem:s18+$0x0];
	v52 =	vsub.f32 v4, v24;
	v46 =	vmul.f32 v46, v62;
	v45 =	vmul.f32 v45, v62  }
0x340: {  	s19 =	simm.s32 $0x14C80;
	[tilespmem:v53+s14+$0x0] =	vst.idx.add.s32.msk $0xffff, v3;
	v44 =	vmul.f32 v44, v62;
	v39 =	vmul.f32 v39, v62  }
0x341: {  	v8 =	vld [tilespmem:s19+$0x0];
	v53 =	vsub.f32 v5, v24;
	v40 =	vmul.f32 v40, v62;
	v63 =	vmul.f32 v63, v62  }
0x342: {  	s20 =	simm.s32 $0x12D00;
	[tilespmem:v54+s14+$0x0] =	vst.idx.add.s32.msk $0xffff, v3;
	v41 =	vmul.f32 v41, v62;
	v42 =	vmul.f32 v42, v62  }
0x343: {  	v4 =	vld [tilespmem:s20+$0x0];
	v54 =	vsub.f32 v18, v24;
	v62 =	vmul.f32 v43, v62;
	v38 =	vmul.f32 v38, v58  }
0x344: {  	[tilespmem:v55+s14+$0x0] =	vst.idx.add.s32.msk $0xffff, v3;
	v59 =	vmul.f32 v59, v58;
	v37 =	vmul.f32 v37, v58  }
0x345: {  	s21 =	simm.s32 $0x14D00;
	[tilespmem:v57+s14+$0x0] =	vst.idx.add.s32.msk $0xffff, v3;
	v35 =	vmul.f32 v35, v58;
	v10 =	vmul.f32 v1, v58  }
0x346: {  	v5 =	vld [tilespmem:s21+$0x0];
	v55 =	vsub.f32 v19, v24;
	v52 =	vmul.f32 v52, v58;
	v53 =	vmul.f32 v53, v58  }
0x347: {  	v18 =	vld [tilespmem:s0+$0x10];
	v57 =	vsub.f32 v20, v24;
	v17 =	vmul.f32 v17, v58;
	v54 =	vmul.f32 v54, v58  }
0x348: {  	[tilespmem:v56+s14+$0x0] =	vst.idx.add.s32.msk $0xffff, v3;
	v56 =	vmul.f32 v23, v58;
	v55 =	vmul.f32 v55, v58  }
0x349: {  	v57 =	vmul.f32 v57, v58;
	v1 =	vld [tilespmem:$0x1F960];
	v51 =	vtrunc.f32 v51  }
0x34a: {  	v19 =	vld [tilespmem:s0+$0x20];
	v23 =	vtrunc.f32 v60;
	v60 =	vmul.f32 v22, v58  }
0x34b: {  	v20 =	vld [tilespmem:s0+$0x30];
	v49 =	vtrunc.f32 v49;
	v50 =	vtrunc.f32 v50  }
0x34c: {  	v13 =	vld [tilespmem:s0+$0x420];
	v47 =	vtrunc.f32 v47;
	v51 =	vcvt.f32.s32 v51  }
0x34d: {  	v11 =	vsub.f32 v11, v24;
	v43 =	vld [tilespmem:s0+$0x0];
	v41 =	vtrunc.f32 v41;
	v37 =	vtrunc.f32 v37  }
0x34e: {  	v22 =	vcvt.f32.s32 v23;
	v23 =	vsub.f32 v21, v24;
	v21 =	vld [tilespmem:s0+$0x40];
	v24 =	vsub.f32 v1, v24  }
0x34f: {  	v0 =	vcvt.f32.s32 v49;
	v49 =	vld [tilespmem:s0+$0x50];
	v1 =	vmul.f32 v11, v58  }
0x350: {  	v11 =	vcvt.f32.s32 v50;
	v50 =	vmul.f32 v24, v58;
	v24 =	vld [tilespmem:s0+$0x70]  }
0x351: {  	v47 =	vcvt.f32.s32 v47;
	v23 =	vmul.f32 v23, v58;
	v58 =	vsub.f32 v25, v15;
	v25 =	vld [tilespmem:s0+$0x400]  }
0x352: {  	v35 =	vtrunc.f32 v35;
	v41 =	vcvt.f32.s32 v41;
	[tilespmem:v51+s14+$0x0] =	vst.idx.add.s32.msk $0xffff, v3  }
0x353: {  	v10 =	vtrunc.f32 v10;
	v37 =	vcvt.f32.s32 v37;
	v51 =	vsub.f32 v34, v15;
	v34 =	vld [tilespmem:s0+$0x60]  }
0x354: {  	v17 =	vtrunc.f32 v17;
	v10 =	vcvt.f32.s32 v10;
	[tilespmem:v22+s14+$0x0] =	vst.idx.add.s32.msk $0xffff, v3  }
0x355: {  	v33 =	vsub.f32 v33, v15;
	v35 =	vcvt.f32.s32 v35;
	v17 =	vcvt.f32.s32 v17;
	[tilespmem:v0+s14+$0x0] =	vst.idx.add.s32.msk $0xffff, v3  }
0x356: {  	v23 =	vtrunc.f32 v23;
	v1 =	vtrunc.f32 v1;
	v0 =	vsub.f32 v26, v15;
	v26 =	vld [tilespmem:s0+$0x410]  }
0x357: {  	v31 =	vsub.f32 v31, v15;
	v23 =	vcvt.f32.s32 v23;
	v1 =	vcvt.f32.s32 v1;
	[tilespmem:v47+s14+$0x0] =	vst.idx.add.s32.msk $0xffff, v3  }
0x358: {  	v22 =	vsub.f32 v32, v15;
	v32 =	vmul.f32 v33, v16;
	v33 =	vtrunc.f32 v48;
	[tilespmem:v41+s14+$0x0] =	vst.idx.add.s32.msk $0xffff, v3  }
0x359: {  	v48 =	vmul.f32 v58, v16;
	v58 =	vtrunc.f32 v61;
	[tilespmem:v37+s14+$0x0] =	vst.idx.add.s32.msk $0xffff, v3  }
0x35a: {  	v61 =	vsub.f32 v27, v15;
	v27 =	vmul.f32 v31, v16;
	[tilespmem:v10+s14+$0x0] =	vst.idx.add.s32.msk $0xffff, v3;
	v10 =	vtrunc.f32 v57  }
0x35b: {  	[tilespmem:v17+s14+$0x0] =	vst.idx.add.s32.msk $0xffff, v3;
	v17 =	vtrunc.f32 v50;
	v33 =	vcvt.f32.s32 v33  }
0x35c: {  	v31 =	vcvt.f32.s32 v58;
	v10 =	vcvt.f32.s32 v10;
	[tilespmem:v11+s14+$0x0] =	vst.idx.add.s32.msk $0xffff, v3;
	v11 =	vsub.f32 v28, v15  }
0x35d: {  	v29 =	vsub.f32 v29, v15;
	[tilespmem:v35+s14+$0x0] =	vst.idx.add.s32.msk $0xffff, v3;
	v28 =	vtrunc.f32 v46;
	v46 =	vmul.f32 v61, v16  }
0x35e: {  	v61 =	vcvt.f32.s32 v28;
	v28 =	vld [tilespmem:s0+$0x430];
	v47 =	vmul.f32 v11, v16  }
0x35f: {  	v11 =	vtrunc.f32 v45;
	v45 =	vmul.f32 v29, v16;
	v29 =	vld [tilespmem:s0+$0x440]  }
0x360: {  	v17 =	vcvt.f32.s32 v17;
	v22 =	vmul.f32 v22, v16;
	[tilespmem:v23+s14+$0x0] =	vst.idx.add.s32.msk $0xffff, v3  }
0x361: {  	v58 =	vmul.f32 v0, v16;
	v32 =	vtrunc.f32 v32;
	[tilespmem:v1+s14+$0x0] =	vst.idx.add.s32.msk $0xffff, v3  }
0x362: {  	v32 =	vcvt.f32.s32 v32;
	v22 =	vtrunc.f32 v22;
	[tilespmem:v33+s14+$0x0] =	vst.idx.add.s32.msk $0xffff, v3  }
0x363: {  	v30 =	vsub.f32 v30, v15;
	v11 =	vcvt.f32.s32 v11;
	v22 =	vcvt.f32.s32 v22;
	[tilespmem:v31+s14+$0x0] =	vst.idx.add.s32.msk $0xffff, v3  }
0x364: {  	v9 =	vsub.f32 v9, v15;
	v23 =	vtrunc.f32 v58;
	v1 =	vtrunc.f32 v46;
	v31 =	vld [tilespmem:s0+$0x460]  }
0x365: {  	v33 =	vsub.f32 v36, v15;
	v36 =	vmul.f32 v30, v16;
	v30 =	vtrunc.f32 v44;
	[tilespmem:v10+s14+$0x0] =	vst.idx.add.s32.msk $0xffff, v3  }
0x366: {  	s30 =	simm.s32 $0x0;
	v44 =	vmul.f32 v9, v16;
	v9 =	vtrunc.f32 v39;
	[tilespmem:v17+s14+$0x0] =	vst.idx.add.s32.msk $0xffff, v3  }
0x367: {  	s22 =	sor.u32 $0x20, s30;
	s29 =	simm.s32 $0x2100;
	v39 =	vtrunc.f32 v40;
	v0 =	vcvt.f32.s32 v30;
	v30 =	vld [tilespmem:s0+$0x450]  }
0x368: {  	s23 =	sshll.u32 s22, $0x7;
	v40 =	vcvt.f32.s32 v9;
	v9 =	vtrunc.f32 v63;
	s0 =	sand.u32 $0x7FFFF800, s29;
	[tilespmem:v61+s14+$0x0] =	vst.idx.add.s32.msk $0xffff, v3  }
0x369: {  	v23 =	vcvt.f32.s32 v23;
	v61 =	vcvt.f32.s32 v9;
	v9 =	vld [tilespmem:s23+$0x11C00];
	s0 =	sadd.s32 s0, s24  }
0x36a: {  	v1 =	vcvt.f32.s32 v1;
	v10 =	vtrunc.f32 v27;
	s0 =	sor.u32 s28, s0;
	[tilespmem:v11+s14+$0x0] =	vst.idx.add.s32.msk $0xffff, v3  }
0x36b: {  	v27 =	vtrunc.f32 v36;
	v11 =	vtrunc.f32 v42;
	v36 =	vld [tilespmem:s0+$0x50]  }
0x36c: {  	v42 =	vtrunc.f32 v62;
	v62 =	vcvt.f32.s32 v11;
	v11 =	vld [tilespmem:s23+$0x13C00]  }
0x36d: {  	[tilespmem:v0+s14+$0x0] =	vst.idx.add.s32.msk $0xffff, v3;
	v0 =	vtrunc.f32 v38  }
0x36e: {  	[tilespmem:v32+s14+$0x0] =	vst.idx.add.s32.msk $0xffff, v3;
	v0 =	vcvt.f32.s32 v0  }
0x36f: {  	[tilespmem:v22+s14+$0x0] =	vst.idx.add.s32.msk $0xffff, v3  }
0x370: {  	v59 =	vtrunc.f32 v59;
	v39 =	vcvt.f32.s32 v39;
	[tilespmem:v23+s14+$0x0] =	vst.idx.add.s32.msk $0xffff, v3  }
0x371: {  	v63 =	vcvt.f32.s32 v59;
	v33 =	vmul.f32 v33, v16;
	[tilespmem:v1+s14+$0x0] =	vst.idx.add.s32.msk $0xffff, v3  }
0x372: {  	v17 =	vtrunc.f32 v47;
	v10 =	vcvt.f32.s32 v10;
	v23 =	vld [tilespmem:s0+$0x10]  }
0x373: {  	v17 =	vcvt.f32.s32 v17;
	v22 =	vtrunc.f32 v33;
	v33 =	vld [tilespmem:s0+$0x30]  }
0x374: {  	[tilespmem:v0+s14+$0x0] =	vst.idx.add.s32.msk $0xffff, v3;
	v0 =	vtrunc.f32 v54  }
0x375: {  	[tilespmem:v40+s14+$0x0] =	vst.idx.add.s32.msk $0xffff, v3;
	v0 =	vcvt.f32.s32 v0  }
0x376: {  	[tilespmem:v39+s14+$0x0] =	vst.idx.add.s32.msk $0xffff, v3  }
0x377: {  	v27 =	vcvt.f32.s32 v27;
	[tilespmem:v63+s14+$0x0] =	vst.idx.add.s32.msk $0xffff, v3  }
0x378: {  	v52 =	vtrunc.f32 v52;
	[tilespmem:v10+s14+$0x0] =	vst.idx.add.s32.msk $0xffff, v3  }
0x379: {  	v51 =	vmul.f32 v51, v16;
	v38 =	vcvt.f32.s32 v42;
	[tilespmem:v17+s14+$0x0] =	vst.idx.add.s32.msk $0xffff, v3  }
0x37a: {  	v39 =	vcvt.f32.s32 v52;
	v10 =	vcvt.f32.s32 v22;
	v22 =	vld [tilespmem:s0+$0x0]  }
0x37b: {  	[tilespmem:v0+s14+$0x0] =	vst.idx.add.s32.msk $0xffff, v3;
	v0 =	vtrunc.f32 v51  }
0x37c: {  	v59 =	vtrunc.f32 v53;
	[tilespmem:v61+s14+$0x0] =	vst.idx.add.s32.msk $0xffff, v3;
	v0 =	vcvt.f32.s32 v0  }
0x37d: {  	v63 =	vtrunc.f32 v60;
	v61 =	vcvt.f32.s32 v59;
	[tilespmem:v27+s14+$0x0] =	vst.idx.add.s32.msk $0xffff, v3  }
0x37e: {  	v52 =	vtrunc.f32 v55;
	v37 =	vcvt.f32.s32 v63;
	[tilespmem:v62+s14+$0x0] =	vst.idx.add.s32.msk $0xffff, v3  }
0x37f: {  	v55 =	vtrunc.f32 v44;
	v35 =	vcvt.f32.s32 v52;
	[tilespmem:v38+s14+$0x0] =	vst.idx.add.s32.msk $0xffff, v3  }
0x380: {  	v32 =	vcvt.f32.s32 v55;
	v62 =	vtrunc.f32 v56;
	[tilespmem:v39+s14+$0x0] =	vst.idx.add.s32.msk $0xffff, v3  }
0x381: {  	v53 =	vtrunc.f32 v48;
	v40 =	vcvt.f32.s32 v62;
	[tilespmem:v10+s14+$0x0] =	vst.idx.add.s32.msk $0xffff, v3  }
0x382: {  	v54 =	vcvt.f32.s32 v53;
	[tilespmem:v0+s14+$0x0] =	vst.idx.add.s32.msk $0xffff, v3;
	v0 =	vtrunc.f32 v45  }
0x383: {  	[tilespmem:v61+s14+$0x0] =	vst.idx.add.s32.msk $0xffff, v3;
	v0 =	vcvt.f32.s32 v0  }
0x384: {  	[tilespmem:v37+s14+$0x0] =	vst.idx.add.s32.msk $0xffff, v3  }
0x385: {  	[tilespmem:v35+s14+$0x0] =	vst.idx.add.s32.msk $0xffff, v3  }
0x386: {  	[tilespmem:v32+s14+$0x0] =	vst.idx.add.s32.msk $0xffff, v3  }
0x387: {  	[tilespmem:v40+s14+$0x0] =	vst.idx.add.s32.msk $0xffff, v3  }
0x388: {  	[tilespmem:v54+s14+$0x0] =	vst.idx.add.s32.msk $0xffff, v3  }
0x389: {  	[tilespmem:v0+s14+$0x0] =	vst.idx.add.s32.msk $0xffff, v3  }
0x38a: {  	v1 =	vld [tilespmem:$0x1F980]  }
0x38b: {  	v0 =	vld [tilespmem:$0x1F970]  }
0x38c: {  	v63 =	vld [tilespmem:s0+$0x410];
	v10 =	vsub.f32 v12, v15  }
0x38d: {  	v41 =	vld [tilespmem:s0+$0x420];
	v12 =	vsub.f32 v14, v15  }
0x38e: {  	v42 =	vld [tilespmem:s0+$0x430];
	v10 =	vmul.f32 v10, v16  }
0x38f: {  	v57 =	vld [tilespmem:s0+$0x440];
	v12 =	vmul.f32 v12, v16;
	v1 =	vsub.f32 v1, v15  }
0x390: {  	v56 =	vld [tilespmem:s0+$0x40];
	v10 =	vtrunc.f32 v10;
	v0 =	vsub.f32 v0, v15  }
0x391: {  	v62 =	vld [tilespmem:s0+$0x400];
	v12 =	vtrunc.f32 v12;
	v1 =	vmul.f32 v1, v16  }
0x392: {  	v58 =	vld [tilespmem:s0+$0x460];
	v10 =	vcvt.f32.s32 v10;
	v0 =	vmul.f32 v0, v16  }
0x393: {  	v38 =	vld [tilespmem:s0+$0x70];
	v15 =	vcvt.f32.s32 v12;
	v1 =	vtrunc.f32 v1  }
0x394: {  	v32 =	vld [tilespmem:s0+$0x20];
	v0 =	vtrunc.f32 v0;
	v1 =	vcvt.f32.s32 v1  }
0x395: {  	v17 =	vsub.f32 v19, v2;
	v37 =	vld [tilespmem:s0+$0x60];
	v0 =	vcvt.f32.s32 v0  }
0x396: {  	v19 =	vsub.f32 v21, v2;
	v21 =	vsub.f32 v24, v2;
	v14 =	vld [tilespmem:$0x1F990]  }
0x397: {  	v13 =	vsub.f32 v13, v2;
	v24 =	vsub.f32 v25, v2;
	v46 =	vld [tilespmem:s0+$0x470]  }
0x398: {  	v25 =	vsub.f32 v26, v2;
	v21 =	vmul.f32 v21, v6;
	[tilespmem:v10+s14+$0x0] =	vst.idx.add.s32.msk $0xffff, v3  }
0x399: {  	v24 =	vmul.f32 v24, v6;
	v16 =	vsub.f32 v18, v2;
	[tilespmem:v15+s14+$0x0] =	vst.idx.add.s32.msk $0xffff, v3  }
0x39a: {  	v18 =	vsub.f32 v20, v2;
	[tilespmem:v1+s14+$0x0] =	vst.idx.add.s32.msk $0xffff, v3;
	v1 =	vmul.f32 v17, v6  }
0x39b: {  	s31 =	simm.s32 $0x2200;
	v14 =	vsub.f32 v14, v2;
	v12 =	vsub.f32 v43, v2;
	[tilespmem:v0+s14+$0x0] =	vst.idx.add.s32.msk $0xffff, v3  }
0x39c: {  	v26 =	vsub.f32 v30, v2;
	v25 =	vmul.f32 v25, v6;
	v45 =	vld [tilespmem:s0+$0x450];
	s0 =	sand.u32 $0x7FFFF800, s31;
	[tilespmem:$0x1F9A0] =	vst v1;
	v1 =	vmul.f32 v18, v6  }
0x39d: {  	s0 =	sadd.s32 s0, s24;
	v14 =	vmul.f32 v14, v6;
	v20 =	vsub.f32 v49, v2;
	v10 =	vmul.f32 v12, v6  }
0x39e: {  	s0 =	sor.u32 s26, s0;
	v12 =	vmul.f32 v16, v6;
	v16 =	vmul.f32 v19, v6;
	v19 =	vsub.f32 v29, v2;
	[tilespmem:$0x1F9B0] =	vst v1  }
0x39f: {  	v29 =	vmul.f32 v26, v6;
	v15 =	vmul.f32 v13, v6;
	v0 =	vsub.f32 v34, v2;
	v59 =	vld [tilespmem:s0+$0x0]  }
0x3a0: {  	v17 =	vmul.f32 v20, v6;
	v18 =	vsub.f32 v28, v2;
	v2 =	vsub.f32 v31, v2;
	v60 =	vld [tilespmem:s0+$0x10]  }
0x3a1: {  	v20 =	vmul.f32 v0, v6;
	v28 =	vmul.f32 v19, v6;
	v61 =	vld [tilespmem:s0+$0x20]  }
0x3a2: {  	v27 =	vmul.f32 v18, v6;
	v18 =	vmul.f32 v2, v6;
	v6 =	vsub.f32 v23, v7;
	v50 =	vld [tilespmem:s0+$0x30]  }
0x3a3: {  	v51 =	vld [tilespmem:s0+$0x40]  }
0x3a4: {  	v52 =	vld [tilespmem:s0+$0x50];
	v35 =	vmul.f32 v6, v8;
	v6 =	vsub.f32 v36, v7  }
0x3a5: {  	v53 =	vld [tilespmem:s0+$0x60]  }
0x3a6: {  	v54 =	vld [tilespmem:s0+$0x70];
	v0 =	vmul.f32 v6, v8;
	v6 =	vsub.f32 v38, v7  }
0x3a7: {  	v55 =	vld [tilespmem:s0+$0x400]  }
0x3a8: {  	v30 =	vsub.f32 v37, v7;
	v37 =	vld [tilespmem:s0+$0x410];
	[tilespmem:$0x1F9E0] =	vst v0;
	v0 =	vmul.f32 v6, v8;
	v6 =	vsub.f32 v42, v7  }
0x3a9: {  	v63 =	vsub.f32 v63, v7;
	v38 =	vld [tilespmem:s0+$0x420]  }
0x3aa: {  	v57 =	vsub.f32 v57, v7;
	v62 =	vsub.f32 v62, v7;
	v39 =	vld [tilespmem:s0+$0x430];
	[tilespmem:$0x1F9F0] =	vst v0;
	v0 =	vmul.f32 v6, v8  }
0x3ab: {  	v58 =	vsub.f32 v58, v7;
	v23 =	vsub.f32 v56, v7;
	v40 =	vld [tilespmem:s0+$0x440]  }
0x3ac: {  	v56 =	vsub.f32 v41, v7;
	v6 =	vsub.f32 v45, v7;
	v41 =	vld [tilespmem:s0+$0x450];
	[tilespmem:$0x1FA00] =	vst v0;
	v0 =	vmul.f32 v57, v8  }
0x3ad: {  	v13 =	vsub.f32 v22, v7;
	v22 =	vsub.f32 v33, v7  }
0x3ae: {  	s1 =	sshll.u32 s22, $0x8;
	v19 =	vsub.f32 v32, v7;
	v7 =	vsub.f32 v46, v7;
	v43 =	vld [tilespmem:s0+$0x460];
	[tilespmem:$0x1FA10] =	vst v0;
	v0 =	vmul.f32 v6, v8  }
0x3af: {  	s1 =	sand.u32 $0x3800, s1  }
0x3b0: {  	s1 =	sor.u32 s1, s24;
	v59 =	vsub.f32 v59, v4;
	v45 =	vld [tilespmem:s0+$0x470];
	[tilespmem:$0x1FA20] =	vst v0;
	v0 =	vmul.f32 v7, v8  }
0x3b1: {  	s1 =	sor.u32 s25, s1  }
0x3b2: {  	v60 =	vsub.f32 v60, v4;
	v47 =	vld [tilespmem:s1+$0x0];
	[tilespmem:$0x1FA30] =	vst v0;
	v0 =	vmul.f32 v59, v5;
	_ =	sdelay $0x1  }
0x3b3: {  	v32 =	vmul.f32 v62, v8;
	v62 =	vsub.f32 v50, v4;
	[tilespmem:$0x1FA40] =	vst v0;
	v0 =	vmul.f32 v60, v5;
	_ =	sdelay $0x1  }
0x3b4: {  	v33 =	vmul.f32 v63, v8;
	v63 =	vsub.f32 v51, v4;
	v48 =	vld [tilespmem:s1+$0x10];
	[tilespmem:$0x1FA50] =	vst v0;
	v0 =	vmul.f32 v62, v5  }
0x3b5: {  	v51 =	vld [tilespmem:s1+$0x20]  }
0x3b6: {  	v34 =	vmul.f32 v56, v8;
	v52 =	vsub.f32 v52, v4;
	v56 =	vld [tilespmem:s1+$0x30];
	[tilespmem:$0x1FA60] =	vst v0;
	v0 =	vmul.f32 v63, v5;
	_ =	sdelay $0x1  }
0x3b7: {  	v53 =	vsub.f32 v53, v4;
	[tilespmem:$0x1FA70] =	vst v0;
	v0 =	vmul.f32 v52, v5;
	_ =	sdelay $0x1  }
0x3b8: {  	v54 =	vsub.f32 v54, v4;
	v57 =	vld [tilespmem:s1+$0x40];
	[tilespmem:$0x1FA80] =	vst v0;
	v0 =	vmul.f32 v53, v5;
	_ =	sdelay $0x1  }
0x3b9: {  	v55 =	vsub.f32 v55, v4;
	[tilespmem:$0x1FA90] =	vst v0;
	v0 =	vmul.f32 v54, v5;
	_ =	sdelay $0x1  }
0x3ba: {  	v42 =	vmul.f32 v58, v8;
	v37 =	vsub.f32 v37, v4;
	v58 =	vld [tilespmem:s1+$0x50];
	[tilespmem:$0x1FAA0] =	vst v0;
	v0 =	vmul.f32 v55, v5;
	_ =	sdelay $0x1  }
0x3bb: {  	v38 =	vsub.f32 v38, v4;
	v59 =	vld [tilespmem:s1+$0x60];
	[tilespmem:$0x1FAB0] =	vst v0;
	v0 =	vmul.f32 v37, v5;
	_ =	sdelay $0x1  }
0x3bc: {  	v39 =	vsub.f32 v39, v4;
	v36 =	vld [tilespmem:s1+$0x70];
	[tilespmem:$0x1FAC0] =	vst v0;
	v0 =	vmul.f32 v38, v5;
	_ =	sdelay $0x1  }
0x3bd: {  	v40 =	vsub.f32 v40, v4;
	[tilespmem:$0x1FAD0] =	vst v0;
	v0 =	vmul.f32 v39, v5;
	_ =	sdelay $0x1  }
0x3be: {  	v41 =	vsub.f32 v41, v4;
	v38 =	vld [tilespmem:s1+$0x400];
	[tilespmem:$0x1FAE0] =	vst v0;
	v0 =	vmul.f32 v40, v5;
	_ =	sdelay $0x1  }
0x3bf: {  	v43 =	vsub.f32 v43, v4;
	[tilespmem:$0x1FAF0] =	vst v0;
	v0 =	vmul.f32 v41, v5;
	_ =	sdelay $0x1  }
0x3c0: {  	v40 =	vsub.f32 v47, v9;
	v39 =	vld [tilespmem:s1+$0x410];
	[tilespmem:$0x1FB00] =	vst v0;
	v0 =	vmul.f32 v43, v5;
	_ =	sdelay $0x1  }
0x3c1: {  	v41 =	vld [tilespmem:s1+$0x420];
	[tilespmem:$0x1FB10] =	vst v0;
	v0 =	vmul.f32 v40, v11;
	_ =	sdelay $0x1  }
0x3c2: {  	v43 =	vld [tilespmem:s1+$0x430];
	[tilespmem:$0x1FB20] =	vst v0  }
0x3c3: {  	v0 =	vld [tilespmem:s1+$0x470];
	_ =	sdelay $0x2  }
0x3c4: {  	v61 =	vsub.f32 v61, v4  }
0x3c5: {  	v4 =	vsub.f32 v45, v4;
	v51 =	vsub.f32 v51, v9  }
0x3c6: {  	v29 =	vtrunc.f32 v29;
	v44 =	vmul.f32 v61, v5;
	v0 =	vsub.f32 v0, v9  }
0x3c7: {  	v54 =	vmul.f32 v51, v11;
	v55 =	vmul.f32 v4, v5  }
0x3c8: {  	v51 =	vmul.f32 v0, v11;
	v0 =	vtrunc.f32 v10  }
0x3c9: {  	v50 =	vld [tilespmem:s1+$0x440];
	v5 =	vcvt.f32.s32 v0;
	v0 =	vcvt.f32.s32 v29  }
0x3ca: {  	v18 =	vtrunc.f32 v18;
	v2 =	vld [tilespmem:s1+$0x450]  }
0x3cb: {  	v1 =	vld [tilespmem:s1+$0x460];
	[tilespmem:$0x1F9C0] =	vst v0;
	v0 =	vcvt.f32.s32 v18;
	_ =	sdelay $0x1  }
0x3cc: {  	[tilespmem:$0x1F9D0] =	vst v0;
	v0 =	vld [tilespmem:$0x1F9E0];
	_ =	sdelay $0x4  }
0x3cd: {  	v10 =	vtrunc.f32 v0;
	v0 =	vld [tilespmem:$0x1F9F0];
	_ =	sdelay $0x2  }
0x3ce: {  	v13 =	vmul.f32 v13, v8;
	_ =	sdelay $0x1  }
0x3cf: {  	v18 =	vtrunc.f32 v13;
	v13 =	vtrunc.f32 v0;
	v0 =	vld [tilespmem:$0x1FA00];
	_ =	sdelay $0x1  }
0x3d0: {  	v30 =	vmul.f32 v30, v8;
	v22 =	vmul.f32 v22, v8  }
0x3d1: {  	v19 =	vmul.f32 v19, v8;
	v23 =	vmul.f32 v23, v8  }
0x3d2: {  	v8 =	vtrunc.f32 v22;
	v48 =	vsub.f32 v48, v9;
	v49 =	vsub.f32 v56, v9  }
0x3d3: {  	v57 =	vsub.f32 v57, v9;
	v58 =	vsub.f32 v58, v9;
	v22 =	vtrunc.f32 v0;
	v0 =	vld [tilespmem:$0x1FA10]  }
0x3d4: {  	v59 =	vsub.f32 v59, v9;
	v60 =	vsub.f32 v36, v9  }
0x3d5: {  	v61 =	vsub.f32 v38, v9;
	v62 =	vsub.f32 v39, v9  }
0x3d6: {  	v47 =	vsub.f32 v41, v9;
	v63 =	vsub.f32 v43, v9  }
0x3d7: {  	v56 =	vsub.f32 v50, v9;
	v2 =	vsub.f32 v2, v9  }
0x3d8: {  	v1 =	vsub.f32 v1, v9;
	v9 =	vtrunc.f32 v23;
	v23 =	vtrunc.f32 v0;
	v0 =	vld [tilespmem:$0x1FA20];
	_ =	sdelay $0x3  }
0x3d9: {  	v25 =	vtrunc.f32 v25  }
0x3da: {  	v31 =	vcvt.f32.s32 v25;
	v25 =	vtrunc.f32 v0;
	v0 =	vld [tilespmem:$0x1FA30]  }
0x3db: {  	v14 =	vtrunc.f32 v14;
	v53 =	vmul.f32 v48, v11  }
0x3dc: {  	v52 =	vmul.f32 v49, v11;
	v57 =	vmul.f32 v57, v11  }
0x3dd: {  	v58 =	vmul.f32 v58, v11;
	v26 =	vmul.f32 v63, v11  }
0x3de: {  	v63 =	vmul.f32 v2, v11;
	v2 =	vtrunc.f32 v12  }
0x3df: {  	v12 =	vtrunc.f32 v30;
	v30 =	vtrunc.f32 v0;
	v0 =	vld [tilespmem:$0x1FA40]  }
0x3e0: {  	v59 =	vmul.f32 v59, v11;
	v60 =	vmul.f32 v60, v11  }
0x3e1: {  	v61 =	vmul.f32 v61, v11;
	v62 =	vmul.f32 v62, v11  }
0x3e2: {  	v50 =	vmul.f32 v47, v11;
	v56 =	vmul.f32 v56, v11  }
0x3e3: {  	v49 =	vmul.f32 v1, v11;
	v11 =	vcvt.f32.s32 v14  }
0x3e4: {  	v14 =	vtrunc.f32 v32;
	v32 =	vtrunc.f32 v0;
	v0 =	vld [tilespmem:$0x1FA50];
	_ =	sdelay $0x2  }
0x3e5: {  	v15 =	vtrunc.f32 v15  }
0x3e6: {  	v36 =	vcvt.f32.s32 v15  }
0x3e7: {  	v15 =	vtrunc.f32 v33;
	v33 =	vtrunc.f32 v0;
	v0 =	vld [tilespmem:$0x1FA60];
	_ =	sdelay $0x4  }
0x3e8: {  	v29 =	vtrunc.f32 v35;
	v35 =	vtrunc.f32 v0;
	v0 =	vld [tilespmem:$0x1FA70];
	_ =	sdelay $0x4  }
0x3e9: {  	v37 =	vtrunc.f32 v0;
	v0 =	vld [tilespmem:$0x1FA80];
	_ =	sdelay $0x4  }
0x3ea: {  	v38 =	vtrunc.f32 v0;
	v0 =	vld [tilespmem:$0x1FA90];
	_ =	sdelay $0x4  }
0x3eb: {  	v39 =	vtrunc.f32 v0;
	v0 =	vld [tilespmem:$0x1FAA0];
	_ =	sdelay $0x4  }
0x3ec: {  	v40 =	vtrunc.f32 v0;
	v0 =	vld [tilespmem:$0x1FAB0];
	_ =	sdelay $0x2  }
0x3ed: {  	v28 =	vtrunc.f32 v28  }
0x3ee: {  	v46 =	vcvt.f32.s32 v28  }
0x3ef: {  	v28 =	vtrunc.f32 v42;
	v42 =	vtrunc.f32 v0;
	v0 =	vld [tilespmem:$0x1FAC0];
	_ =	sdelay $0x4  }
0x3f0: {  	v43 =	vtrunc.f32 v0;
	v0 =	vld [tilespmem:$0x1FAD0];
	_ =	sdelay $0x3  }
0x3f1: {  	v7 =	vtrunc.f32 v19;
	v19 =	vtrunc.f32 v34  }
0x3f2: {  	v34 =	vtrunc.f32 v44;
	v44 =	vtrunc.f32 v0;
	v0 =	vld [tilespmem:$0x1FAE0];
	_ =	sdelay $0x4  }
0x3f3: {  	v45 =	vtrunc.f32 v0;
	v0 =	vld [tilespmem:$0x1FAF0];
	_ =	sdelay $0x3  }
0x3f4: {  	v21 =	vtrunc.f32 v21;
	v1 =	vld [tilespmem:$0x1F9A0]  }
0x3f5: {  	v24 =	vtrunc.f32 v24;
	v47 =	vtrunc.f32 v0;
	v0 =	vld [tilespmem:$0x1FB00]  }
0x3f6: {  	v21 =	vcvt.f32.s32 v21;
	v24 =	vcvt.f32.s32 v24;
	v4 =	vld [tilespmem:$0x1F9B0]  }
0x3f7: {  	v16 =	vtrunc.f32 v16;
	v17 =	vtrunc.f32 v17  }
0x3f8: {  	v16 =	vcvt.f32.s32 v16;
	v17 =	vcvt.f32.s32 v17  }
0x3f9: {  	v20 =	vtrunc.f32 v20;
	v6 =	vcvt.f32.s32 v2;
	[tilespmem:v11+s14+$0x0] =	vst.idx.add.s32.msk $0xffff, v3  }
0x3fa: {  	v1 =	vtrunc.f32 v1;
	v48 =	vtrunc.f32 v0;
	v0 =	vld [tilespmem:$0x1FB10]  }
0x3fb: {  	v4 =	vtrunc.f32 v4;
	v1 =	vcvt.f32.s32 v1  }
0x3fc: {  	v20 =	vcvt.f32.s32 v20;
	v4 =	vcvt.f32.s32 v4  }
0x3fd: {  	v27 =	vtrunc.f32 v27;
	v7 =	vcvt.f32.s32 v7  }
0x3fe: {  	v8 =	vcvt.f32.s32 v8;
	v53 =	vtrunc.f32 v53;
	[tilespmem:v5+s14+$0x0] =	vst.idx.add.s32.msk $0xffff, v3  }
0x3ff: {  	v52 =	vtrunc.f32 v52;
	v11 =	vtrunc.f32 v0;
	v0 =	vld [tilespmem:$0x1FB20]  }
0x400: {  	v55 =	vtrunc.f32 v55;
	v15 =	vcvt.f32.s32 v15;
	[tilespmem:v6+s14+$0x0] =	vst.idx.add.s32.msk $0xffff, v3  }
0x401: {  	v41 =	vcvt.f32.s32 v27;
	v9 =	vcvt.f32.s32 v9;
	[tilespmem:v1+s14+$0x0] =	vst.idx.add.s32.msk $0xffff, v3  }
0x402: {  	v50 =	vtrunc.f32 v50;
	v12 =	vcvt.f32.s32 v12;
	[tilespmem:v4+s14+$0x0] =	vst.idx.add.s32.msk $0xffff, v3  }
0x403: {  	v14 =	vcvt.f32.s32 v14;
	v27 =	vtrunc.f32 v51;
	[tilespmem:v16+s14+$0x0] =	vst.idx.add.s32.msk $0xffff, v3  }
0x404: {  	v10 =	vcvt.f32.s32 v10;
	v13 =	vcvt.f32.s32 v13;
	[tilespmem:v17+s14+$0x0] =	vst.idx.add.s32.msk $0xffff, v3  }
0x405: {  	v23 =	vcvt.f32.s32 v23;
	v6 =	vtrunc.f32 v54;
	[tilespmem:v20+s14+$0x0] =	vst.idx.add.s32.msk $0xffff, v3  }
0x406: {  	v1 =	vtrunc.f32 v57;
	v54 =	vtrunc.f32 v58;
	[tilespmem:v21+s14+$0x0] =	vst.idx.add.s32.msk $0xffff, v3  }
0x407: {  	v57 =	vtrunc.f32 v59;
	v58 =	vtrunc.f32 v60;
	[tilespmem:v24+s14+$0x0] =	vst.idx.add.s32.msk $0xffff, v3  }
0x408: {  	v59 =	vtrunc.f32 v61;
	v60 =	vtrunc.f32 v62;
	[tilespmem:v31+s14+$0x0] =	vst.idx.add.s32.msk $0xffff, v3  }
0x409: {  	v61 =	vtrunc.f32 v26;
	v4 =	vtrunc.f32 v56;
	[tilespmem:v36+s14+$0x0] =	vst.idx.add.s32.msk $0xffff, v3  }
0x40a: {  	v17 =	vtrunc.f32 v63;
	v26 =	vtrunc.f32 v49;
	[tilespmem:v41+s14+$0x0] =	vst.idx.add.s32.msk $0xffff, v3  }
0x40b: {  	v16 =	vcvt.f32.s32 v18;
	v18 =	vcvt.f32.s32 v29;
	[tilespmem:v46+s14+$0x0] =	vst.idx.add.s32.msk $0xffff, v3  }
0x40c: {  	v56 =	vcvt.f32.s32 v25;
	[tilespmem:v7+s14+$0x0] =	vst.idx.add.s32.msk $0xffff, v3;
	v7 =	vcvt.f32.s32 v28  }
0x40d: {  	v62 =	vcvt.f32.s32 v30;
	[tilespmem:v8+s14+$0x0] =	vst.idx.add.s32.msk $0xffff, v3;
	v63 =	vcvt.f32.s32 v32  }
0x40e: {  	v20 =	vcvt.f32.s32 v33;
	[tilespmem:v9+s14+$0x0] =	vst.idx.add.s32.msk $0xffff, v3;
	v36 =	vcvt.f32.s32 v34  }
0x40f: {  	v34 =	vcvt.f32.s32 v35;
	[tilespmem:v10+s14+$0x0] =	vst.idx.add.s32.msk $0xffff, v3;
	v35 =	vcvt.f32.s32 v37  }
0x410: {  	v33 =	vcvt.f32.s32 v38;
	[tilespmem:v12+s14+$0x0] =	vst.idx.add.s32.msk $0xffff, v3;
	v32 =	vcvt.f32.s32 v39  }
0x411: {  	v31 =	vcvt.f32.s32 v40;
	[tilespmem:v13+s14+$0x0] =	vst.idx.add.s32.msk $0xffff, v3;
	v30 =	vcvt.f32.s32 v42  }
0x412: {  	v29 =	vcvt.f32.s32 v43;
	[tilespmem:v14+s14+$0x0] =	vst.idx.add.s32.msk $0xffff, v3;
	v28 =	vcvt.f32.s32 v44  }
0x413: {  	v40 =	vcvt.f32.s32 v45;
	[tilespmem:v15+s14+$0x0] =	vst.idx.add.s32.msk $0xffff, v3;
	v39 =	vcvt.f32.s32 v47  }
0x414: {  	v38 =	vcvt.f32.s32 v48;
	v25 =	vcvt.f32.s32 v55;
	[tilespmem:v23+s14+$0x0] =	vst.idx.add.s32.msk $0xffff, v3  }
0x415: {  	v14 =	vcvt.f32.s32 v53;
	[tilespmem:v16+s14+$0x0] =	vst.idx.add.s32.msk $0xffff, v3;
	v16 =	vcvt.f32.s32 v19  }
0x416: {  	v12 =	vcvt.f32.s32 v52;
	v19 =	vcvt.f32.s32 v22;
	[tilespmem:v18+s14+$0x0] =	vst.idx.add.s32.msk $0xffff, v3  }
0x417: {  	v37 =	vcvt.f32.s32 v11;
	v13 =	vcvt.f32.s32 v1;
	[tilespmem:v56+s14+$0x0] =	vst.idx.add.s32.msk $0xffff, v3  }
0x418: {  	v9 =	vcvt.f32.s32 v54;
	v1 =	vcvt.f32.s32 v57;
	[tilespmem:v7+s14+$0x0] =	vst.idx.add.s32.msk $0xffff, v3  }
0x419: {  	v2 =	vcvt.f32.s32 v58;
	v5 =	vtrunc.f32 v0;
	[tilespmem:v62+s14+$0x0] =	vst.idx.add.s32.msk $0xffff, v3  }
0x41a: {  	v8 =	vcvt.f32.s32 v59;
	v24 =	vcvt.f32.s32 v5;
	[tilespmem:v63+s14+$0x0] =	vst.idx.add.s32.msk $0xffff, v3  }
0x41b: {  	v7 =	vcvt.f32.s32 v50;
	v5 =	vcvt.f32.s32 v61;
	[tilespmem:v16+s14+$0x0] =	vst.idx.add.s32.msk $0xffff, v3  }
0x41c: {  	s4 =	simm.s32 $0x0;
	s22 =	simm.s32 $0x0;
	[tilespmem:v19+s14+$0x0] =	vst.idx.add.s32.msk $0xffff, v3;
	v19 =	vcvt.f32.s32 v6;
	v6 =	vcvt.f32.s32 v60  }
.LBB2_7:
0x41d: {  	_ = 	snop  }
0x41e: {  	s30 =	sadd.s32 $0x4, s30  }
0x41f: {  	s25 =	sadd.s32 $0x4, s5;
	s24 =	sadd.s32 $0x200, s12;
	s4 =	sadd.s32 $0x800, s4  }
0x420: {  	s22 =	sadd.s32 $0x400, s22;
	s0 =	sor.u32 $0x20, s30;
	s13 =	sshrl.u32 s25, $0x5  }
0x421: {  	[tilespmem:v20+s14+$0x0] =	vst.idx.add.s32.msk $0xffff, v3;
	[dreg:$0x5] =	wrdreg s4;
	s2 =	sshra.s32 s4, $0x2;
	s15 =	sand.u32 $0x4000, s4  }
0x422: {  	[tilespmem:v36+s14+$0x0] =	vst.idx.add.s32.msk $0xffff, v3;
	[dreg:$0x7] =	wrdreg s0;
	s0 =	sshll.u32 s0, $0x8;
	s1 =	sshll.u32 s13, $0xD  }
0x423: {  	[tilespmem:v34+s14+$0x0] =	vst.idx.add.s32.msk $0xffff, v3;
	s17 =	sshll.u32 s13, $0xE;
	s26 =	sor.u32 $0x8000, s15;
	s4 =	ssub.s32 s22, s1  }
0x424: {  	[tilespmem:v35+s14+$0x0] =	vst.idx.add.s32.msk $0xffff, v3;
	s3 =	sand.u32 $0x3800, s0;
	s16 =	ssub.s32 $0x600, s17;
	s6 =	sadd.s32 $0x300, s4  }
0x425: {  	[tilespmem:v33+s14+$0x0] =	vst.idx.add.s32.msk $0xffff, v3;
	s0 =	sadd.s32 $0x11C00, s2;
	s1 =	sshra.s32 s16, $0x2;
	s18 =	sand.u32 $0xFFFFF800, s6  }
0x426: {  	v0 =	vcvt.f32.s32 v4;
	[tilespmem:v32+s14+$0x0] =	vst.idx.add.s32.msk $0xffff, v3;
	s31 =	sand.u32 $0x380, s24;
	s19 =	sadd.s32 s1, s0;
	s5 =	sadd.s32 s18, s26  }
0x427: {  	[tilespmem:$0x1F840] =	vst v1;
	v4 =	vld [tilespmem:s19+$0x0];
	s7 =	sor.u32 s31, s5  }
0x428: {  	[tilespmem:$0x1F8A0] =	vst v0;
	v0 =	vcvt.f32.s32 v17;
	s16 =	sadd.s32 $0x13C00, s2;
	v1 =	vld [tilespmem:s7+$0x470]  }
0x429: {  	[tilespmem:v31+s14+$0x0] =	vst.idx.add.s32.msk $0xffff, v3;
	s29 =	sadd.s32 $0xFFFFFE80, s24;
	s1 =	sadd.s32 s1, s16  }
0x42a: {  	s10 =	sand.u32 $0x1800, s22;
	s11 =	sadd.s32 $0xFFFFFF00, s24;
	s23 =	ssub.s32 $0x400, s17;
	[tilespmem:$0x1F8B0] =	vst v0;
	v0 =	vcvt.f32.s32 v26;
	v26 =	vld [tilespmem:s1+$0x0]  }
0x42b: {  	[tilespmem:v28+s14+$0x0] =	vst.idx.add.s32.msk $0xffff, v3;
	s28 =	ssub.s32 $0x200, s17;
	s10 =	sor.u32 s10, s26;
	s8 =	sadd.s32 $0x100, s4  }
0x42c: {  	s9 =	sadd.s32 $0x200, s4;
	s15 =	sshra.s32 s28, $0x2;
	s20 =	sand.u32 $0xFFFFF800, s8;
	v28 =	vld [tilespmem:s7+$0x10]  }
0x42d: {  	[tilespmem:v30+s14+$0x0] =	vst.idx.add.s32.msk $0xffff, v3;
	s21 =	sand.u32 $0xFFFFF800, s9;
	s6 =	sand.u32 $0x200, s29;
	s8 =	sadd.s32 s15, s0;
	v1 =	vsub.f32 v1, v4  }
0x42e: {  	s9 =	sadd.s32 s15, s16;
	s18 =	sadd.s32 s20, s26;
	s20 =	sadd.s32 $0xFFFFFF80, s24;
	v31 =	vld [tilespmem:s7+$0x30]  }
0x42f: {  	[tilespmem:v29+s14+$0x0] =	vst.idx.add.s32.msk $0xffff, v3;
	s21 =	sadd.s32 s21, s26;
	s19 =	sshra.s32 s23, $0x2;
	s1 =	sand.u32 $0xE00, s29;
	v1 =	vmul.f32 v1, v26  }
0x430: {  	[tilespmem:$0x1F810] =	vst v12;
	s23 =	sadd.s32 $0x2100, s4;
	s29 =	ssub.s32 $0x4400, s17;
	v12 =	vld [tilespmem:s8+$0x0];
	s5 =	sand.u32 $0x280, s11  }
0x431: {  	[tilespmem:$0x1F8C0] =	vst v0;
	v0 =	vcvt.f32.s32 v27;
	s28 =	sand.u32 $0x300, s20;
	s11 =	sor.u32 s6, s10;
	s10 =	sadd.s32 s19, s0;
	v27 =	vld [tilespmem:s7+$0x0];
	v28 =	vsub.f32 v28, v4;
	v1 =	vtrunc.f32 v1  }
0x432: {  	s2 =	sadd.s32 s19, s16;
	s20 =	sadd.s32 $0x2200, s4;
	v29 =	vld [tilespmem:s7+$0x20];
	s13 =	sor.u32 s5, s18;
	v1 =	vcvt.f32.s32 v1  }
0x433: {  	s18 =	sor.u32 s28, s21;
	v60 =	vld [tilespmem:s7+$0x40];
	s21 =	ssub.s32 $0x4200, s17;
	s17 =	ssub.s32 $0x4600, s17;
	v31 =	vsub.f32 v31, v4;
	v28 =	vmul.f32 v28, v26  }
0x434: {  	[tilespmem:$0x1F890] =	vst v5;
	s12 =	sand.u32 $0x7FFFF800, s23;
	s15 =	sshra.s32 s29, $0x2;
	v5 =	vld [tilespmem:s7+$0x60];
	s29 =	sshra.s32 s17, $0x2  }
0x435: {  	[tilespmem:$0x1F7F0] =	vst v19;
	s4 =	sadd.s32 $0x2300, s4;
	v19 =	vld [tilespmem:s7+$0x70];
	s19 =	sshra.s32 s21, $0x2;
	s23 =	sadd.s32 s29, s0;
	v61 =	vtrunc.f32 v28;
	v28 =	vmul.f32 v31, v26  }
0x436: {  	s21 =	sor.u32 s3, s26;
	v31 =	vld [tilespmem:s23+$0x0];
	s23 =	sadd.s32 s29, s16;
	s29 =	sand.u32 $0x7FFFF800, s4  }
0x437: {  	s17 =	sadd.s32 s19, s0;
	s3 =	sadd.s32 s19, s16;
	s19 =	sadd.s32 s29, s26;
	v41 =	vtrunc.f32 v28;
	v28 =	vld [tilespmem:s23+$0x0]  }
0x438: {  	s4 =	sadd.s32 s15, s0;
	s0 =	sor.u32 s31, s19;
	[tilespmem:v1+s14+$0x0] =	vst.idx.add.s32.msk $0xffff, v3  }
0x439: {  	v1 =	vld [tilespmem:s0+$0x470]  }
0x43a: {  	v23 =	vld [tilespmem:s7+$0x400]  }
0x43b: {  	[tilespmem:$0x1F870] =	vst v6;
	v6 =	vld [tilespmem:s7+$0x410]  }
0x43c: {  	[tilespmem:$0x1F880] =	vst v7;
	v7 =	vld [tilespmem:s7+$0x420]  }
0x43d: {  	[tilespmem:$0x1F860] =	vst v8;
	v8 =	vld [tilespmem:s7+$0x430]  }
0x43e: {  	[tilespmem:$0x1F830] =	vst v9;
	v9 =	vld [tilespmem:s7+$0x440];
	v1 =	vsub.f32 v1, v31  }
0x43f: {  	v10 =	vld [tilespmem:s7+$0x450]  }
0x440: {  	v11 =	vld [tilespmem:s7+$0x460];
	v1 =	vmul.f32 v1, v28  }
0x441: {  	[tilespmem:$0x1F820] =	vst v13;
	v13 =	vld [tilespmem:s10+$0x0];
	v27 =	vsub.f32 v27, v4  }
0x442: {  	v20 =	vld [tilespmem:s11+$0x0];
	v1 =	vtrunc.f32 v1  }
0x443: {  	v17 =	vld [tilespmem:s11+$0x10];
	v27 =	vmul.f32 v27, v26;
	v1 =	vcvt.f32.s32 v1  }
0x444: {  	v16 =	vld [tilespmem:s11+$0x20]  }
0x445: {  	v30 =	vld [tilespmem:s11+$0x30];
	v29 =	vsub.f32 v29, v4;
	v27 =	vtrunc.f32 v27  }
0x446: {  	[tilespmem:$0x1F8D0] =	vst v0;
	v21 =	vld [tilespmem:s11+$0x40];
	v0 =	vcvt.f32.s32 v27  }
0x447: {  	[tilespmem:$0x1F7B0] =	vst v25;
	v22 =	vld [tilespmem:s11+$0x60];
	v7 =	vsub.f32 v7, v4;
	v29 =	vmul.f32 v29, v26  }
0x448: {  	v25 =	vld [tilespmem:s11+$0x400];
	[tilespmem:$0x1F640] =	vst v0;
	v0 =	vcvt.f32.s32 v61  }
0x449: {  	v7 =	vmul.f32 v7, v26;
	v62 =	vtrunc.f32 v29;
	[tilespmem:v1+s14+$0x0] =	vst.idx.add.s32.msk $0xffff, v3  }
0x44a: {  	[tilespmem:$0x1F650] =	vst v0;
	v0 =	vcvt.f32.s32 v62;
	v1 =	vld [tilespmem:s7+$0x50]  }
0x44b: {  	[tilespmem:$0x1F7D0] =	vst v14;
	v14 =	vld [tilespmem:s13+$0x0];
	v7 =	vtrunc.f32 v7  }
0x44c: {  	[tilespmem:$0x1F690] =	vst v0;
	v0 =	vcvt.f32.s32 v41;
	v41 =	vcvt.f32.s32 v7;
	v7 =	vld [tilespmem:$0x1F640]  }
0x44d: {  	v35 =	vld [tilespmem:s13+$0x10]  }
0x44e: {  	v36 =	vld [tilespmem:s13+$0x20]  }
0x44f: {  	[tilespmem:$0x1F7A0] =	vst v37;
	v37 =	vld [tilespmem:s13+$0x30];
	v1 =	vsub.f32 v1, v4  }
0x450: {  	[tilespmem:$0x1F790] =	vst v38;
	v38 =	vld [tilespmem:s13+$0x40]  }
0x451: {  	[tilespmem:$0x1F780] =	vst v39;
	v39 =	vld [tilespmem:s13+$0x50];
	v5 =	vsub.f32 v5, v4;
	v1 =	vmul.f32 v1, v26  }
0x452: {  	[tilespmem:$0x1F7C0] =	vst v24;
	v24 =	vld [tilespmem:s13+$0x60]  }
0x453: {  	v15 =	vld [tilespmem:s13+$0x70];
	v5 =	vmul.f32 v5, v26;
	v1 =	vtrunc.f32 v1  }
0x454: {  	[tilespmem:v7+s14+$0x0] =	vst.idx.add.s32.msk $0xffff, v3;
	v1 =	vcvt.f32.s32 v1  }
0x455: {  	v5 =	vtrunc.f32 v5;
	v7 =	vld [tilespmem:$0x1F650]  }
0x456: {  	v57 =	vld [tilespmem:s13+$0x400];
	[tilespmem:$0x1F6F0] =	vst v1;
	v1 =	vcvt.f32.s32 v5  }
0x457: {  	[tilespmem:$0x1F850] =	vst v2;
	v2 =	vld [tilespmem:s13+$0x410]  }
0x458: {  	[tilespmem:$0x1F700] =	vst v1;
	v1 =	vld [tilespmem:s9+$0x0]  }
0x459: {  	v49 =	vld [tilespmem:s13+$0x420]  }
0x45a: {  	v58 =	vld [tilespmem:s13+$0x430]  }
0x45b: {  	v50 =	vld [tilespmem:s13+$0x440];
	v18 =	vsub.f32 v14, v12  }
0x45c: {  	v51 =	vld [tilespmem:s13+$0x460]  }
0x45d: {  	v35 =	vsub.f32 v35, v12;
	[tilespmem:v7+s14+$0x0] =	vst.idx.add.s32.msk $0xffff, v3;
	v7 =	vmul.f32 v18, v1  }
0x45e: {  	v52 =	vld [tilespmem:s18+$0x0]  }
0x45f: {  	v53 =	vld [tilespmem:s18+$0x20];
	v36 =	vsub.f32 v36, v12;
	[tilespmem:$0x1F710] =	vst v7;
	v7 =	vmul.f32 v35, v1  }
0x460: {  	v46 =	vld [tilespmem:s18+$0x40]  }
0x461: {  	v54 =	vld [tilespmem:s18+$0x50];
	v37 =	vsub.f32 v37, v12;
	[tilespmem:$0x1F720] =	vst v7;
	v7 =	vmul.f32 v36, v1  }
0x462: {  	[tilespmem:$0x1F760] =	vst v40;
	v55 =	vld [tilespmem:s18+$0x60]  }
0x463: {  	v47 =	vld [tilespmem:s18+$0x400];
	v40 =	vsub.f32 v38, v12;
	[tilespmem:$0x1F730] =	vst v7;
	v7 =	vmul.f32 v37, v1  }
0x464: {  	v56 =	vld [tilespmem:s18+$0x410]  }
0x465: {  	[tilespmem:$0x1F740] =	vst v7;
	v7 =	vmul.f32 v40, v1;
	v40 =	vld [tilespmem:$0x1F690]  }
0x466: {  	v44 =	vld [tilespmem:s18+$0x420]  }
0x467: {  	v48 =	vld [tilespmem:s18+$0x430]  }
0x468: {  	v45 =	vld [tilespmem:s18+$0x450];
	v32 =	vsub.f32 v60, v4  }
0x469: {  	v33 =	vld [tilespmem:s18+$0x460]  }
0x46a: {  	v60 =	vld [tilespmem:s13+$0x470];
	v2 =	vsub.f32 v2, v12;
	v32 =	vmul.f32 v32, v26  }
0x46b: {  	v19 =	vsub.f32 v19, v4;
	v23 =	vsub.f32 v23, v4;
	v14 =	vld [tilespmem:s11+$0x420]  }
0x46c: {  	v6 =	vsub.f32 v6, v4;
	v8 =	vsub.f32 v8, v4;
	[tilespmem:$0x1F6A0] =	vst v2;
	v63 =	vtrunc.f32 v32;
	v32 =	vld [tilespmem:s13+$0x450]  }
0x46d: {  	v9 =	vsub.f32 v9, v4;
	v10 =	vsub.f32 v10, v4;
	[tilespmem:v40+s14+$0x0] =	vst.idx.add.s32.msk $0xffff, v3  }
0x46e: {  	v59 =	vsub.f32 v49, v12;
	v50 =	vsub.f32 v50, v12;
	v40 =	vld [tilespmem:$0x1F6A0]  }
0x46f: {  	v51 =	vsub.f32 v51, v12;
	v52 =	vsub.f32 v52, v13;
	v29 =	vld [tilespmem:s18+$0x470]  }
0x470: {  	v53 =	vsub.f32 v53, v13;
	v6 =	vmul.f32 v6, v26;
	v27 =	vld [tilespmem:s18+$0x440];
	[tilespmem:$0x1F6B0] =	vst v0;
	v0 =	vcvt.f32.s32 v63  }
0x471: {  	v2 =	vsub.f32 v58, v12;
	v58 =	vsub.f32 v60, v12;
	v60 =	vld [tilespmem:s11+$0x430]  }
0x472: {  	v46 =	vsub.f32 v46, v13;
	v54 =	vsub.f32 v54, v13;
	v6 =	vtrunc.f32 v6;
	[tilespmem:$0x1F6D0] =	vst v0;
	v0 =	vld [tilespmem:s18+$0x10]  }
0x473: {  	v4 =	vsub.f32 v11, v4;
	v11 =	vsub.f32 v24, v12;
	v36 =	vmul.f32 v40, v1;
	v40 =	vld [tilespmem:$0x1F6B0]  }
0x474: {  	v55 =	vsub.f32 v55, v13;
	v47 =	vsub.f32 v47, v13;
	v42 =	vcvt.f32.s32 v6;
	v6 =	vld [tilespmem:s11+$0x460]  }
0x475: {  	v56 =	vsub.f32 v56, v13;
	v61 =	vld [tilespmem:s18+$0x30];
	[tilespmem:$0x1F660] =	vst v11;
	v11 =	vsub.f32 v15, v12  }
0x476: {  	v44 =	vsub.f32 v44, v13;
	v19 =	vmul.f32 v19, v26;
	v23 =	vmul.f32 v23, v26;
	v62 =	vld [tilespmem:s18+$0x70]  }
0x477: {  	v8 =	vmul.f32 v8, v26;
	v49 =	vsub.f32 v0, v13;
	v0 =	vld [tilespmem:s1+$0x11C00];
	[tilespmem:$0x1F670] =	vst v11;
	v11 =	vsub.f32 v57, v12  }
0x478: {  	v48 =	vsub.f32 v48, v13;
	v9 =	vmul.f32 v9, v26;
	v10 =	vmul.f32 v10, v26;
	v24 =	vld [tilespmem:s11+$0x70]  }
0x479: {  	v45 =	vsub.f32 v45, v13;
	v23 =	vtrunc.f32 v23;
	v4 =	vmul.f32 v4, v26;
	v26 =	vld [tilespmem:s11+$0x50];
	[tilespmem:$0x1F680] =	vst v11  }
0x47a: {  	[tilespmem:$0x1F6C0] =	vst v2;
	v43 =	vcvt.f32.s32 v23;
	v2 =	vsub.f32 v32, v12;
	v23 =	vsub.f32 v27, v13;
	v37 =	vld [tilespmem:$0x1F680]  }
0x47b: {  	v61 =	vsub.f32 v61, v13;
	v63 =	vsub.f32 v39, v12;
	[tilespmem:v40+s14+$0x0] =	vst.idx.add.s32.msk $0xffff, v3  }
0x47c: {  	v62 =	vsub.f32 v62, v13;
	v20 =	vsub.f32 v20, v0;
	v40 =	vld [tilespmem:$0x1F6C0]  }
0x47d: {  	v19 =	vtrunc.f32 v19;
	v17 =	vsub.f32 v17, v0;
	v16 =	vsub.f32 v16, v0;
	v15 =	vld [tilespmem:s11+$0x410]  }
0x47e: {  	v9 =	vtrunc.f32 v9;
	v21 =	vsub.f32 v21, v0;
	v22 =	vsub.f32 v22, v0;
	v12 =	vld [tilespmem:s11+$0x440]  }
0x47f: {  	v38 =	vcvt.f32.s32 v9;
	v25 =	vsub.f32 v25, v0;
	v14 =	vsub.f32 v14, v0;
	v11 =	vld [tilespmem:s11+$0x450]  }
0x480: {  	v9 =	vsub.f32 v60, v0;
	v6 =	vsub.f32 v6, v0;
	v57 =	vcvt.f32.s32 v19;
	v5 =	vld [tilespmem:s11+$0x470]  }
0x481: {  	v19 =	vsub.f32 v33, v13;
	v35 =	vmul.f32 v37, v1;
	v37 =	vmul.f32 v40, v1;
	v40 =	vld [tilespmem:$0x1F6D0]  }
0x482: {  	v10 =	vtrunc.f32 v10;
	v33 =	vsub.f32 v29, v13;
	v13 =	vsub.f32 v30, v0  }
0x483: {  	v34 =	vcvt.f32.s32 v10;
	v24 =	vsub.f32 v24, v0;
	v10 =	vsub.f32 v26, v0  }
0x484: {  	v4 =	vtrunc.f32 v4;
	v15 =	vsub.f32 v15, v0;
	v12 =	vsub.f32 v12, v0  }
0x485: {  	v32 =	vcvt.f32.s32 v4;
	v11 =	vsub.f32 v11, v0;
	v5 =	vsub.f32 v5, v0;
	v0 =	vld [tilespmem:$0x1F660]  }
0x486: {  	v4 =	vld [tilespmem:s1+$0x13C00];
	_ =	sdelay $0x1  }
0x487: {  	[tilespmem:$0x1F6E0] =	vst v2  }
0x488: {  	[tilespmem:v40+s14+$0x0] =	vst.idx.add.s32.msk $0xffff, v3  }
0x489: {  	v0 =	vmul.f32 v0, v1;
	v40 =	vld [tilespmem:$0x1F6E0]  }
0x48a: {  	[tilespmem:v32+s14+$0x0] =	vst.idx.add.s32.msk $0xffff, v3;
	v32 =	vmul.f32 v16, v4;
	v16 =	vmul.f32 v9, v4  }
0x48b: {  	v9 =	vmul.f32 v5, v4;
	v5 =	vtrunc.f32 v0;
	v0 =	vld [tilespmem:$0x1F760];
	_ =	sdelay $0x2  }
0x48c: {  	v40 =	vmul.f32 v40, v1  }
0x48d: {  	v27 =	vld [tilespmem:s4+$0x0]  }
0x48e: {  	[tilespmem:$0x1F770] =	vst v40;
	v40 =	vld [tilespmem:$0x1F6F0]  }
0x48f: {  	s16 =	sadd.s32 s15, s16;
	v2 =	vld [tilespmem:s2+$0x0]  }
0x490: {  	v26 =	vld [tilespmem:s16+$0x0]  }
0x491: {  	[tilespmem:v0+s14+$0x0] =	vst.idx.add.s32.msk $0xffff, v3  }
0x492: {  	v0 =	vld [tilespmem:$0x1F770];
	_ =	sdelay $0x3  }
0x493: {  	[tilespmem:v40+s14+$0x0] =	vst.idx.add.s32.msk $0xffff, v3  }
0x494: {  	v40 =	vtrunc.f32 v0;
	v0 =	vld [tilespmem:$0x1F780];
	_ =	sdelay $0x7  }
0x495: {  	[tilespmem:v0+s14+$0x0] =	vst.idx.add.s32.msk $0xffff, v3  }
0x496: {  	v0 =	vld [tilespmem:$0x1F790];
	_ =	sdelay $0x1  }
0x497: {  	v18 =	vld [tilespmem:$0x1F670];
	_ =	sdelay $0x2  }
0x498: {  	v63 =	vmul.f32 v63, v1;
	v59 =	vmul.f32 v59, v1  }
0x499: {  	v50 =	vmul.f32 v50, v1;
	v51 =	vmul.f32 v51, v1  }
0x49a: {  	v58 =	vmul.f32 v58, v1;
	v18 =	vmul.f32 v18, v1;
	v1 =	vld [tilespmem:$0x1F700]  }
0x49b: {  	[tilespmem:v0+s14+$0x0] =	vst.idx.add.s32.msk $0xffff, v3  }
0x49c: {  	v0 =	vld [tilespmem:$0x1F7A0];
	_ =	sdelay $0x3  }
0x49d: {  	v8 =	vtrunc.f32 v8;
	[tilespmem:v43+s14+$0x0] =	vst.idx.add.s32.msk $0xffff, v3  }
0x49e: {  	v39 =	vcvt.f32.s32 v8;
	v52 =	vmul.f32 v52, v2;
	v8 =	vld [tilespmem:s0+$0x0]  }
0x49f: {  	v53 =	vmul.f32 v53, v2;
	v46 =	vmul.f32 v46, v2;
	[tilespmem:$0x1F750] =	vst v7;
	v7 =	vld [tilespmem:s0+$0x10]  }
0x4a0: {  	v43 =	vmul.f32 v54, v2;
	[tilespmem:v1+s14+$0x0] =	vst.idx.add.s32.msk $0xffff, v3;
	v1 =	vmul.f32 v19, v2  }
0x4a1: {  	v54 =	vmul.f32 v55, v2;
	v55 =	vmul.f32 v62, v2;
	[tilespmem:v0+s14+$0x0] =	vst.idx.add.s32.msk $0xffff, v3  }
0x4a2: {  	v47 =	vmul.f32 v47, v2;
	[tilespmem:$0x1F7E0] =	vst v1;
	v1 =	vmul.f32 v20, v4;
	v0 =	vld [tilespmem:$0x1F7B0]  }
0x4a3: {  	v56 =	vmul.f32 v56, v2;
	v44 =	vmul.f32 v44, v2  }
0x4a4: {  	v48 =	vmul.f32 v48, v2;
	v23 =	vmul.f32 v23, v2;
	[tilespmem:$0x1F800] =	vst v1;
	v1 =	vsub.f32 v8, v31  }
0x4a5: {  	v45 =	vmul.f32 v45, v2;
	v49 =	vmul.f32 v49, v2;
	[tilespmem:v57+s14+$0x0] =	vst.idx.add.s32.msk $0xffff, v3  }
0x4a6: {  	v57 =	vmul.f32 v61, v2;
	v61 =	vmul.f32 v33, v2;
	v2 =	vsub.f32 v7, v31;
	[tilespmem:$0x1F8E0] =	vst v1;
	v1 =	vld [tilespmem:s0+$0x20];
	_ =	sdelay $0x1  }
0x4a7: {  	[tilespmem:$0x1F8F0] =	vst v2;
	v2 =	vld [tilespmem:s0+$0x30]  }
0x4a8: {  	[tilespmem:v42+s14+$0x0] =	vst.idx.add.s32.msk $0xffff, v3  }
0x4a9: {  	[tilespmem:v0+s14+$0x0] =	vst.idx.add.s32.msk $0xffff, v3  }
0x4aa: {  	v1 =	vsub.f32 v1, v31;
	v0 =	vld [tilespmem:$0x1F9C0]  }
0x4ab: {  	[tilespmem:v41+s14+$0x0] =	vst.idx.add.s32.msk $0xffff, v3  }
0x4ac: {  	v41 =	vld [tilespmem:s0+$0x400];
	[tilespmem:$0x1F900] =	vst v1;
	v1 =	vsub.f32 v2, v31  }
0x4ad: {  	v20 =	vmul.f32 v21, v4;
	v21 =	vld [tilespmem:s0+$0x40]  }
0x4ae: {  	[tilespmem:$0x1F910] =	vst v1;
	v1 =	vld [tilespmem:$0x1F710]  }
0x4af: {  	[tilespmem:v34+s14+$0x0] =	vst.idx.add.s32.msk $0xffff, v3  }
0x4b0: {  	[tilespmem:v39+s14+$0x0] =	vst.idx.add.s32.msk $0xffff, v3  }
0x4b1: {  	v2 =	vtrunc.f32 v35;
	v35 =	vsub.f32 v41, v31;
	v41 =	vld [tilespmem:s0+$0x450]  }
0x4b2: {  	[tilespmem:v0+s14+$0x0] =	vst.idx.add.s32.msk $0xffff, v3  }
0x4b3: {  	v39 =	vtrunc.f32 v1;
	v1 =	vsub.f32 v21, v31;
	v0 =	vld [tilespmem:$0x1F9D0]  }
0x4b4: {  	v21 =	vld [tilespmem:s0+$0x410]  }
0x4b5: {  	[tilespmem:$0x1F920] =	vst v1;
	v1 =	vld [tilespmem:$0x1F720];
	_ =	sdelay $0x1  }
0x4b6: {  	[tilespmem:v38+s14+$0x0] =	vst.idx.add.s32.msk $0xffff, v3  }
0x4b7: {  	v33 =	vmul.f32 v17, v4;
	v17 =	vmul.f32 v22, v4;
	v22 =	vld [tilespmem:s0+$0x50]  }
0x4b8: {  	v38 =	vmul.f32 v12, v4;
	v12 =	vtrunc.f32 v59;
	v59 =	vsub.f32 v21, v31;
	v21 =	vld [tilespmem:s0+$0x460]  }
0x4b9: {  	v42 =	vtrunc.f32 v1;
	v1 =	vld [tilespmem:$0x1F730]  }
0x4ba: {  	[tilespmem:v0+s14+$0x0] =	vst.idx.add.s32.msk $0xffff, v3  }
0x4bb: {  	v0 =	vld [tilespmem:$0x1F7C0];
	_ =	sdelay $0x2  }
0x4bc: {  	v8 =	vtrunc.f32 v1;
	v1 =	vsub.f32 v22, v31  }
0x4bd: {  	s31 =	rddreg [dreg:$0x7]  }
0x4be: {  	s1 =	sshll.u32 s31, $0x7;
	[tilespmem:$0x1F930] =	vst v1;
	v1 =	vld [tilespmem:$0x1F740]  }
0x4bf: {  	v60 =	vld [tilespmem:s1+$0x11C00]  }
0x4c0: {  	v62 =	vmul.f32 v24, v4;
	v24 =	vld [tilespmem:s0+$0x60]  }
0x4c1: {  	[tilespmem:v0+s14+$0x0] =	vst.idx.add.s32.msk $0xffff, v3  }
0x4c2: {  	v19 =	vmul.f32 v13, v4;
	v13 =	vmul.f32 v10, v4;
	v0 =	vld [tilespmem:$0x1F7D0]  }
0x4c3: {  	v10 =	vmul.f32 v6, v4;
	v6 =	vtrunc.f32 v1;
	v1 =	vld [tilespmem:$0x1F750]  }
0x4c4: {  	v34 =	vmul.f32 v25, v4;
	v25 =	vld [tilespmem:s0+$0x70];
	_ =	sdelay $0x2  }
0x4c5: {  	v15 =	vmul.f32 v15, v4;
	v22 =	vld [tilespmem:s0+$0x420]  }
0x4c6: {  	v14 =	vmul.f32 v14, v4;
	v7 =	vtrunc.f32 v1;
	v1 =	vsub.f32 v24, v31;
	v24 =	vld [tilespmem:s0+$0x430]  }
0x4c7: {  	v11 =	vmul.f32 v11, v4;
	v4 =	vtrunc.f32 v63;
	v63 =	vsub.f32 v25, v31;
	v25 =	vld [tilespmem:s0+$0x440]  }
0x4c8: {  	[tilespmem:v0+s14+$0x0] =	vst.idx.add.s32.msk $0xffff, v3  }
0x4c9: {  	v0 =	vld [tilespmem:$0x1F7E0]  }
0x4ca: {  	v21 =	vsub.f32 v21, v31;
	[tilespmem:$0x1F940] =	vst v1;
	v1 =	vtrunc.f32 v50  }
0x4cb: {  	v50 =	vsub.f32 v22, v31;
	v22 =	vtrunc.f32 v51;
	v51 =	vsub.f32 v24, v31  }
0x4cc: {  	v24 =	vsub.f32 v25, v31;
	v25 =	vsub.f32 v41, v31;
	v31 =	vtrunc.f32 v43  }
0x4cd: {  	v43 =	vtrunc.f32 v54;
	v54 =	vtrunc.f32 v55  }
0x4ce: {  	v55 =	vtrunc.f32 v56;
	v56 =	vtrunc.f32 v0;
	v0 =	vld [tilespmem:$0x1F7F0];
	_ =	sdelay $0x7  }
0x4cf: {  	[tilespmem:v0+s14+$0x0] =	vst.idx.add.s32.msk $0xffff, v3  }
0x4d0: {  	v0 =	vld [tilespmem:$0x1F800];
	_ =	sdelay $0x4  }
0x4d1: {  	v41 =	vtrunc.f32 v57;
	v57 =	vtrunc.f32 v0;
	v0 =	vld [tilespmem:$0x1F810];
	_ =	sdelay $0x7  }
0x4d2: {  	[tilespmem:v0+s14+$0x0] =	vst.idx.add.s32.msk $0xffff, v3  }
0x4d3: {  	v0 =	vld [tilespmem:$0x1F820];
	_ =	sdelay $0x7  }
0x4d4: {  	[tilespmem:v0+s14+$0x0] =	vst.idx.add.s32.msk $0xffff, v3  }
0x4d5: {  	v0 =	vld [tilespmem:$0x1F830];
	_ =	sdelay $0x7  }
0x4d6: {  	[tilespmem:v0+s14+$0x0] =	vst.idx.add.s32.msk $0xffff, v3  }
0x4d7: {  	v0 =	vld [tilespmem:$0x1F840];
	_ =	sdelay $0x7  }
0x4d8: {  	[tilespmem:v0+s14+$0x0] =	vst.idx.add.s32.msk $0xffff, v3  }
0x4d9: {  	v0 =	vld [tilespmem:$0x1F850];
	_ =	sdelay $0x3  }
0x4da: {  	v52 =	vtrunc.f32 v52  }
0x4db: {  	v44 =	vtrunc.f32 v44;
	v52 =	vcvt.f32.s32 v52  }
0x4dc: {  	v44 =	vcvt.f32.s32 v44  }
0x4dd: {  	v30 =	vld [tilespmem:s17+$0x0];
	v12 =	vcvt.f32.s32 v12;
	v18 =	vtrunc.f32 v18  }
0x4de: {  	v18 =	vcvt.f32.s32 v18;
	v36 =	vtrunc.f32 v36;
	[tilespmem:v0+s14+$0x0] =	vst.idx.add.s32.msk $0xffff, v3  }
0x4df: {  	v36 =	vcvt.f32.s32 v36;
	v37 =	vtrunc.f32 v37;
	v0 =	vld [tilespmem:$0x1F860]  }
0x4e0: {  	v29 =	vld [tilespmem:s3+$0x0];
	v37 =	vcvt.f32.s32 v37  }
0x4e1: {  	[tilespmem:v52+s14+$0x0] =	vst.idx.add.s32.msk $0xffff, v3  }
0x4e2: {  	[tilespmem:v44+s14+$0x0] =	vst.idx.add.s32.msk $0xffff, v3  }
0x4e3: {  	v23 =	vtrunc.f32 v23;
	[tilespmem:v12+s14+$0x0] =	vst.idx.add.s32.msk $0xffff, v3;
	v4 =	vcvt.f32.s32 v4  }
0x4e4: {  	v45 =	vtrunc.f32 v45;
	v23 =	vcvt.f32.s32 v23;
	[tilespmem:v18+s14+$0x0] =	vst.idx.add.s32.msk $0xffff, v3  }
0x4e5: {  	[tilespmem:v36+s14+$0x0] =	vst.idx.add.s32.msk $0xffff, v3;
	v36 =	vcvt.f32.s32 v45  }
0x4e6: {  	[tilespmem:v37+s14+$0x0] =	vst.idx.add.s32.msk $0xffff, v3;
	v2 =	vcvt.f32.s32 v2  }
0x4e7: {  	v39 =	vcvt.f32.s32 v39;
	[tilespmem:v0+s14+$0x0] =	vst.idx.add.s32.msk $0xffff, v3  }
0x4e8: {  	v0 =	vld [tilespmem:$0x1F870]  }
0x4e9: {  	[tilespmem:v4+s14+$0x0] =	vst.idx.add.s32.msk $0xffff, v3;
	v42 =	vcvt.f32.s32 v42  }
0x4ea: {  	[tilespmem:v23+s14+$0x0] =	vst.idx.add.s32.msk $0xffff, v3  }
0x4eb: {  	v48 =	vtrunc.f32 v48;
	[tilespmem:v36+s14+$0x0] =	vst.idx.add.s32.msk $0xffff, v3  }
0x4ec: {  	v61 =	vtrunc.f32 v61;
	[tilespmem:v2+s14+$0x0] =	vst.idx.add.s32.msk $0xffff, v3;
	v2 =	vcvt.f32.s32 v48  }
0x4ed: {  	v10 =	vtrunc.f32 v10;
	[tilespmem:v39+s14+$0x0] =	vst.idx.add.s32.msk $0xffff, v3;
	v39 =	vcvt.f32.s32 v40  }
0x4ee: {  	v12 =	vcvt.f32.s32 v61;
	v61 =	vcvt.f32.s32 v10;
	v10 =	vld [tilespmem:$0x1F920]  }
0x4ef: {  	v8 =	vcvt.f32.s32 v8;
	[tilespmem:v42+s14+$0x0] =	vst.idx.add.s32.msk $0xffff, v3  }
0x4f0: {  	v53 =	vtrunc.f32 v53;
	[tilespmem:v0+s14+$0x0] =	vst.idx.add.s32.msk $0xffff, v3  }
0x4f1: {  	v42 =	vcvt.f32.s32 v53;
	v0 =	vld [tilespmem:$0x1F880]  }
0x4f2: {  	v62 =	vtrunc.f32 v62;
	[tilespmem:v2+s14+$0x0] =	vst.idx.add.s32.msk $0xffff, v3  }
0x4f3: {  	v58 =	vtrunc.f32 v58;
	v9 =	vtrunc.f32 v9;
	[tilespmem:v39+s14+$0x0] =	vst.idx.add.s32.msk $0xffff, v3  }
0x4f4: {  	v39 =	vcvt.f32.s32 v62;
	v62 =	vcvt.f32.s32 v9;
	v9 =	vld [tilespmem:$0x1F910]  }
0x4f5: {  	[tilespmem:v8+s14+$0x0] =	vst.idx.add.s32.msk $0xffff, v3;
	v8 =	vcvt.f32.s32 v58  }
0x4f6: {  	s12 =	sadd.s32 s12, s26;
	[tilespmem:v12+s14+$0x0] =	vst.idx.add.s32.msk $0xffff, v3  }
0x4f7: {  	s23 =	sor.u32 s5, s12;
	v6 =	vcvt.f32.s32 v6;
	[tilespmem:v42+s14+$0x0] =	vst.idx.add.s32.msk $0xffff, v3  }
0x4f8: {  	v42 =	vld [tilespmem:s23+$0x450]  }
0x4f9: {  	[tilespmem:v0+s14+$0x0] =	vst.idx.add.s32.msk $0xffff, v3  }
0x4fa: {  	v0 =	vld [tilespmem:$0x1F890]  }
0x4fb: {  	[tilespmem:v8+s14+$0x0] =	vst.idx.add.s32.msk $0xffff, v3  }
0x4fc: {  	v47 =	vtrunc.f32 v47;
	v8 =	vld [tilespmem:$0x1F900]  }
0x4fd: {  	s20 =	sand.u32 $0x7FFFF800, s20;
	v49 =	vtrunc.f32 v49;
	v11 =	vtrunc.f32 v11;
	[tilespmem:v6+s14+$0x0] =	vst.idx.add.s32.msk $0xffff, v3  }
0x4fe: {  	s20 =	sadd.s32 s20, s26;
	v58 =	vcvt.f32.s32 v11;
	v7 =	vcvt.f32.s32 v7;
	v44 =	vld [tilespmem:s23+$0x470]  }
0x4ff: {  	s28 =	sor.u32 s28, s20;
	v6 =	vcvt.f32.s32 v49;
	v11 =	vld [tilespmem:$0x1F940];
	v4 =	vcvt.f32.s32 v31  }
0x500: {  	v31 =	vcvt.f32.s32 v43;
	v43 =	vcvt.f32.s32 v47;
	v47 =	vld [tilespmem:s28+$0x20]  }
0x501: {  	v1 =	vcvt.f32.s32 v1;
	v18 =	vcvt.f32.s32 v55;
	v55 =	vld [tilespmem:s28+$0x420]  }
0x502: {  	v22 =	vcvt.f32.s32 v22;
	[tilespmem:v0+s14+$0x0] =	vst.idx.add.s32.msk $0xffff, v3  }
0x503: {  	v0 =	vld [tilespmem:$0x1F8A0]  }
0x504: {  	[tilespmem:v7+s14+$0x0] =	vst.idx.add.s32.msk $0xffff, v3  }
0x505: {  	[tilespmem:v6+s14+$0x0] =	vst.idx.add.s32.msk $0xffff, v3  }
0x506: {  	v6 =	vld [tilespmem:$0x1F8E0]  }
0x507: {  	[tilespmem:v1+s14+$0x0] =	vst.idx.add.s32.msk $0xffff, v3  }
0x508: {  	[tilespmem:v22+s14+$0x0] =	vst.idx.add.s32.msk $0xffff, v3  }
0x509: {  	v46 =	vtrunc.f32 v46;
	v17 =	vtrunc.f32 v17;
	[tilespmem:v4+s14+$0x0] =	vst.idx.add.s32.msk $0xffff, v3  }
0x50a: {  	v15 =	vtrunc.f32 v15;
	v37 =	vcvt.f32.s32 v17;
	v4 =	vld [tilespmem:$0x1F930]  }
0x50b: {  	v9 =	vmul.f32 v9, v28;
	v8 =	vmul.f32 v8, v28;
	[tilespmem:v0+s14+$0x0] =	vst.idx.add.s32.msk $0xffff, v3  }
0x50c: {  	v7 =	vcvt.f32.s32 v41;
	v41 =	vcvt.f32.s32 v46;
	v0 =	vld [tilespmem:$0x1F8B0]  }
0x50d: {  	v22 =	vcvt.f32.s32 v15;
	v15 =	vmul.f32 v50, v28;
	[tilespmem:v31+s14+$0x0] =	vst.idx.add.s32.msk $0xffff, v3  }
0x50e: {  	v17 =	vmul.f32 v24, v28;
	v2 =	vtrunc.f32 v8;
	[tilespmem:v43+s14+$0x0] =	vst.idx.add.s32.msk $0xffff, v3  }
0x50f: {  	v8 =	vtrunc.f32 v9;
	v24 =	vtrunc.f32 v15;
	[tilespmem:v18+s14+$0x0] =	vst.idx.add.s32.msk $0xffff, v3  }
0x510: {  	v15 =	vcvt.f32.s32 v8;
	v8 =	vcvt.f32.s32 v24;
	v24 =	vld [tilespmem:s23+$0x400]  }
0x511: {  	v43 =	vld [tilespmem:s23+$0x460]  }
0x512: {  	[tilespmem:v7+s14+$0x0] =	vst.idx.add.s32.msk $0xffff, v3  }
0x513: {  	v14 =	vtrunc.f32 v14;
	v16 =	vtrunc.f32 v16;
	v7 =	vld [tilespmem:$0x1F8F0]  }
0x514: {  	v13 =	vtrunc.f32 v13;
	[tilespmem:v0+s14+$0x0] =	vst.idx.add.s32.msk $0xffff, v3;
	v0 =	vcvt.f32.s32 v5  }
0x515: {  	v10 =	vmul.f32 v10, v28;
	v11 =	vmul.f32 v11, v28;
	v5 =	vld [tilespmem:$0x1F8C0]  }
0x516: {  	v1 =	vcvt.f32.s32 v13;
	v13 =	vmul.f32 v63, v28;
	[tilespmem:v41+s14+$0x0] =	vst.idx.add.s32.msk $0xffff, v3  }
0x517: {  	v21 =	vmul.f32 v21, v28;
	v9 =	vtrunc.f32 v10;
	v41 =	vld [tilespmem:s23+$0x440]  }
0x518: {  	v10 =	vtrunc.f32 v11;
	v11 =	vtrunc.f32 v13;
	v50 =	vld [tilespmem:s28+$0x50]  }
0x519: {  	v12 =	vcvt.f32.s32 v10;
	v18 =	vmul.f32 v25, v28;
	v53 =	vld [tilespmem:s28+$0x400]  }
0x51a: {  	v4 =	vmul.f32 v4, v28;
	[tilespmem:v0+s14+$0x0] =	vst.idx.add.s32.msk $0xffff, v3;
	v0 =	vcvt.f32.s32 v54  }
0x51b: {  	v11 =	vcvt.f32.s32 v11;
	v6 =	vmul.f32 v6, v28;
	v48 =	vld [tilespmem:s28+$0x30]  }
0x51c: {  	v49 =	vld [tilespmem:s28+$0x40];
	v4 =	vtrunc.f32 v4;
	v45 =	vcvt.f32.s32 v56  }
0x51d: {  	v56 =	vcvt.f32.s32 v14;
	v14 =	vmul.f32 v35, v28;
	[tilespmem:v5+s14+$0x0] =	vst.idx.add.s32.msk $0xffff, v3  }
0x51e: {  	v7 =	vmul.f32 v7, v28;
	v13 =	vcvt.f32.s32 v4;
	v5 =	vld [tilespmem:$0x1F8D0]  }
0x51f: {  	[tilespmem:v15+s14+$0x0] =	vst.idx.add.s32.msk $0xffff, v3;
	v23 =	vtrunc.f32 v14;
	v14 =	vcvt.f32.s32 v9  }
0x520: {  	v46 =	vcvt.f32.s32 v57;
	[tilespmem:v0+s14+$0x0] =	vst.idx.add.s32.msk $0xffff, v3;
	v0 =	vmul.f32 v59, v28  }
0x521: {  	[tilespmem:v12+s14+$0x0] =	vst.idx.add.s32.msk $0xffff, v3;
	v57 =	vcvt.f32.s32 v16;
	v16 =	vmul.f32 v51, v28  }
0x522: {  	[tilespmem:v11+s14+$0x0] =	vst.idx.add.s32.msk $0xffff, v3;
	v28 =	vtrunc.f32 v17;
	v0 =	vtrunc.f32 v0  }
0x523: {  	[tilespmem:v8+s14+$0x0] =	vst.idx.add.s32.msk $0xffff, v3;
	v9 =	vcvt.f32.s32 v0;
	v0 =	vcvt.f32.s32 v28  }
0x524: {  	v31 =	vtrunc.f32 v18;
	[tilespmem:v13+s14+$0x0] =	vst.idx.add.s32.msk $0xffff, v3  }
0x525: {  	v20 =	vtrunc.f32 v20;
	v4 =	vld [tilespmem:s23+$0x30];
	[tilespmem:$0x1F950] =	vst v0;
	v0 =	vcvt.f32.s32 v31  }
0x526: {  	v20 =	vcvt.f32.s32 v20;
	v21 =	vtrunc.f32 v21;
	[tilespmem:v5+s14+$0x0] =	vst.idx.add.s32.msk $0xffff, v3  }
0x527: {  	v5 =	vld [tilespmem:s1+$0x13C00];
	[tilespmem:$0x1F9C0] =	vst v0;
	v0 =	vcvt.f32.s32 v21  }
0x528: {  	v33 =	vtrunc.f32 v33;
	v34 =	vtrunc.f32 v34;
	[tilespmem:v1+s14+$0x0] =	vst.idx.add.s32.msk $0xffff, v3  }
0x529: {  	v32 =	vtrunc.f32 v32;
	v38 =	vtrunc.f32 v38;
	[tilespmem:$0x1F9D0] =	vst v0;
	v0 =	vld [tilespmem:s23+$0x0]  }
0x52a: {  	v33 =	vcvt.f32.s32 v33;
	v19 =	vtrunc.f32 v19;
	v1 =	vld [tilespmem:s23+$0x10]  }
0x52b: {  	v25 =	vtrunc.f32 v16;
	v16 =	vcvt.f32.s32 v2;
	v2 =	vld [tilespmem:s23+$0x20]  }
0x52c: {  	v34 =	vcvt.f32.s32 v34;
	v19 =	vcvt.f32.s32 v19;
	[tilespmem:v20+s14+$0x0] =	vst.idx.add.s32.msk $0xffff, v3  }
0x52d: {  	v32 =	vcvt.f32.s32 v32;
	v38 =	vcvt.f32.s32 v38;
	[tilespmem:v22+s14+$0x0] =	vst.idx.add.s32.msk $0xffff, v3  }
0x52e: {  	v6 =	vtrunc.f32 v6;
	v10 =	vcvt.f32.s32 v23;
	v20 =	vld [tilespmem:s23+$0x40];
	v0 =	vsub.f32 v0, v30  }
0x52f: {  	v18 =	vcvt.f32.s32 v6;
	v7 =	vtrunc.f32 v7;
	v21 =	vld [tilespmem:s23+$0x50];
	v1 =	vsub.f32 v1, v30  }
0x530: {  	v2 =	vsub.f32 v2, v30;
	v17 =	vcvt.f32.s32 v7;
	v22 =	vld [tilespmem:s23+$0x60];
	v0 =	vmul.f32 v0, v29  }
0x531: {  	v4 =	vsub.f32 v4, v30;
	v23 =	vld [tilespmem:s23+$0x70];
	v7 =	vcvt.f32.s32 v25;
	v1 =	vmul.f32 v1, v29  }
0x532: {  	[tilespmem:v19+s14+$0x0] =	vst.idx.add.s32.msk $0xffff, v3;
	v19 =	vtrunc.f32 v0;
	v0 =	vmul.f32 v2, v29  }
0x533: {  	[tilespmem:v45+s14+$0x0] =	vst.idx.add.s32.msk $0xffff, v3;
	v2 =	vsub.f32 v20, v30;
	v20 =	vtrunc.f32 v1;
	v1 =	vmul.f32 v4, v29  }
0x534: {  	[tilespmem:v10+s14+$0x0] =	vst.idx.add.s32.msk $0xffff, v3;
	v4 =	vsub.f32 v21, v30;
	v12 =	vcvt.f32.s32 v19;
	v21 =	vtrunc.f32 v0  }
0x535: {  	v25 =	vld [tilespmem:s23+$0x410];
	v0 =	vmul.f32 v2, v29;
	v2 =	vsub.f32 v22, v30;
	v22 =	vtrunc.f32 v1  }
0x536: {  	v28 =	vld [tilespmem:s23+$0x420];
	v1 =	vmul.f32 v4, v29;
	v10 =	vcvt.f32.s32 v21  }
0x537: {  	v31 =	vld [tilespmem:s23+$0x430];
	v4 =	vsub.f32 v23, v30;
	v11 =	vcvt.f32.s32 v22;
	v23 =	vtrunc.f32 v0  }
0x538: {  	v45 =	vld [tilespmem:s28+$0x0];
	v0 =	vmul.f32 v2, v29;
	v2 =	vsub.f32 v24, v30;
	v24 =	vtrunc.f32 v1  }
0x539: {  	[tilespmem:v9+s14+$0x0] =	vst.idx.add.s32.msk $0xffff, v3;
	v1 =	vmul.f32 v4, v29;
	v9 =	vcvt.f32.s32 v23  }
0x53a: {  	v51 =	vld [tilespmem:s28+$0x60];
	v4 =	vsub.f32 v25, v30;
	v13 =	vcvt.f32.s32 v24;
	v25 =	vtrunc.f32 v0  }
0x53b: {  	v54 =	vld [tilespmem:s28+$0x410];
	v0 =	vmul.f32 v2, v29;
	v2 =	vsub.f32 v28, v30;
	v28 =	vtrunc.f32 v1  }
0x53c: {  	[tilespmem:v46+s14+$0x0] =	vst.idx.add.s32.msk $0xffff, v3;
	v1 =	vmul.f32 v4, v29;
	v4 =	vsub.f32 v31, v30;
	v8 =	vcvt.f32.s32 v25  }
0x53d: {  	[tilespmem:v33+s14+$0x0] =	vst.idx.add.s32.msk $0xffff, v3;
	v31 =	vtrunc.f32 v0;
	v0 =	vmul.f32 v2, v29  }
0x53e: {  	[tilespmem:v32+s14+$0x0] =	vst.idx.add.s32.msk $0xffff, v3;
	v2 =	vsub.f32 v41, v30;
	v32 =	vtrunc.f32 v1;
	v1 =	vmul.f32 v4, v29  }
0x53f: {  	[tilespmem:v7+s14+$0x0] =	vst.idx.add.s32.msk $0xffff, v3;
	v4 =	vsub.f32 v42, v30;
	v7 =	vcvt.f32.s32 v31;
	v19 =	vcvt.f32.s32 v32  }
0x540: {  	v46 =	vld [tilespmem:s28+$0x10];
	v33 =	vtrunc.f32 v0;
	v0 =	vmul.f32 v2, v29  }
0x541: {  	[tilespmem:v34+s14+$0x0] =	vst.idx.add.s32.msk $0xffff, v3;
	v2 =	vsub.f32 v43, v30;
	v34 =	vtrunc.f32 v1;
	v1 =	vmul.f32 v4, v29  }
0x542: {  	[tilespmem:v12+s14+$0x0] =	vst.idx.add.s32.msk $0xffff, v3;
	v4 =	vsub.f32 v44, v30;
	v12 =	vcvt.f32.s32 v33;
	v21 =	vcvt.f32.s32 v34  }
0x543: {  	v59 =	vld [tilespmem:s28+$0x460];
	v30 =	vtrunc.f32 v0;
	v0 =	vmul.f32 v2, v29  }
0x544: {  	v52 =	vld [tilespmem:s28+$0x70];
	v2 =	vsub.f32 v45, v27;
	v35 =	vtrunc.f32 v1;
	v1 =	vmul.f32 v4, v29  }
0x545: {  	[tilespmem:v37+s14+$0x0] =	vst.idx.add.s32.msk $0xffff, v3;
	v4 =	vsub.f32 v46, v27;
	v22 =	vcvt.f32.s32 v35;
	v29 =	vtrunc.f32 v0  }
0x546: {  	[tilespmem:v39+s14+$0x0] =	vst.idx.add.s32.msk $0xffff, v3;
	v0 =	vmul.f32 v2, v26;
	v36 =	vtrunc.f32 v1  }
0x547: {  	[tilespmem:v10+s14+$0x0] =	vst.idx.add.s32.msk $0xffff, v3;
	v2 =	vsub.f32 v47, v27;
	v1 =	vmul.f32 v4, v26;
	v10 =	vcvt.f32.s32 v29  }
0x548: {  	[tilespmem:v56+s14+$0x0] =	vst.idx.add.s32.msk $0xffff, v3;
	v4 =	vsub.f32 v48, v27;
	v23 =	vcvt.f32.s32 v36;
	v37 =	vtrunc.f32 v0  }
0x549: {  	[tilespmem:v38+s14+$0x0] =	vst.idx.add.s32.msk $0xffff, v3;
	v0 =	vmul.f32 v2, v26;
	v2 =	vsub.f32 v49, v27;
	v38 =	vtrunc.f32 v1  }
0x54a: {  	[tilespmem:v11+s14+$0x0] =	vst.idx.add.s32.msk $0xffff, v3;
	v1 =	vmul.f32 v4, v26;
	v4 =	vsub.f32 v50, v27;
	v11 =	vcvt.f32.s32 v37  }
0x54b: {  	[tilespmem:v57+s14+$0x0] =	vst.idx.add.s32.msk $0xffff, v3;
	v39 =	vtrunc.f32 v0;
	v0 =	vmul.f32 v2, v26  }
0x54c: {  	[tilespmem:v58+s14+$0x0] =	vst.idx.add.s32.msk $0xffff, v3;
	v2 =	vsub.f32 v51, v27;
	v40 =	vtrunc.f32 v1;
	v1 =	vmul.f32 v4, v26  }
0x54d: {  	[tilespmem:v61+s14+$0x0] =	vst.idx.add.s32.msk $0xffff, v3;
	v4 =	vsub.f32 v52, v27;
	v36 =	vcvt.f32.s32 v39;
	v34 =	vcvt.f32.s32 v40  }
0x54e: {  	v56 =	vld [tilespmem:s28+$0x430];
	v41 =	vtrunc.f32 v0;
	v0 =	vmul.f32 v2, v26  }
0x54f: {  	v57 =	vld [tilespmem:s28+$0x440];
	v2 =	vsub.f32 v53, v27;
	v42 =	vtrunc.f32 v1;
	v1 =	vmul.f32 v4, v26  }
0x550: {  	v58 =	vld [tilespmem:s28+$0x450];
	v4 =	vsub.f32 v54, v27;
	v35 =	vcvt.f32.s32 v41;
	v33 =	vcvt.f32.s32 v42  }
0x551: {  	[tilespmem:v62+s14+$0x0] =	vst.idx.add.s32.msk $0xffff, v3;
	v43 =	vtrunc.f32 v0;
	v0 =	vmul.f32 v2, v26  }
0x552: {  	s5 =	smov.u32 s25;
	s25 =	sor.u32 s6, s21;
	v51 =	vld [tilespmem:s28+$0x470];
	v2 =	vsub.f32 v55, v27;
	v44 =	vtrunc.f32 v1;
	v1 =	vmul.f32 v4, v26  }
0x553: {  	v61 =	vld [tilespmem:s25+$0x0];
	v4 =	vsub.f32 v56, v27;
	v32 =	vcvt.f32.s32 v43;
	v31 =	vcvt.f32.s32 v44  }
0x554: {  	v62 =	vld [tilespmem:s25+$0x10];
	v45 =	vtrunc.f32 v0;
	v0 =	vmul.f32 v2, v26;
	v2 =	vsub.f32 v57, v27  }
0x555: {  	v54 =	vld [tilespmem:s25+$0x20];
	v46 =	vtrunc.f32 v1;
	v1 =	vmul.f32 v4, v26;
	v4 =	vsub.f32 v58, v27  }
0x556: {  	v63 =	vld [tilespmem:s25+$0x30];
	v47 =	vtrunc.f32 v0;
	v0 =	vmul.f32 v2, v26;
	v2 =	vsub.f32 v59, v27  }
0x557: {  	v56 =	vld [tilespmem:s25+$0x40];
	v48 =	vtrunc.f32 v1;
	v1 =	vmul.f32 v4, v26;
	v4 =	vsub.f32 v51, v27  }
0x558: {  	v27 =	vsub.f32 v61, v60;
	v61 =	vld [tilespmem:s25+$0x50];
	v49 =	vtrunc.f32 v0;
	v0 =	vmul.f32 v2, v26  }
0x559: {  	v2 =	vsub.f32 v62, v60;
	v62 =	vld [tilespmem:s25+$0x60];
	v50 =	vtrunc.f32 v1;
	v1 =	vmul.f32 v4, v26  }
0x55a: {  	v4 =	vmul.f32 v27, v5;
	v26 =	vsub.f32 v54, v60;
	v27 =	vld [tilespmem:s25+$0x70];
	v51 =	vtrunc.f32 v0  }
0x55b: {  	v0 =	vmul.f32 v2, v5;
	v2 =	vsub.f32 v63, v60;
	v63 =	vld [tilespmem:s25+$0x400];
	v53 =	vtrunc.f32 v1  }
0x55c: {  	v52 =	vtrunc.f32 v4;
	v1 =	vmul.f32 v26, v5;
	v4 =	vsub.f32 v56, v60;
	v26 =	vld [tilespmem:s25+$0x410]  }
0x55d: {  	v57 =	vld [tilespmem:s25+$0x430];
	v29 =	vcvt.f32.s32 v46;
	v40 =	vcvt.f32.s32 v48  }
0x55e: {  	v58 =	vld [tilespmem:s25+$0x440];
	v55 =	vtrunc.f32 v1;
	v1 =	vmul.f32 v4, v5;
	v4 =	vsub.f32 v62, v60  }
0x55f: {  	v56 =	vld [tilespmem:s25+$0x420];
	v54 =	vtrunc.f32 v0;
	v0 =	vmul.f32 v2, v5;
	v27 =	vsub.f32 v27, v60  }
0x560: {  	v2 =	vsub.f32 v61, v60;
	v61 =	vld [tilespmem:s25+$0x450];
	v4 =	vmul.f32 v4, v5;
	v59 =	vsub.f32 v63, v60  }
0x561: {  	v62 =	vld [tilespmem:s25+$0x460];
	v6 =	vtrunc.f32 v0;
	v27 =	vmul.f32 v27, v5;
	v26 =	vsub.f32 v26, v60  }
0x562: {  	v63 =	vtrunc.f32 v4;
	v4 =	vmul.f32 v59, v5;
	v59 =	vld [tilespmem:s25+$0x470]  }
0x563: {  	[tilespmem:v18+s14+$0x0] =	vst.idx.add.s32.msk $0xffff, v3;
	v0 =	vtrunc.f32 v27;
	v26 =	vmul.f32 v26, v5;
	v27 =	vsub.f32 v57, v60  }
0x564: {  	[tilespmem:v14+s14+$0x0] =	vst.idx.add.s32.msk $0xffff, v3;
	v2 =	vmul.f32 v2, v5;
	v56 =	vsub.f32 v56, v60;
	v18 =	vtrunc.f32 v4  }
0x565: {  	[tilespmem:v17+s14+$0x0] =	vst.idx.add.s32.msk $0xffff, v3;
	v57 =	vtrunc.f32 v26;
	v17 =	vmul.f32 v27, v5;
	v26 =	vsub.f32 v61, v60  }
0x566: {  	v4 =	vmul.f32 v56, v5;
	v56 =	vsub.f32 v58, v60;
	v27 =	vsub.f32 v62, v60  }
0x567: {  	[tilespmem:v16+s14+$0x0] =	vst.idx.add.s32.msk $0xffff, v3;
	v15 =	vtrunc.f32 v17;
	v17 =	vmul.f32 v26, v5;
	v26 =	vsub.f32 v59, v60  }
0x568: {  	[tilespmem:v9+s14+$0x0] =	vst.idx.add.s32.msk $0xffff, v3;
	v16 =	vtrunc.f32 v4;
	v4 =	vmul.f32 v56, v5  }
0x569: {  	[tilespmem:v13+s14+$0x0] =	vst.idx.add.s32.msk $0xffff, v3;
	v14 =	vmul.f32 v27, v5;
	v5 =	vmul.f32 v26, v5  }
0x56a: {  	[tilespmem:v8+s14+$0x0] =	vst.idx.add.s32.msk $0xffff, v3;
	v39 =	vcvt.f32.s32 v49;
	v37 =	vcvt.f32.s32 v51  }
0x56b: {  	[tilespmem:v7+s14+$0x0] =	vst.idx.add.s32.msk $0xffff, v3;
	v27 =	vtrunc.f32 v5;
	v5 =	vcvt.f32.s32 v20  }
0x56c: {  	[tilespmem:v19+s14+$0x0] =	vst.idx.add.s32.msk $0xffff, v3;
	v25 =	vcvt.f32.s32 v53;
	v24 =	vcvt.f32.s32 v52  }
0x56d: {  	[tilespmem:v12+s14+$0x0] =	vst.idx.add.s32.msk $0xffff, v3;
	v19 =	vcvt.f32.s32 v55;
	v1 =	vtrunc.f32 v1  }
0x56e: {  	v12 =	vcvt.f32.s32 v6;
	v2 =	vtrunc.f32 v2;
	v20 =	vld [tilespmem:$0x1F950]  }
0x56f: {  	[tilespmem:v21+s14+$0x0] =	vst.idx.add.s32.msk $0xffff, v3;
	v26 =	vtrunc.f32 v14;
	v14 =	vcvt.f32.s32 v28  }
0x570: {  	[tilespmem:v22+s14+$0x0] =	vst.idx.add.s32.msk $0xffff, v3;
	v13 =	vcvt.f32.s32 v1;
	v9 =	vcvt.f32.s32 v2  }
0x571: {  	v1 =	vcvt.f32.s32 v63;
	[tilespmem:v5+s14+$0x0] =	vst.idx.add.s32.msk $0xffff, v3;
	v5 =	vcvt.f32.s32 v30  }
0x572: {  	p0 =	slt.u32 s30, $0x3C;
	[tilespmem:v10+s14+$0x0] =	vst.idx.add.s32.msk $0xffff, v3;
	v2 =	vcvt.f32.s32 v0;
	v8 =	vcvt.f32.s32 v18  }
.Ltmp2:
0x573: {  	[tilespmem:v23+s14+$0x0] =	vst.idx.add.s32.msk $0xffff, v3;
	v6 =	vcvt.f32.s32 v57;
	v7 =	vcvt.f32.s32 v16;
	(pc) =	sbr.rel @p0 .LBB2_7-.Ltmp2, $4  }
0x574: {  	[tilespmem:v11+s14+$0x0] =	vst.idx.add.s32.msk $0xffff, v3;
	v4 =	vtrunc.f32 v4;
	v17 =	vtrunc.f32 v17  }
0x575: {  	v28 =	vcvt.f32.s32 v47;
	[tilespmem:v14+s14+$0x0] =	vst.idx.add.s32.msk $0xffff, v3;
	v14 =	vcvt.f32.s32 v54  }
0x576: {  	v30 =	vcvt.f32.s32 v45;
	[tilespmem:v20+s14+$0x0] =	vst.idx.add.s32.msk $0xffff, v3;
	v20 =	vcvt.f32.s32 v38  }
0x577: {  	s12 =	smov.u32 s24;
	s4 =	rddreg [dreg:$0x5];
	v38 =	vcvt.f32.s32 v50;
	[tilespmem:v5+s14+$0x0] =	vst.idx.add.s32.msk $0xffff, v3;
	v5 =	vcvt.f32.s32 v15  }
0x578: {  	_ =	sdelay $0x3  }
0x579: {  	[tilespmem:v20+s14+$0x0] =	vst.idx.add.s32.msk $0xffff, v3  }
0x57a: {  	[tilespmem:v36+s14+$0x0] =	vst.idx.add.s32.msk $0xffff, v3  }
0x57b: {  	[tilespmem:v34+s14+$0x0] =	vst.idx.add.s32.msk $0xffff, v3  }
0x57c: {  	[tilespmem:v35+s14+$0x0] =	vst.idx.add.s32.msk $0xffff, v3  }
0x57d: {  	[tilespmem:v33+s14+$0x0] =	vst.idx.add.s32.msk $0xffff, v3  }
0x57e: {  	[tilespmem:v32+s14+$0x0] =	vst.idx.add.s32.msk $0xffff, v3  }
0x57f: {  	[tilespmem:v31+s14+$0x0] =	vst.idx.add.s32.msk $0xffff, v3  }
0x580: {  	[tilespmem:v30+s14+$0x0] =	vst.idx.add.s32.msk $0xffff, v3  }
0x581: {  	[tilespmem:v29+s14+$0x0] =	vst.idx.add.s32.msk $0xffff, v3  }
0x582: {  	[tilespmem:v28+s14+$0x0] =	vst.idx.add.s32.msk $0xffff, v3  }
0x583: {  	[tilespmem:v40+s14+$0x0] =	vst.idx.add.s32.msk $0xffff, v3  }
0x584: {  	[tilespmem:v39+s14+$0x0] =	vst.idx.add.s32.msk $0xffff, v3  }
0x585: {  	[tilespmem:v37+s14+$0x0] =	vst.idx.add.s32.msk $0xffff, v3  }
0x586: {  	[tilespmem:v25+s14+$0x0] =	vst.idx.add.s32.msk $0xffff, v3  }
0x587: {  	[tilespmem:v38+s14+$0x0] =	vst.idx.add.s32.msk $0xffff, v3  }
0x588: {  	v0 =	vld [tilespmem:$0x1F9C0];
	_ =	sdelay $0x7  }
0x589: {  	[tilespmem:v0+s14+$0x0] =	vst.idx.add.s32.msk $0xffff, v3  }
0x58a: {  	v0 =	vld [tilespmem:$0x1F9D0]  }
0x58b: {  	[tilespmem:v24+s14+$0x0] =	vst.idx.add.s32.msk $0xffff, v3  }
0x58c: {  	[tilespmem:v14+s14+$0x0] =	vst.idx.add.s32.msk $0xffff, v3  }
0x58d: {  	[tilespmem:v19+s14+$0x0] =	vst.idx.add.s32.msk $0xffff, v3  }
0x58e: {  	[tilespmem:v12+s14+$0x0] =	vst.idx.add.s32.msk $0xffff, v3  }
0x58f: {  	[tilespmem:v13+s14+$0x0] =	vst.idx.add.s32.msk $0xffff, v3  }
0x590: {  	[tilespmem:v9+s14+$0x0] =	vst.idx.add.s32.msk $0xffff, v3  }
0x591: {  	[tilespmem:v1+s14+$0x0] =	vst.idx.add.s32.msk $0xffff, v3  }
0x592: {  	v1 =	vcvt.f32.s32 v17;
	[tilespmem:v2+s14+$0x0] =	vst.idx.add.s32.msk $0xffff, v3  }
0x593: {  	[tilespmem:v0+s14+$0x0] =	vst.idx.add.s32.msk $0xffff, v3;
	v0 =	vcvt.f32.s32 v4  }
0x594: {  	[tilespmem:v8+s14+$0x0] =	vst.idx.add.s32.msk $0xffff, v3  }
0x595: {  	[tilespmem:v6+s14+$0x0] =	vst.idx.add.s32.msk $0xffff, v3  }
0x596: {  	[tilespmem:v7+s14+$0x0] =	vst.idx.add.s32.msk $0xffff, v3  }
0x597: {  	[tilespmem:v5+s14+$0x0] =	vst.idx.add.s32.msk $0xffff, v3  }
0x598: {  	[tilespmem:v1+s14+$0x0] =	vst.idx.add.s32.msk $0xffff, v3  }
0x599: {  	[tilespmem:v0+s14+$0x0] =	vst.idx.add.s32.msk $0xffff, v3  }
0x59a: {  	v2 =	vcvt.f32.s32 v26;
	s0 =	rddreg [dreg:$0xe]  }
0x59b: {  	v4 =	vcvt.f32.s32 v27;
	s0 =	sadd.s32 $0x1, s0  }
0x59c: {  	p0 =	sne.s32 s0, $0x10  }
.Ltmp3:
0x59d: {  	_ = 	snop;
	(pc) =	sbr.rel @p0 .LBB2_4-.Ltmp3, $3  }
0x59e: {  	_ =	sdelay $0x1  }
0x59f: {  	[tilespmem:v2+s14+$0x0] =	vst.idx.add.s32.msk $0xffff, v3  }
0x5a0: {  	[tilespmem:v4+s14+$0x0] =	vst.idx.add.s32.msk $0xffff, v3  }
0x5a1: {  	s0 =	rddreg [dreg:$0xb]  }
0x5a2: {  	s1 =	simm.s32 $0x80;
	s2 =	simm.s32 $0x400;
	s3 =	simm.s32 $0x3  }
0x5a3: {  	[hbm4b:s0+s1] =	stream.strided.scatter [tilespmem:s14], [sflag:$0x3], $0x1C00, s2, s1, $0x38;
	[tilespmem:$0x15C00] =	vst v63  }
0x5a4: {  	_ =	swait.ge [sflag:s3], $0x1C00  }
0x5a5: {  	s30 =	rddreg [dreg:$0xd]  }
0x5a6: {  	s31 =	rddreg [dreg:$0xc];
	s1 =	sadd.s32 $0x1, s30  }
0x5a7: {  	p0 =	sne.s32 s1, s31  }
.Ltmp4:
0x5a8: {  	_ = 	snop;
	(pc) =	sbr.rel @p0 .LBB2_1-.Ltmp4, $3  }
0x5a9: {  	_ =	sdelay $0x1  }
0x5aa: {  	[sflag:s3] =	ssyncset.done $0x0  }
0x5ab: {  	v0 =	vimm.s32 $0x0;
	[sflag:s3] =	ssyncadd.s32 $0xFFFFE400  }
0x5ac: {  	_ =	sfence.sel $0x180000  }
0x5ad: {  	[bflag:$0x0] =	sbarrier.arrive $0xFFFF  }
0x5ae: {  	_ =	strace $0x90000047  }
0x5af: {  	s0 =	stileid.u32;
	[bflag:$0x2] =	sbarrier.arrive $0xFFFF  }
0x5b0: {  	p0 =	sne.s32 s0, $0x0;
	s0 =	rddreg [dreg:$0x3]  }
0x5b1: {  	s0 =	sadd.s32 @!p0 $0x100000, s0  }
0x5b2: {  	[sflag:s0] =	ssyncadd.tile.s32 @!p0 $0x1;
	_ =	shalt  }
.Lfunc_end2:
_tile_overlayer_lowered:
.L_overlay_start_2:
0x5b3: {  	(tag) =	ssettag $0x2  }
0x5b4: {  	s0 =	rddreg [dreg:$0x0];
	s2 =	stileid.u32  }
0x5b5: {  	s1 =	rddreg [dreg:$0x1];
	p0 =	sne.s32 s2, $0x0  }
0x5b6: {  	s3 =	rddreg [dreg:$0x2];
	[bflag:$0x3] =	sbarrier.arrive $0xFFFF;
	s2 =	simm.s32 @!p0 $0x1C03  }
0x5b7: {  	[timem:s3], [sflag:s2] =	dma.local @!p0 [hbm:s0], s1  }
0x5b8: {  	s0 =	simm.s32 @!p0 $0x3  }
0x5b9: {  	_ =	swait.ge @!p0 [sflag:s0], s1  }
0x5ba: {  	s1 =	ssub.s32 @!p0 $0x0, s1;
	[sflag:s0] =	ssyncset.done @!p0 $0x0  }
0x5bb: {  	[sflag:s0] =	ssyncadd.s32 @!p0 s1  }
0x5bc: {  	[bflag:$0x3] =	sbarrier.arrive $0xFFFF  }
0x5bd: {  	_ =	shalt  }

</sc_bundles>
